<compile_context>
chip_gen: v7x
topology: tpu7x:2x2x1
jax: 0.10.2.dev20260603
libtpu: 0.0.44.dev20260713+nightly
codegen_flags: <defaults>
</compile_context>

<pallas_src>
import functools

import jax
import jax.numpy as jnp
import numpy as np
from jax import lax
from jax.experimental import pallas as pl
from jax.experimental.pallas import tpu as pltpu
from jax.experimental.pallas import tpu_sc as plsc

_POINTS = 120
_ROWS = 4704
_COLS = 4096
_N = _ROWS * _COLS
_RB = 96
_GRID = _ROWS // _RB

_NW = 32
_WPW = _N // _NW
_CHUNK = 12288
_NCHUNK = _WPW // _CHUNK

_EPS_SP = float(np.spacing(np.finfo(np.float32).eps))
_FINE = 128



def _minmax_body(x_ref, out_ref, acc_ref):
    i = pl.program_id(0)
    x = x_ref[...]
    bmn = jnp.min(x, axis=0, keepdims=True)
    bmx = jnp.max(x, axis=0, keepdims=True)

    @pl.when(i == 0)
    def _():
        acc_ref[0:1, :] = bmn
        acc_ref[1:2, :] = bmx

    @pl.when(i > 0)
    def _():
        acc_ref[0:1, :] = jnp.minimum(acc_ref[0:1, :], bmn)
        acc_ref[1:2, :] = jnp.maximum(acc_ref[1:2, :], bmx)

    @pl.when(i == _GRID - 1)
    def _():
        gmn = jnp.min(acc_ref[0:1, :])
        gmx = jnp.max(acc_ref[1:2, :])
        out_ref[0:1, :] = jnp.full((1, 128), gmn, jnp.float32)
        out_ref[1:2, :] = jnp.full((1, 128), gmx, jnp.float32)


def _minmax(x2d):
    return pl.pallas_call(
        _minmax_body,
        grid=(_GRID,),
        in_specs=[pl.BlockSpec((_RB, _COLS), lambda i: (i, 0))],
        out_specs=pl.BlockSpec((2, 128), lambda i: (0, 0)),
        out_shape=jax.ShapeDtypeStruct((2, 128), jnp.float32),
        scratch_shapes=[pltpu.VMEM((2, _COLS), jnp.float32)],
    )(x2d)



_UNROLL = 16


def _sc_hist_body(data_hbm, scal_hbm, out_hbm, buf0, buf1, hist, scal_v, orow, sem0, sem1):
    wid = lax.axis_index("c") * 16 + lax.axis_index("s")
    base = wid * _WPW

    pltpu.sync_copy(scal_hbm, scal_v)
    c2v = scal_v[pl.ds(0, 16)]
    d2v = scal_v[pl.ds(16, 16)]

    zero16 = jnp.zeros((16,), jnp.int32)
    for h in range(128):
        hist[pl.ds(h * 16, 16)] = zero16

    ones16 = jnp.ones((16,), jnp.int32)
    laneb_f = (lax.iota(jnp.int32, 16) * 128).astype(jnp.float32)
    d2s = d2v + laneb_f
    bndv = laneb_f + float(_POINTS - 1)

    def _compute(buf):
        def body(v):
            x = buf[pl.ds(v * 16, 16)]
            u = jnp.minimum(x * c2v + d2s, bndv)
            plsc.addupdate_scatter(hist, [u.astype(jnp.int32)], ones16)
        plsc.parallel_loop(0, _CHUNK // 16, 1, unroll=_UNROLL)(body)

    def _wait(buf, sem):
        pltpu.make_async_copy(data_hbm.at[pl.ds(0, _CHUNK)], buf, sem).wait()

    pltpu.async_copy(data_hbm.at[pl.ds(base, _CHUNK)], buf0, sem0)
    pltpu.async_copy(data_hbm.at[pl.ds(base + _CHUNK, _CHUNK)], buf1, sem1)

    def outer(ci, carry):
        k0 = 2 * ci
        _wait(buf0, sem0)
        _compute(buf0)

        @pl.when(k0 + 2 < _NCHUNK)
        def _():
            pltpu.async_copy(
                data_hbm.at[pl.ds(base + (k0 + 2) * _CHUNK, _CHUNK)], buf0, sem0)

        _wait(buf1, sem1)
        _compute(buf1)

        @pl.when(k0 + 3 < _NCHUNK)
        def _():
            pltpu.async_copy(
                data_hbm.at[pl.ds(base + (k0 + 3) * _CHUNK, _CHUNK)], buf1, sem1)

        return carry

    lax.fori_loop(0, _NCHUNK // 2, outer, 0)
    if _NCHUNK % 2:
        _wait(buf0, sem0)
        _compute(buf0)

    for j in range(8):
        acc = hist[pl.ds(j * 16, 16)]
        for r in range(1, 16):
            acc = acc + hist[pl.ds(r * 128 + j * 16, 16)]
        orow[pl.ds(j * 16, 16)] = acc

    pltpu.sync_copy(orow, out_hbm.at[wid])


@functools.cache
def _get_sc_hist():
    mesh = plsc.VectorSubcoreMesh(
        core_axis_name="c", subcore_axis_name="s", num_cores=2, num_subcores=16
    )
    return pl.kernel(
        _sc_hist_body,
        out_type=jax.ShapeDtypeStruct((_NW, 128), jnp.int32),
        mesh=mesh,
        compiler_params=pltpu.CompilerParams(needs_layout_passes=False),
        scratch_types=[
            pltpu.VMEM((_CHUNK,), jnp.float32),
            pltpu.VMEM((_CHUNK,), jnp.float32),
            pltpu.VMEM((16 * 128,), jnp.int32),
            pltpu.VMEM((48,), jnp.float32),
            pltpu.VMEM((128,), jnp.int32),
            pltpu.SemaphoreType.DMA,
            pltpu.SemaphoreType.DMA,
        ],
    )


def _sc_hist(data1d, scal48):
    return _get_sc_hist()(data1d, scal48)



def _transform_body(x_ref, hist_ref, scal_ref, par_ref, out_ref, tab_ref):
    i = pl.program_id(0)

    c = scal_ref[0]
    dmin = scal_ref[1]
    invw = scal_ref[2]
    spatio = scal_ref[3]

    @pl.when(i == 0)
    def _():
        hist_i = hist_ref[...]
        hcnt = jnp.sum(hist_i, axis=0, keepdims=True)
        r2 = lax.broadcasted_iota(jnp.int32, (128, 128), 0)
        l2 = lax.broadcasted_iota(jnp.int32, (128, 128), 1)
        hcnt_b = jnp.broadcast_to(hcnt, (128, 128))
        cum_col = jnp.sum(
            jnp.where((l2 <= r2) & (l2 < _POINTS), hcnt_b, 0),
            axis=1, keepdims=True)
        total = jnp.max(cum_col).astype(jnp.float32)
        accum_col = cum_col.astype(jnp.float32) * ((_POINTS - 1) / total)

        acc_b = jnp.broadcast_to(accum_col, (128, 128))
        acc_row = jnp.sum(jnp.where(r2 == l2, acc_b, 0.0),
                          axis=0, keepdims=True)
        acc_row8 = jnp.broadcast_to(acc_row, (8, 128))

        io_row8 = lax.broadcasted_iota(jnp.int32, (8, 128), 1)
        idxp1 = jnp.minimum(io_row8 + 1, _POINTS - 1)
        acc1_row8 = jnp.take_along_axis(acc_row8, idxp1, axis=1)

        tf = io_row8.astype(jnp.float32)
        ssum = jnp.sum(
            jnp.where((acc_b <= l2.astype(jnp.float32)) & (r2 < _POINTS), 1, 0),
            axis=0, keepdims=True)
        it = jnp.broadcast_to(jnp.clip(ssum, 1, _POINTS - 1), (8, 128))
        a1 = jnp.take_along_axis(acc_row8, it, axis=1)
        a0 = jnp.take_along_axis(acc_row8, it - 1, axis=1)
        dxv = a1 - a0
        dx0 = jnp.abs(dxv) <= _EPS_SP
        safe = jnp.where(dx0, 1.0, dxv)
        accum0 = jnp.sum(jnp.where((r2 == 0) & (l2 == 0), acc_b, 0.0))
        accum_last = jnp.max(accum_col)

        pt_row8 = jnp.broadcast_to(par_ref[0:1, :], (8, 128))
        pv_row8 = jnp.broadcast_to(par_ref[1:2, :], (8, 128))
        io1_row = lax.broadcasted_iota(jnp.int32, (1, 128), 1)
        pt0_s = jnp.sum(jnp.where(io1_row == 0, par_ref[0:1, :], 0.0))
        ptl_s = jnp.sum(jnp.where(io1_row == _POINTS - 1, par_ref[0:1, :], 0.0))
        pv0_s = jnp.sum(jnp.where(io1_row == 0, par_ref[1:2, :], 0.0))
        pvl_s = jnp.sum(jnp.where(io1_row == _POINTS - 1, par_ref[1:2, :], 0.0))

        def frame(p_row8, p0_s, pl_s):
            p1 = jnp.take_along_axis(p_row8, it, axis=1)
            p0 = jnp.take_along_axis(p_row8, it - 1, axis=1)
            f = jnp.where(dx0, p0, p0 + (tf - a0) / safe * (p1 - p0))
            f = jnp.where(tf < accum0, p0_s, f)
            f = jnp.where(tf > accum_last, pl_s, f)
            return f

        fth = frame(pt_row8, pt0_s, ptl_s)
        fve = frame(pv_row8, pv0_s, pvl_s)
        fth1 = jnp.take_along_axis(fth, idxp1, axis=1)
        fve1 = jnp.take_along_axis(fve, idxp1, axis=1)

        def tak8(tab, idx):
            return jnp.take_along_axis(tab, idx, axis=1,
                                       mode="promise_in_bounds")

        def eval_exact(dk):
            ugk = (dk - dmin) * invw - 0.5
            jk = jnp.clip(ugk.astype(jnp.int32), 0, _POINTS - 2)
            tgk = jnp.clip(ugk - jk.astype(jnp.float32), 0.0, 1.0)
            av0 = tak8(acc_row8, jk)
            av1 = tak8(acc1_row8, jk)
            idx = av0 + tgk * (av1 - av0)
            bk = jnp.minimum(idx.astype(jnp.int32), _POINTS - 1)
            posk = idx - bk.astype(jnp.float32)
            thk = ((1.0 - posk) * tak8(fth, bk) + posk * tak8(fth1, bk))
            vek = ((1.0 - posk) * tak8(fve, bk) + posk * tak8(fve1, bk))
            dsk = vek * 0.01
            return dsk * jnp.sin(thk), dsk * jnp.cos(thk)

        cw = (1.0 / invw) * (float(_POINTS) / _FINE)
        kf2 = lax.broadcasted_iota(jnp.int32, (8, 128), 1).astype(jnp.float32)
        dy0, dx0 = eval_exact(dmin + kf2 * cw)
        dy1, dx1 = eval_exact(dmin + (kf2 + 1.0) * cw)

        def pack(v0, v1):
            b0 = lax.bitcast_convert_type(v0, jnp.int32)
            b1 = lax.bitcast_convert_type(v1 - v0, jnp.int32)
            mask = jnp.int32(-65536)
            return (b0 & mask) | lax.shift_right_logical(b1, 16)

        tab_ref[0] = jnp.broadcast_to(pack(dy0, dy1)[0:1, :], (_RB, 128))
        tab_ref[1] = jnp.broadcast_to(pack(dx0, dx1)[0:1, :], (_RB, 128))

    def tak(tab, idx):
        return jnp.take_along_axis(tab, idx, axis=1, mode="promise_in_bounds")

    def unpack(g):
        mask = jnp.int32(-65536)
        v0 = lax.bitcast_convert_type(g & mask, jnp.float32)
        v1 = lax.bitcast_convert_type(lax.shift_left(g, 16), jnp.float32)
        return v0, v1

    x = x_ref[...]
    d = x * c
    u = (d - dmin) * (invw * (_FINE / float(_POINTS)))
    k = jnp.minimum(u.astype(jnp.int32), _FINE - 1)
    frac = u - k.astype(jnp.float32)
    dy0v, dysv = unpack(tak(tab_ref[0], k))
    dx0v, dxsv = unpack(tak(tab_ref[1], k))
    dyd = dy0v + frac * dysv
    dxd = dx0v + frac * dxsv
    out_ref[...] = (d * (1.0 + dyd) + dxd) * spatio


def _transform(x2d, hist, scal, par):
    return pl.pallas_call(
        _transform_body,
        grid=(_GRID,),
        in_specs=[
            pl.BlockSpec((_RB, _COLS), lambda i: (i, 0)),
            pl.BlockSpec((_NW, 128), lambda i: (0, 0)),
            pl.BlockSpec(memory_space=pltpu.SMEM),
            pl.BlockSpec((2, 128), lambda i: (0, 0)),
        ],
        out_specs=pl.BlockSpec((_RB, _COLS), lambda i: (i, 0)),
        out_shape=jax.ShapeDtypeStruct((_ROWS, _COLS), jnp.float32),
        scratch_shapes=[pltpu.VMEM((2, _RB, 128), jnp.int32)],
    )(x2d, hist, scal, par)



def kernel(data, params, channel_transform, spatio_transform):
    shape = data.shape
    x2d = data.reshape(_ROWS, _COLS)

    mm = _minmax(x2d)
    mn = mm[0, 0]
    mx = mm[1, 0]

    c = channel_transform.reshape(())
    spatio = spatio_transform.reshape(())
    dmin = jnp.where(c >= 0, c * mn, c * mx)
    dmax = jnp.where(c >= 0, c * mx, c * mn)
    width = (dmax - dmin) / _POINTS
    invw = 1.0 / width

    scal48 = jnp.concatenate([
        jnp.full((16,), c * invw, jnp.float32),
        jnp.full((16,), -dmin * invw, jnp.float32),
        jnp.full((16,), 0.0, jnp.float32),
    ])
    hist = _sc_hist(data.reshape(_N), scal48)

    scal4 = jnp.stack([c, dmin, invw, spatio]).astype(jnp.float32)
    par = jnp.pad(params.reshape(2, _POINTS), ((0, 0), (0, 128 - _POINTS)))
    out2d = _transform(x2d, hist, scal4, par)
    return out2d.reshape(shape)

# --- scband reference (transcript-rebuilt; emitter-appended) ---
"""Pipeline reference for scband-foil-32719060861633 (READ-ONLY COPY).

The authoritative reference and input builder live on the scoring server;
editing this copy changes nothing except your own understanding.
"""

import jax, jax.numpy as jnp
import numpy as np

POINTS = 120
GROUPS = 1


def _foilize_curve(param_1d, data_flat, points):
    # histogram of the (detached) data, matching torch's .item()-detached range
    dsg = jax.lax.stop_gradient(data_flat)
    dmin = jnp.min(dsg)
    dmax = jnp.max(dsg)
    edges = jnp.linspace(dmin, dmax, points + 1)
    width = (dmax - dmin) / points
    bin_idx = jnp.clip(jnp.floor((dsg - dmin) / width).astype(jnp.int32), 0, points - 1)
    hist = jnp.zeros((points,), dtype=jnp.float32).at[bin_idx].add(1.0)
    prob = hist / jnp.sum(hist)
    accum = jnp.cumsum(prob) * (points - 1)
    grid = (edges[1:] + edges[:-1]) / 2.0
    # index of each data point in equalized (CDF) space
    index = jnp.interp(data_flat, grid, accum)
    # param curve resampled uniformly in CDF space
    frame = jnp.interp(jnp.arange(points, dtype=jnp.float32), accum, param_1d)
    begin = jnp.clip(jnp.floor(index).astype(jnp.int32), 0, points - 1)
    pos = index - begin.astype(data_flat.dtype)
    end = jnp.clip(begin + 1, 0, points - 1)
    return (1.0 - pos) * frame[begin] + pos * frame[end]


def _forward(data, params, channel_transform, spatio_transform):
    shape = data.shape
    points = params.shape[-1]
    groups = params.shape[1]
    d = data * channel_transform
    trunk = []
    for ix in range(groups):
        flat = d[:, ix::groups].reshape(-1)
        theta = _foilize_curve(params[0, ix], flat, points)
        velo = _foilize_curve(params[1, ix], flat, points)
        ds = velo * 0.01
        dx = ds * jnp.cos(theta)
        dy = ds * jnp.sin(theta)
        trunk.append(flat * (1.0 + dy) + dx)
    out = jnp.concatenate(trunk, axis=0)
    out = out * spatio_transform.reshape(())
    return out.reshape(shape)


def setup_inputs(seed: int = 0) -> dict:
    key = jax.random.key(seed)
    k1, k2, k3 = jax.random.split(key, 3)
    data = jax.random.uniform(k1, (4, 96, 224, 224), dtype=jnp.float32)
    theta = jnp.linspace(0.0, 2.0 * jnp.pi, POINTS, dtype=jnp.float32).reshape(1, 1, POINTS)
    theta = jnp.concatenate([theta for _ in range(GROUPS)], axis=1)
    velocity = jnp.linspace(0.0, 1.0, POINTS, dtype=jnp.float32).reshape(1, 1, POINTS)
    velocity = jnp.concatenate([velocity for _ in range(GROUPS)], axis=1)
    params = jnp.concatenate([theta, velocity], axis=0)  # [2, GROUPS, POINTS]
    channel_transform = jax.random.normal(k2, (1, 1, 1, 1), dtype=jnp.float32)
    spatio_transform = jax.random.normal(k3, (1, 1, 1, 1), dtype=jnp.float32)
    return {
        "data": data,
        "params": params,
        "channel_transform": channel_transform,
        "spatio_transform": spatio_transform,
    }


def reference(data, params, channel_transform, spatio_transform):
    return _forward(data, params, channel_transform, spatio_transform)

if __name__ == "__main__":
    import jax
    _d = setup_inputs()
    print(jax.jit(kernel)(*tuple(_d.values())))

</pallas_src>

<mosaic_0001>
#map = affine_map<(d0, d1) -> (0)>
#map1 = affine_map<(d0, d1) -> (0, 0)>
module attributes {stable_mosaic.version = 14 : i64} {
  func.func @_sc_hist_body(%arg0: i32, %arg1: i32, %arg2: memref<19267584xf32, #tpu.memory_space<hbm>>, %arg3: memref<48xf32, #tpu.memory_space<hbm>>, %arg4: memref<32x128xi32, #tpu.memory_space<hbm>>, %arg5: memref<12288xf32, #tpu.memory_space<vmem>>, %arg6: memref<12288xf32, #tpu.memory_space<vmem>>, %arg7: memref<2048xi32, #tpu.memory_space<vmem>>, %arg8: memref<48xf32, #tpu.memory_space<vmem>>, %arg9: memref<128xi32, #tpu.memory_space<vmem>>, %arg10: memref<!tpu.dma_semaphore, #tpu.memory_space<semaphore_mem>>, %arg11: memref<!tpu.dma_semaphore, #tpu.memory_space<semaphore_mem>>) attributes {dimension_semantics = [#tpu.dimension_semantics<core_parallel>, #tpu.dimension_semantics<subcore_parallel>], iteration_bounds = array<i64: 2, 16>, scalar_prefetch = 0 : i64, scratch_operands = 7 : i64, tpu.core_type = #tpu.core_type<sc_vector_subcore>, window_params = [{transform_indices = #map}, {transform_indices = #map}, {transform_indices = #map1}]} {
    %mul3A = arith.constant 16 : i32
    %mul3A_0 = arith.muli %arg0, %mul3A : i32
    %add3A = arith.addi %mul3A_0, %arg1 : i32
    %mul3A_1 = arith.constant 602112 : i32
    %mul3A_2 = arith.muli %add3A, %mul3A_1 : i32
    "tpu.region"() ({
      %run_scoped3A = tpu.sem_alloc : memref<!tpu.dma_semaphore, #tpu.memory_space<semaphore_mem>>
      tpu.enqueue_dma source(%arg3 : memref<48xf32, #tpu.memory_space<hbm>>) target(%arg8 : memref<48xf32, #tpu.memory_space<vmem>>) target_semaphore(%run_scoped3A : memref<!tpu.dma_semaphore, #tpu.memory_space<semaphore_mem>>)
      tpu.wait_dma2 semaphore(%run_scoped3A : memref<!tpu.dma_semaphore, #tpu.memory_space<semaphore_mem>>) src(%arg3 : memref<48xf32, #tpu.memory_space<hbm>>) dst(%arg8 : memref<48xf32, #tpu.memory_space<vmem>>)
      tpu.yield
    }) : () -> ()
    %get3A = arith.constant 0 : index
    %get3A_3 = tpu.vector_load %arg8[%get3A] {strides = array<i32>} : memref<48xf32, #tpu.memory_space<vmem>>, vector<16xf32>,
    %get3A_4 = arith.constant 16 : index
    %get3A_5 = tpu.vector_load %arg8[%get3A_4] {strides = array<i32>} : memref<48xf32, #tpu.memory_space<vmem>>, vector<16xf32>,
    %broadcast_in_dim3A = arith.constant 0 : i32
    %broadcast_in_dim3A_6 = vector.broadcast %broadcast_in_dim3A : i32 to vector<16xi32>
    %swap3A = arith.constant 0 : index
    %swap3A_7 = tpu.vector_load %arg7[%swap3A] {strides = array<i32>} : memref<2048xi32, #tpu.memory_space<vmem>>, vector<16xi32>,
    tpu.vector_store %arg7[%swap3A], %broadcast_in_dim3A_6 {strides = array<i32>} : memref<2048xi32, #tpu.memory_space<vmem>>, vector<16xi32>,
    %swap3A_8 = arith.constant 16 : index
    %swap3A_9 = tpu.vector_load %arg7[%swap3A_8] {strides = array<i32>} : memref<2048xi32, #tpu.memory_space<vmem>>, vector<16xi32>,
    tpu.vector_store %arg7[%swap3A_8], %broadcast_in_dim3A_6 {strides = array<i32>} : memref<2048xi32, #tpu.memory_space<vmem>>, vector<16xi32>,
    %swap3A_10 = arith.constant 32 : index
    %swap3A_11 = tpu.vector_load %arg7[%swap3A_10] {strides = array<i32>} : memref<2048xi32, #tpu.memory_space<vmem>>, vector<16xi32>,
    tpu.vector_store %arg7[%swap3A_10], %broadcast_in_dim3A_6 {strides = array<i32>} : memref<2048xi32, #tpu.memory_space<vmem>>, vector<16xi32>,
    %swap3A_12 = arith.constant 48 : index
    %swap3A_13 = tpu.vector_load %arg7[%swap3A_12] {strides = array<i32>} : memref<2048xi32, #tpu.memory_space<vmem>>, vector<16xi32>,
    tpu.vector_store %arg7[%swap3A_12], %broadcast_in_dim3A_6 {strides = array<i32>} : memref<2048xi32, #tpu.memory_space<vmem>>, vector<16xi32>,
    %swap3A_14 = arith.constant 64 : index
    %swap3A_15 = tpu.vector_load %arg7[%swap3A_14] {strides = array<i32>} : memref<2048xi32, #tpu.memory_space<vmem>>, vector<16xi32>,
    tpu.vector_store %arg7[%swap3A_14], %broadcast_in_dim3A_6 {strides = array<i32>} : memref<2048xi32, #tpu.memory_space<vmem>>, vector<16xi32>,
    %swap3A_16 = arith.constant 80 : index
    %swap3A_17 = tpu.vector_load %arg7[%swap3A_16] {strides = array<i32>} : memref<2048xi32, #tpu.memory_space<vmem>>, vector<16xi32>,
    tpu.vector_store %arg7[%swap3A_16], %broadcast_in_dim3A_6 {strides = array<i32>} : memref<2048xi32, #tpu.memory_space<vmem>>, vector<16xi32>,
    %swap3A_18 = arith.constant 96 : index
    %swap3A_19 = tpu.vector_load %arg7[%swap3A_18] {strides = array<i32>} : memref<2048xi32, #tpu.memory_space<vmem>>, vector<16xi32>,
    tpu.vector_store %arg7[%swap3A_18], %broadcast_in_dim3A_6 {strides = array<i32>} : memref<2048xi32, #tpu.memory_space<vmem>>, vector<16xi32>,
    %swap3A_20 = arith.constant 112 : index
    %swap3A_21 = tpu.vector_load %arg7[%swap3A_20] {strides = array<i32>} : memref<2048xi32, #tpu.memory_space<vmem>>, vector<16xi32>,
    tpu.vector_store %arg7[%swap3A_20], %broadcast_in_dim3A_6 {strides = array<i32>} : memref<2048xi32, #tpu.memory_space<vmem>>, vector<16xi32>,
    %swap3A_22 = arith.constant 128 : index
    %swap3A_23 = tpu.vector_load %arg7[%swap3A_22] {strides = array<i32>} : memref<2048xi32, #tpu.memory_space<vmem>>, vector<16xi32>,
    tpu.vector_store %arg7[%swap3A_22], %broadcast_in_dim3A_6 {strides = array<i32>} : memref<2048xi32, #tpu.memory_space<vmem>>, vector<16xi32>,
    %swap3A_24 = arith.constant 144 : index
    %swap3A_25 = tpu.vector_load %arg7[%swap3A_24] {strides = array<i32>} : memref<2048xi32, #tpu.memory_space<vmem>>, vector<16xi32>,
    tpu.vector_store %arg7[%swap3A_24], %broadcast_in_dim3A_6 {strides = array<i32>} : memref<2048xi32, #tpu.memory_space<vmem>>, vector<16xi32>,
    %swap3A_26 = arith.constant 160 : index
    %swap3A_27 = tpu.vector_load %arg7[%swap3A_26] {strides = array<i32>} : memref<2048xi32, #tpu.memory_space<vmem>>, vector<16xi32>,
    tpu.vector_store %arg7[%swap3A_26], %broadcast_in_dim3A_6 {strides = array<i32>} : memref<2048xi32, #tpu.memory_space<vmem>>, vector<16xi32>,
    %swap3A_28 = arith.constant 176 : index
    %swap3A_29 = tpu.vector_load %arg7[%swap3A_28] {strides = array<i32>} : memref<2048xi32, #tpu.memory_space<vmem>>, vector<16xi32>,
    tpu.vector_store %arg7[%swap3A_28], %broadcast_in_dim3A_6 {strides = array<i32>} : memref<2048xi32, #tpu.memory_space<vmem>>, vector<16xi32>,
    %swap3A_30 = arith.constant 192 : index
    %swap3A_31 = tpu.vector_load %arg7[%swap3A_30] {strides = array<i32>} : memref<2048xi32, #tpu.memory_space<vmem>>, vector<16xi32>,
    tpu.vector_store %arg7[%swap3A_30], %broadcast_in_dim3A_6 {strides = array<i32>} : memref<2048xi32, #tpu.memory_space<vmem>>, vector<16xi32>,
    %swap3A_32 = arith.constant 208 : index
    %swap3A_33 = tpu.vector_load %arg7[%swap3A_32] {strides = array<i32>} : memref<2048xi32, #tpu.memory_space<vmem>>, vector<16xi32>,
    tpu.vector_store %arg7[%swap3A_32], %broadcast_in_dim3A_6 {strides = array<i32>} : memref<2048xi32, #tpu.memory_space<vmem>>, vector<16xi32>,
    %swap3A_34 = arith.constant 224 : index
    %swap3A_35 = tpu.vector_load %arg7[%swap3A_34] {strides = array<i32>} : memref<2048xi32, #tpu.memory_space<vmem>>, vector<16xi32>,
    tpu.vector_store %arg7[%swap3A_34], %broadcast_in_dim3A_6 {strides = array<i32>} : memref<2048xi32, #tpu.memory_space<vmem>>, vector<16xi32>,
    %swap3A_36 = arith.constant 240 : index
    %swap3A_37 = tpu.vector_load %arg7[%swap3A_36] {strides = array<i32>} : memref<2048xi32, #tpu.memory_space<vmem>>, vector<16xi32>,
    tpu.vector_store %arg7[%swap3A_36], %broadcast_in_dim3A_6 {strides = array<i32>} : memref<2048xi32, #tpu.memory_space<vmem>>, vector<16xi32>,
    %swap3A_38 = arith.constant 256 : index
    %swap3A_39 = tpu.vector_load %arg7[%swap3A_38] {strides = array<i32>} : memref<2048xi32, #tpu.memory_space<vmem>>, vector<16xi32>,
    tpu.vector_store %arg7[%swap3A_38], %broadcast_in_dim3A_6 {strides = array<i32>} : memref<2048xi32, #tpu.memory_space<vmem>>, vector<16xi32>,
    %swap3A_40 = arith.constant 272 : index
    %swap3A_41 = tpu.vector_load %arg7[%swap3A_40] {strides = array<i32>} : memref<2048xi32, #tpu.memory_space<vmem>>, vector<16xi32>,
    tpu.vector_store %arg7[%swap3A_40], %broadcast_in_dim3A_6 {strides = array<i32>} : memref<2048xi32, #tpu.memory_space<vmem>>, vector<16xi32>,
    %swap3A_42 = arith.constant 288 : index
    %swap3A_43 = tpu.vector_load %arg7[%swap3A_42] {strides = array<i32>} : memref<2048xi32, #tpu.memory_space<vmem>>, vector<16xi32>,
    tpu.vector_store %arg7[%swap3A_42], %broadcast_in_dim3A_6 {strides = array<i32>} : memref<2048xi32, #tpu.memory_space<vmem>>, vector<16xi32>,
    %swap3A_44 = arith.constant 304 : index
    %swap3A_45 = tpu.vector_load %arg7[%swap3A_44] {strides = array<i32>} : memref<2048xi32, #tpu.memory_space<vmem>>, vector<16xi32>,
    tpu.vector_store %arg7[%swap3A_44], %broadcast_in_dim3A_6 {strides = array<i32>} : memref<2048xi32, #tpu.memory_space<vmem>>, vector<16xi32>,
    %swap3A_46 = arith.constant 320 : index
    %swap3A_47 = tpu.vector_load %arg7[%swap3A_46] {strides = array<i32>} : memref<2048xi32, #tpu.memory_space<vmem>>, vector<16xi32>,
    tpu.vector_store %arg7[%swap3A_46], %broadcast_in_dim3A_6 {strides = array<i32>} : memref<2048xi32, #tpu.memory_space<vmem>>, vector<16xi32>,
    %swap3A_48 = arith.constant 336 : index
    %swap3A_49 = tpu.vector_load %arg7[%swap3A_48] {strides = array<i32>} : memref<2048xi32, #tpu.memory_space<vmem>>, vector<16xi32>,
    tpu.vector_store %arg7[%swap3A_48], %broadcast_in_dim3A_6 {strides = array<i32>} : memref<2048xi32, #tpu.memory_space<vmem>>, vector<16xi32>,
    %swap3A_50 = arith.constant 352 : index
    %swap3A_51 = tpu.vector_load %arg7[%swap3A_50] {strides = array<i32>} : memref<2048xi32, #tpu.memory_space<vmem>>, vector<16xi32>,
    tpu.vector_store %arg7[%swap3A_50], %broadcast_in_dim3A_6 {strides = array<i32>} : memref<2048xi32, #tpu.memory_space<vmem>>, vector<16xi32>,
    %swap3A_52 = arith.constant 368 : index
    %swap3A_53 = tpu.vector_load %arg7[%swap3A_52] {strides = array<i32>} : memref<2048xi32, #tpu.memory_space<vmem>>, vector<16xi32>,
    tpu.vector_store %arg7[%swap3A_52], %broadcast_in_dim3A_6 {strides = array<i32>} : memref<2048xi32, #tpu.memory_space<vmem>>, vector<16xi32>,
    %swap3A_54 = arith.constant 384 : index
    %swap3A_55 = tpu.vector_load %arg7[%swap3A_54] {strides = array<i32>} : memref<2048xi32, #tpu.memory_space<vmem>>, vector<16xi32>,
    tpu.vector_store %arg7[%swap3A_54], %broadcast_in_dim3A_6 {strides = array<i32>} : memref<2048xi32, #tpu.memory_space<vmem>>, vector<16xi32>,
    %swap3A_56 = arith.constant 400 : index
    %swap3A_57 = tpu.vector_load %arg7[%swap3A_56] {strides = array<i32>} : memref<2048xi32, #tpu.memory_space<vmem>>, vector<16xi32>,
    tpu.vector_store %arg7[%swap3A_56], %broadcast_in_dim3A_6 {strides = array<i32>} : memref<2048xi32, #tpu.memory_space<vmem>>, vector<16xi32>,
    %swap3A_58 = arith.constant 416 : index
    %swap3A_59 = tpu.vector_load %arg7[%swap3A_58] {strides = array<i32>} : memref<2048xi32, #tpu.memory_space<vmem>>, vector<16xi32>,
    tpu.vector_store %arg7[%swap3A_58], %broadcast_in_dim3A_6 {strides = array<i32>} : memref<2048xi32, #tpu.memory_space<vmem>>, vector<16xi32>,
    %swap3A_60 = arith.constant 432 : index
    %swap3A_61 = tpu.vector_load %arg7[%swap3A_60] {strides = array<i32>} : memref<2048xi32, #tpu.memory_space<vmem>>, vector<16xi32>,
    tpu.vector_store %arg7[%swap3A_60], %broadcast_in_dim3A_6 {strides = array<i32>} : memref<2048xi32, #tpu.memory_space<vmem>>, vector<16xi32>,
    %swap3A_62 = arith.constant 448 : index
    %swap3A_63 = tpu.vector_load %arg7[%swap3A_62] {strides = array<i32>} : memref<2048xi32, #tpu.memory_space<vmem>>, vector<16xi32>,
    tpu.vector_store %arg7[%swap3A_62], %broadcast_in_dim3A_6 {strides = array<i32>} : memref<2048xi32, #tpu.memory_space<vmem>>, vector<16xi32>,
    %swap3A_64 = arith.constant 464 : index
    %swap3A_65 = tpu.vector_load %arg7[%swap3A_64] {strides = array<i32>} : memref<2048xi32, #tpu.memory_space<vmem>>, vector<16xi32>,
    tpu.vector_store %arg7[%swap3A_64], %broadcast_in_dim3A_6 {strides = array<i32>} : memref<2048xi32, #tpu.memory_space<vmem>>, vector<16xi32>,
    %swap3A_66 = arith.constant 480 : index
    %swap3A_67 = tpu.vector_load %arg7[%swap3A_66] {strides = array<i32>} : memref<2048xi32, #tpu.memory_space<vmem>>, vector<16xi32>,
    tpu.vector_store %arg7[%swap3A_66], %broadcast_in_dim3A_6 {strides = array<i32>} : memref<2048xi32, #tpu.memory_space<vmem>>, vector<16xi32>,
    %swap3A_68 = arith.constant 496 : index
    %swap3A_69 = tpu.vector_load %arg7[%swap3A_68] {strides = array<i32>} : memref<2048xi32, #tpu.memory_space<vmem>>, vector<16xi32>,
    tpu.vector_store %arg7[%swap3A_68], %broadcast_in_dim3A_6 {strides = array<i32>} : memref<2048xi32, #tpu.memory_space<vmem>>, vector<16xi32>,
    %swap3A_70 = arith.constant 512 : index
    %swap3A_71 = tpu.vector_load %arg7[%swap3A_70] {strides = array<i32>} : memref<2048xi32, #tpu.memory_space<vmem>>, vector<16xi32>,
    tpu.vector_store %arg7[%swap3A_70], %broadcast_in_dim3A_6 {strides = array<i32>} : memref<2048xi32, #tpu.memory_space<vmem>>, vector<16xi32>,
    %swap3A_72 = arith.constant 528 : index
    %swap3A_73 = tpu.vector_load %arg7[%swap3A_72] {strides = array<i32>} : memref<2048xi32, #tpu.memory_space<vmem>>, vector<16xi32>,
    tpu.vector_store %arg7[%swap3A_72], %broadcast_in_dim3A_6 {strides = array<i32>} : memref<2048xi32, #tpu.memory_space<vmem>>, vector<16xi32>,
    %swap3A_74 = arith.constant 544 : index
    %swap3A_75 = tpu.vector_load %arg7[%swap3A_74] {strides = array<i32>} : memref<2048xi32, #tpu.memory_space<vmem>>, vector<16xi32>,
    tpu.vector_store %arg7[%swap3A_74], %broadcast_in_dim3A_6 {strides = array<i32>} : memref<2048xi32, #tpu.memory_space<vmem>>, vector<16xi32>,
    %swap3A_76 = arith.constant 560 : index
    %swap3A_77 = tpu.vector_load %arg7[%swap3A_76] {strides = array<i32>} : memref<2048xi32, #tpu.memory_space<vmem>>, vector<16xi32>,
    tpu.vector_store %arg7[%swap3A_76], %broadcast_in_dim3A_6 {strides = array<i32>} : memref<2048xi32, #tpu.memory_space<vmem>>, vector<16xi32>,
    %swap3A_78 = arith.constant 576 : index
    %swap3A_79 = tpu.vector_load %arg7[%swap3A_78] {strides = array<i32>} : memref<2048xi32, #tpu.memory_space<vmem>>, vector<16xi32>,
    tpu.vector_store %arg7[%swap3A_78], %broadcast_in_dim3A_6 {strides = array<i32>} : memref<2048xi32, #tpu.memory_space<vmem>>, vector<16xi32>,
    %swap3A_80 = arith.constant 592 : index
    %swap3A_81 = tpu.vector_load %arg7[%swap3A_80] {strides = array<i32>} : memref<2048xi32, #tpu.memory_space<vmem>>, vector<16xi32>,
    tpu.vector_store %arg7[%swap3A_80], %broadcast_in_dim3A_6 {strides = array<i32>} : memref<2048xi32, #tpu.memory_space<vmem>>, vector<16xi32>,
    %swap3A_82 = arith.constant 608 : index
    %swap3A_83 = tpu.vector_load %arg7[%swap3A_82] {strides = array<i32>} : memref<2048xi32, #tpu.memory_space<vmem>>, vector<16xi32>,
    tpu.vector_store %arg7[%swap3A_82], %broadcast_in_dim3A_6 {strides = array<i32>} : memref<2048xi32, #tpu.memory_space<vmem>>, vector<16xi32>,
    %swap3A_84 = arith.constant 624 : index
    %swap3A_85 = tpu.vector_load %arg7[%swap3A_84] {strides = array<i32>} : memref<2048xi32, #tpu.memory_space<vmem>>, vector<16xi32>,
    tpu.vector_store %arg7[%swap3A_84], %broadcast_in_dim3A_6 {strides = array<i32>} : memref<2048xi32, #tpu.memory_space<vmem>>, vector<16xi32>,
    %swap3A_86 = arith.constant 640 : index
    %swap3A_87 = tpu.vector_load %arg7[%swap3A_86] {strides = array<i32>} : memref<2048xi32, #tpu.memory_space<vmem>>, vector<16xi32>,
    tpu.vector_store %arg7[%swap3A_86], %broadcast_in_dim3A_6 {strides = array<i32>} : memref<2048xi32, #tpu.memory_space<vmem>>, vector<16xi32>,
    %swap3A_88 = arith.constant 656 : index
    %swap3A_89 = tpu.vector_load %arg7[%swap3A_88] {strides = array<i32>} : memref<2048xi32, #tpu.memory_space<vmem>>, vector<16xi32>,
    tpu.vector_store %arg7[%swap3A_88], %broadcast_in_dim3A_6 {strides = array<i32>} : memref<2048xi32, #tpu.memory_space<vmem>>, vector<16xi32>,
    %swap3A_90 = arith.constant 672 : index
    %swap3A_91 = tpu.vector_load %arg7[%swap3A_90] {strides = array<i32>} : memref<2048xi32, #tpu.memory_space<vmem>>, vector<16xi32>,
    tpu.vector_store %arg7[%swap3A_90], %broadcast_in_dim3A_6 {strides = array<i32>} : memref<2048xi32, #tpu.memory_space<vmem>>, vector<16xi32>,
    %swap3A_92 = arith.constant 688 : index
    %swap3A_93 = tpu.vector_load %arg7[%swap3A_92] {strides = array<i32>} : memref<2048xi32, #tpu.memory_space<vmem>>, vector<16xi32>,
    tpu.vector_store %arg7[%swap3A_92], %broadcast_in_dim3A_6 {strides = array<i32>} : memref<2048xi32, #tpu.memory_space<vmem>>, vector<16xi32>,
    %swap3A_94 = arith.constant 704 : index
    %swap3A_95 = tpu.vector_load %arg7[%swap3A_94] {strides = array<i32>} : memref<2048xi32, #tpu.memory_space<vmem>>, vector<16xi32>,
    tpu.vector_store %arg7[%swap3A_94], %broadcast_in_dim3A_6 {strides = array<i32>} : memref<2048xi32, #tpu.memory_space<vmem>>, vector<16xi32>,
    %swap3A_96 = arith.constant 720 : index
    %swap3A_97 = tpu.vector_load %arg7[%swap3A_96] {strides = array<i32>} : memref<2048xi32, #tpu.memory_space<vmem>>, vector<16xi32>,
    tpu.vector_store %arg7[%swap3A_96], %broadcast_in_dim3A_6 {strides = array<i32>} : memref<2048xi32, #tpu.memory_space<vmem>>, vector<16xi32>,
    %swap3A_98 = arith.constant 736 : index
    %swap3A_99 = tpu.vector_load %arg7[%swap3A_98] {strides = array<i32>} : memref<2048xi32, #tpu.memory_space<vmem>>, vector<16xi32>,
    tpu.vector_store %arg7[%swap3A_98], %broadcast_in_dim3A_6 {strides = array<i32>} : memref<2048xi32, #tpu.memory_space<vmem>>, vector<16xi32>,
    %swap3A_100 = arith.constant 752 : index
    %swap3A_101 = tpu.vector_load %arg7[%swap3A_100] {strides = array<i32>} : memref<2048xi32, #tpu.memory_space<vmem>>, vector<16xi32>,
    tpu.vector_store %arg7[%swap3A_100], %broadcast_in_dim3A_6 {strides = array<i32>} : memref<2048xi32, #tpu.memory_space<vmem>>, vector<16xi32>,
    %swap3A_102 = arith.constant 768 : index
    %swap3A_103 = tpu.vector_load %arg7[%swap3A_102] {strides = array<i32>} : memref<2048xi32, #tpu.memory_space<vmem>>, vector<16xi32>,
    tpu.vector_store %arg7[%swap3A_102], %broadcast_in_dim3A_6 {strides = array<i32>} : memref<2048xi32, #tpu.memory_space<vmem>>, vector<16xi32>,
    %swap3A_104 = arith.constant 784 : index
    %swap3A_105 = tpu.vector_load %arg7[%swap3A_104] {strides = array<i32>} : memref<2048xi32, #tpu.memory_space<vmem>>, vector<16xi32>,
    tpu.vector_store %arg7[%swap3A_104], %broadcast_in_dim3A_6 {strides = array<i32>} : memref<2048xi32, #tpu.memory_space<vmem>>, vector<16xi32>,
    %swap3A_106 = arith.constant 800 : index
    %swap3A_107 = tpu.vector_load %arg7[%swap3A_106] {strides = array<i32>} : memref<2048xi32, #tpu.memory_space<vmem>>, vector<16xi32>,
    tpu.vector_store %arg7[%swap3A_106], %broadcast_in_dim3A_6 {strides = array<i32>} : memref<2048xi32, #tpu.memory_space<vmem>>, vector<16xi32>,
    %swap3A_108 = arith.constant 816 : index
    %swap3A_109 = tpu.vector_load %arg7[%swap3A_108] {strides = array<i32>} : memref<2048xi32, #tpu.memory_space<vmem>>, vector<16xi32>,
    tpu.vector_store %arg7[%swap3A_108], %broadcast_in_dim3A_6 {strides = array<i32>} : memref<2048xi32, #tpu.memory_space<vmem>>, vector<16xi32>,
    %swap3A_110 = arith.constant 832 : index
    %swap3A_111 = tpu.vector_load %arg7[%swap3A_110] {strides = array<i32>} : memref<2048xi32, #tpu.memory_space<vmem>>, vector<16xi32>,
    tpu.vector_store %arg7[%swap3A_110], %broadcast_in_dim3A_6 {strides = array<i32>} : memref<2048xi32, #tpu.memory_space<vmem>>, vector<16xi32>,
    %swap3A_112 = arith.constant 848 : index
    %swap3A_113 = tpu.vector_load %arg7[%swap3A_112] {strides = array<i32>} : memref<2048xi32, #tpu.memory_space<vmem>>, vector<16xi32>,
    tpu.vector_store %arg7[%swap3A_112], %broadcast_in_dim3A_6 {strides = array<i32>} : memref<2048xi32, #tpu.memory_space<vmem>>, vector<16xi32>,
    %swap3A_114 = arith.constant 864 : index
    %swap3A_115 = tpu.vector_load %arg7[%swap3A_114] {strides = array<i32>} : memref<2048xi32, #tpu.memory_space<vmem>>, vector<16xi32>,
    tpu.vector_store %arg7[%swap3A_114], %broadcast_in_dim3A_6 {strides = array<i32>} : memref<2048xi32, #tpu.memory_space<vmem>>, vector<16xi32>,
    %swap3A_116 = arith.constant 880 : index
    %swap3A_117 = tpu.vector_load %arg7[%swap3A_116] {strides = array<i32>} : memref<2048xi32, #tpu.memory_space<vmem>>, vector<16xi32>,
    tpu.vector_store %arg7[%swap3A_116], %broadcast_in_dim3A_6 {strides = array<i32>} : memref<2048xi32, #tpu.memory_space<vmem>>, vector<16xi32>,
    %swap3A_118 = arith.constant 896 : index
    %swap3A_119 = tpu.vector_load %arg7[%swap3A_118] {strides = array<i32>} : memref<2048xi32, #tpu.memory_space<vmem>>, vector<16xi32>,
    tpu.vector_store %arg7[%swap3A_118], %broadcast_in_dim3A_6 {strides = array<i32>} : memref<2048xi32, #tpu.memory_space<vmem>>, vector<16xi32>,
    %swap3A_120 = arith.constant 912 : index
    %swap3A_121 = tpu.vector_load %arg7[%swap3A_120] {strides = array<i32>} : memref<2048xi32, #tpu.memory_space<vmem>>, vector<16xi32>,
    tpu.vector_store %arg7[%swap3A_120], %broadcast_in_dim3A_6 {strides = array<i32>} : memref<2048xi32, #tpu.memory_space<vmem>>, vector<16xi32>,
    %swap3A_122 = arith.constant 928 : index
    %swap3A_123 = tpu.vector_load %arg7[%swap3A_122] {strides = array<i32>} : memref<2048xi32, #tpu.memory_space<vmem>>, vector<16xi32>,
    tpu.vector_store %arg7[%swap3A_122], %broadcast_in_dim3A_6 {strides = array<i32>} : memref<2048xi32, #tpu.memory_space<vmem>>, vector<16xi32>,
    %swap3A_124 = arith.constant 944 : index
    %swap3A_125 = tpu.vector_load %arg7[%swap3A_124] {strides = array<i32>} : memref<2048xi32, #tpu.memory_space<vmem>>, vector<16xi32>,
    tpu.vector_store %arg7[%swap3A_124], %broadcast_in_dim3A_6 {strides = array<i32>} : memref<2048xi32, #tpu.memory_space<vmem>>, vector<16xi32>,
    %swap3A_126 = arith.constant 960 : index
    %swap3A_127 = tpu.vector_load %arg7[%swap3A_126] {strides = array<i32>} : memref<2048xi32, #tpu.memory_space<vmem>>, vector<16xi32>,
    tpu.vector_store %arg7[%swap3A_126], %broadcast_in_dim3A_6 {strides = array<i32>} : memref<2048xi32, #tpu.memory_space<vmem>>, vector<16xi32>,
    %swap3A_128 = arith.constant 976 : index
    %swap3A_129 = tpu.vector_load %arg7[%swap3A_128] {strides = array<i32>} : memref<2048xi32, #tpu.memory_space<vmem>>, vector<16xi32>,
    tpu.vector_store %arg7[%swap3A_128], %broadcast_in_dim3A_6 {strides = array<i32>} : memref<2048xi32, #tpu.memory_space<vmem>>, vector<16xi32>,
    %swap3A_130 = arith.constant 992 : index
    %swap3A_131 = tpu.vector_load %arg7[%swap3A_130] {strides = array<i32>} : memref<2048xi32, #tpu.memory_space<vmem>>, vector<16xi32>,
    tpu.vector_store %arg7[%swap3A_130], %broadcast_in_dim3A_6 {strides = array<i32>} : memref<2048xi32, #tpu.memory_space<vmem>>, vector<16xi32>,
    %swap3A_132 = arith.constant 1008 : index
    %swap3A_133 = tpu.vector_load %arg7[%swap3A_132] {strides = array<i32>} : memref<2048xi32, #tpu.memory_space<vmem>>, vector<16xi32>,
    tpu.vector_store %arg7[%swap3A_132], %broadcast_in_dim3A_6 {strides = array<i32>} : memref<2048xi32, #tpu.memory_space<vmem>>, vector<16xi32>,
    %swap3A_134 = arith.constant 1024 : index
    %swap3A_135 = tpu.vector_load %arg7[%swap3A_134] {strides = array<i32>} : memref<2048xi32, #tpu.memory_space<vmem>>, vector<16xi32>,
    tpu.vector_store %arg7[%swap3A_134], %broadcast_in_dim3A_6 {strides = array<i32>} : memref<2048xi32, #tpu.memory_space<vmem>>, vector<16xi32>,
    %swap3A_136 = arith.constant 1040 : index
    %swap3A_137 = tpu.vector_load %arg7[%swap3A_136] {strides = array<i32>} : memref<2048xi32, #tpu.memory_space<vmem>>, vector<16xi32>,
    tpu.vector_store %arg7[%swap3A_136], %broadcast_in_dim3A_6 {strides = array<i32>} : memref<2048xi32, #tpu.memory_space<vmem>>, vector<16xi32>,
    %swap3A_138 = arith.constant 1056 : index
    %swap3A_139 = tpu.vector_load %arg7[%swap3A_138] {strides = array<i32>} : memref<2048xi32, #tpu.memory_space<vmem>>, vector<16xi32>,
    tpu.vector_store %arg7[%swap3A_138], %broadcast_in_dim3A_6 {strides = array<i32>} : memref<2048xi32, #tpu.memory_space<vmem>>, vector<16xi32>,
    %swap3A_140 = arith.constant 1072 : index
    %swap3A_141 = tpu.vector_load %arg7[%swap3A_140] {strides = array<i32>} : memref<2048xi32, #tpu.memory_space<vmem>>, vector<16xi32>,
    tpu.vector_store %arg7[%swap3A_140], %broadcast_in_dim3A_6 {strides = array<i32>} : memref<2048xi32, #tpu.memory_space<vmem>>, vector<16xi32>,
    %swap3A_142 = arith.constant 1088 : index
    %swap3A_143 = tpu.vector_load %arg7[%swap3A_142] {strides = array<i32>} : memref<2048xi32, #tpu.memory_space<vmem>>, vector<16xi32>,
    tpu.vector_store %arg7[%swap3A_142], %broadcast_in_dim3A_6 {strides = array<i32>} : memref<2048xi32, #tpu.memory_space<vmem>>, vector<16xi32>,
    %swap3A_144 = arith.constant 1104 : index
    %swap3A_145 = tpu.vector_load %arg7[%swap3A_144] {strides = array<i32>} : memref<2048xi32, #tpu.memory_space<vmem>>, vector<16xi32>,
    tpu.vector_store %arg7[%swap3A_144], %broadcast_in_dim3A_6 {strides = array<i32>} : memref<2048xi32, #tpu.memory_space<vmem>>, vector<16xi32>,
    %swap3A_146 = arith.constant 1120 : index
    %swap3A_147 = tpu.vector_load %arg7[%swap3A_146] {strides = array<i32>} : memref<2048xi32, #tpu.memory_space<vmem>>, vector<16xi32>,
    tpu.vector_store %arg7[%swap3A_146], %broadcast_in_dim3A_6 {strides = array<i32>} : memref<2048xi32, #tpu.memory_space<vmem>>, vector<16xi32>,
    %swap3A_148 = arith.constant 1136 : index
    %swap3A_149 = tpu.vector_load %arg7[%swap3A_148] {strides = array<i32>} : memref<2048xi32, #tpu.memory_space<vmem>>, vector<16xi32>,
    tpu.vector_store %arg7[%swap3A_148], %broadcast_in_dim3A_6 {strides = array<i32>} : memref<2048xi32, #tpu.memory_space<vmem>>, vector<16xi32>,
    %swap3A_150 = arith.constant 1152 : index
    %swap3A_151 = tpu.vector_load %arg7[%swap3A_150] {strides = array<i32>} : memref<2048xi32, #tpu.memory_space<vmem>>, vector<16xi32>,
    tpu.vector_store %arg7[%swap3A_150], %broadcast_in_dim3A_6 {strides = array<i32>} : memref<2048xi32, #tpu.memory_space<vmem>>, vector<16xi32>,
    %swap3A_152 = arith.constant 1168 : index
    %swap3A_153 = tpu.vector_load %arg7[%swap3A_152] {strides = array<i32>} : memref<2048xi32, #tpu.memory_space<vmem>>, vector<16xi32>,
    tpu.vector_store %arg7[%swap3A_152], %broadcast_in_dim3A_6 {strides = array<i32>} : memref<2048xi32, #tpu.memory_space<vmem>>, vector<16xi32>,
    %swap3A_154 = arith.constant 1184 : index
    %swap3A_155 = tpu.vector_load %arg7[%swap3A_154] {strides = array<i32>} : memref<2048xi32, #tpu.memory_space<vmem>>, vector<16xi32>,
    tpu.vector_store %arg7[%swap3A_154], %broadcast_in_dim3A_6 {strides = array<i32>} : memref<2048xi32, #tpu.memory_space<vmem>>, vector<16xi32>,
    %swap3A_156 = arith.constant 1200 : index
    %swap3A_157 = tpu.vector_load %arg7[%swap3A_156] {strides = array<i32>} : memref<2048xi32, #tpu.memory_space<vmem>>, vector<16xi32>,
    tpu.vector_store %arg7[%swap3A_156], %broadcast_in_dim3A_6 {strides = array<i32>} : memref<2048xi32, #tpu.memory_space<vmem>>, vector<16xi32>,
    %swap3A_158 = arith.constant 1216 : index
    %swap3A_159 = tpu.vector_load %arg7[%swap3A_158] {strides = array<i32>} : memref<2048xi32, #tpu.memory_space<vmem>>, vector<16xi32>,
    tpu.vector_store %arg7[%swap3A_158], %broadcast_in_dim3A_6 {strides = array<i32>} : memref<2048xi32, #tpu.memory_space<vmem>>, vector<16xi32>,
    %swap3A_160 = arith.constant 1232 : index
    %swap3A_161 = tpu.vector_load %arg7[%swap3A_160] {strides = array<i32>} : memref<2048xi32, #tpu.memory_space<vmem>>, vector<16xi32>,
    tpu.vector_store %arg7[%swap3A_160], %broadcast_in_dim3A_6 {strides = array<i32>} : memref<2048xi32, #tpu.memory_space<vmem>>, vector<16xi32>,
    %swap3A_162 = arith.constant 1248 : index
    %swap3A_163 = tpu.vector_load %arg7[%swap3A_162] {strides = array<i32>} : memref<2048xi32, #tpu.memory_space<vmem>>, vector<16xi32>,
    tpu.vector_store %arg7[%swap3A_162], %broadcast_in_dim3A_6 {strides = array<i32>} : memref<2048xi32, #tpu.memory_space<vmem>>, vector<16xi32>,
    %swap3A_164 = arith.constant 1264 : index
    %swap3A_165 = tpu.vector_load %arg7[%swap3A_164] {strides = array<i32>} : memref<2048xi32, #tpu.memory_space<vmem>>, vector<16xi32>,
    tpu.vector_store %arg7[%swap3A_164], %broadcast_in_dim3A_6 {strides = array<i32>} : memref<2048xi32, #tpu.memory_space<vmem>>, vector<16xi32>,
    %swap3A_166 = arith.constant 1280 : index
    %swap3A_167 = tpu.vector_load %arg7[%swap3A_166] {strides = array<i32>} : memref<2048xi32, #tpu.memory_space<vmem>>, vector<16xi32>,
    tpu.vector_store %arg7[%swap3A_166], %broadcast_in_dim3A_6 {strides = array<i32>} : memref<2048xi32, #tpu.memory_space<vmem>>, vector<16xi32>,
    %swap3A_168 = arith.constant 1296 : index
    %swap3A_169 = tpu.vector_load %arg7[%swap3A_168] {strides = array<i32>} : memref<2048xi32, #tpu.memory_space<vmem>>, vector<16xi32>,
    tpu.vector_store %arg7[%swap3A_168], %broadcast_in_dim3A_6 {strides = array<i32>} : memref<2048xi32, #tpu.memory_space<vmem>>, vector<16xi32>,
    %swap3A_170 = arith.constant 1312 : index
    %swap3A_171 = tpu.vector_load %arg7[%swap3A_170] {strides = array<i32>} : memref<2048xi32, #tpu.memory_space<vmem>>, vector<16xi32>,
    tpu.vector_store %arg7[%swap3A_170], %broadcast_in_dim3A_6 {strides = array<i32>} : memref<2048xi32, #tpu.memory_space<vmem>>, vector<16xi32>,
    %swap3A_172 = arith.constant 1328 : index
    %swap3A_173 = tpu.vector_load %arg7[%swap3A_172] {strides = array<i32>} : memref<2048xi32, #tpu.memory_space<vmem>>, vector<16xi32>,
    tpu.vector_store %arg7[%swap3A_172], %broadcast_in_dim3A_6 {strides = array<i32>} : memref<2048xi32, #tpu.memory_space<vmem>>, vector<16xi32>,
    %swap3A_174 = arith.constant 1344 : index
    %swap3A_175 = tpu.vector_load %arg7[%swap3A_174] {strides = array<i32>} : memref<2048xi32, #tpu.memory_space<vmem>>, vector<16xi32>,
    tpu.vector_store %arg7[%swap3A_174], %broadcast_in_dim3A_6 {strides = array<i32>} : memref<2048xi32, #tpu.memory_space<vmem>>, vector<16xi32>,
    %swap3A_176 = arith.constant 1360 : index
    %swap3A_177 = tpu.vector_load %arg7[%swap3A_176] {strides = array<i32>} : memref<2048xi32, #tpu.memory_space<vmem>>, vector<16xi32>,
    tpu.vector_store %arg7[%swap3A_176], %broadcast_in_dim3A_6 {strides = array<i32>} : memref<2048xi32, #tpu.memory_space<vmem>>, vector<16xi32>,
    %swap3A_178 = arith.constant 1376 : index
    %swap3A_179 = tpu.vector_load %arg7[%swap3A_178] {strides = array<i32>} : memref<2048xi32, #tpu.memory_space<vmem>>, vector<16xi32>,
    tpu.vector_store %arg7[%swap3A_178], %broadcast_in_dim3A_6 {strides = array<i32>} : memref<2048xi32, #tpu.memory_space<vmem>>, vector<16xi32>,
    %swap3A_180 = arith.constant 1392 : index
    %swap3A_181 = tpu.vector_load %arg7[%swap3A_180] {strides = array<i32>} : memref<2048xi32, #tpu.memory_space<vmem>>, vector<16xi32>,
    tpu.vector_store %arg7[%swap3A_180], %broadcast_in_dim3A_6 {strides = array<i32>} : memref<2048xi32, #tpu.memory_space<vmem>>, vector<16xi32>,
    %swap3A_182 = arith.constant 1408 : index
    %swap3A_183 = tpu.vector_load %arg7[%swap3A_182] {strides = array<i32>} : memref<2048xi32, #tpu.memory_space<vmem>>, vector<16xi32>,
    tpu.vector_store %arg7[%swap3A_182], %broadcast_in_dim3A_6 {strides = array<i32>} : memref<2048xi32, #tpu.memory_space<vmem>>, vector<16xi32>,
    %swap3A_184 = arith.constant 1424 : index
    %swap3A_185 = tpu.vector_load %arg7[%swap3A_184] {strides = array<i32>} : memref<2048xi32, #tpu.memory_space<vmem>>, vector<16xi32>,
    tpu.vector_store %arg7[%swap3A_184], %broadcast_in_dim3A_6 {strides = array<i32>} : memref<2048xi32, #tpu.memory_space<vmem>>, vector<16xi32>,
    %swap3A_186 = arith.constant 1440 : index
    %swap3A_187 = tpu.vector_load %arg7[%swap3A_186] {strides = array<i32>} : memref<2048xi32, #tpu.memory_space<vmem>>, vector<16xi32>,
    tpu.vector_store %arg7[%swap3A_186], %broadcast_in_dim3A_6 {strides = array<i32>} : memref<2048xi32, #tpu.memory_space<vmem>>, vector<16xi32>,
    %swap3A_188 = arith.constant 1456 : index
    %swap3A_189 = tpu.vector_load %arg7[%swap3A_188] {strides = array<i32>} : memref<2048xi32, #tpu.memory_space<vmem>>, vector<16xi32>,
    tpu.vector_store %arg7[%swap3A_188], %broadcast_in_dim3A_6 {strides = array<i32>} : memref<2048xi32, #tpu.memory_space<vmem>>, vector<16xi32>,
    %swap3A_190 = arith.constant 1472 : index
    %swap3A_191 = tpu.vector_load %arg7[%swap3A_190] {strides = array<i32>} : memref<2048xi32, #tpu.memory_space<vmem>>, vector<16xi32>,
    tpu.vector_store %arg7[%swap3A_190], %broadcast_in_dim3A_6 {strides = array<i32>} : memref<2048xi32, #tpu.memory_space<vmem>>, vector<16xi32>,
    %swap3A_192 = arith.constant 1488 : index
    %swap3A_193 = tpu.vector_load %arg7[%swap3A_192] {strides = array<i32>} : memref<2048xi32, #tpu.memory_space<vmem>>, vector<16xi32>,
    tpu.vector_store %arg7[%swap3A_192], %broadcast_in_dim3A_6 {strides = array<i32>} : memref<2048xi32, #tpu.memory_space<vmem>>, vector<16xi32>,
    %swap3A_194 = arith.constant 1504 : index
    %swap3A_195 = tpu.vector_load %arg7[%swap3A_194] {strides = array<i32>} : memref<2048xi32, #tpu.memory_space<vmem>>, vector<16xi32>,
    tpu.vector_store %arg7[%swap3A_194], %broadcast_in_dim3A_6 {strides = array<i32>} : memref<2048xi32, #tpu.memory_space<vmem>>, vector<16xi32>,
    %swap3A_196 = arith.constant 1520 : index
    %swap3A_197 = tpu.vector_load %arg7[%swap3A_196] {strides = array<i32>} : memref<2048xi32, #tpu.memory_space<vmem>>, vector<16xi32>,
    tpu.vector_store %arg7[%swap3A_196], %broadcast_in_dim3A_6 {strides = array<i32>} : memref<2048xi32, #tpu.memory_space<vmem>>, vector<16xi32>,
    %swap3A_198 = arith.constant 1536 : index
    %swap3A_199 = tpu.vector_load %arg7[%swap3A_198] {strides = array<i32>} : memref<2048xi32, #tpu.memory_space<vmem>>, vector<16xi32>,
    tpu.vector_store %arg7[%swap3A_198], %broadcast_in_dim3A_6 {strides = array<i32>} : memref<2048xi32, #tpu.memory_space<vmem>>, vector<16xi32>,
    %swap3A_200 = arith.constant 1552 : index
    %swap3A_201 = tpu.vector_load %arg7[%swap3A_200] {strides = array<i32>} : memref<2048xi32, #tpu.memory_space<vmem>>, vector<16xi32>,
    tpu.vector_store %arg7[%swap3A_200], %broadcast_in_dim3A_6 {strides = array<i32>} : memref<2048xi32, #tpu.memory_space<vmem>>, vector<16xi32>,
    %swap3A_202 = arith.constant 1568 : index
    %swap3A_203 = tpu.vector_load %arg7[%swap3A_202] {strides = array<i32>} : memref<2048xi32, #tpu.memory_space<vmem>>, vector<16xi32>,
    tpu.vector_store %arg7[%swap3A_202], %broadcast_in_dim3A_6 {strides = array<i32>} : memref<2048xi32, #tpu.memory_space<vmem>>, vector<16xi32>,
    %swap3A_204 = arith.constant 1584 : index
    %swap3A_205 = tpu.vector_load %arg7[%swap3A_204] {strides = array<i32>} : memref<2048xi32, #tpu.memory_space<vmem>>, vector<16xi32>,
    tpu.vector_store %arg7[%swap3A_204], %broadcast_in_dim3A_6 {strides = array<i32>} : memref<2048xi32, #tpu.memory_space<vmem>>, vector<16xi32>,
    %swap3A_206 = arith.constant 1600 : index
    %swap3A_207 = tpu.vector_load %arg7[%swap3A_206] {strides = array<i32>} : memref<2048xi32, #tpu.memory_space<vmem>>, vector<16xi32>,
    tpu.vector_store %arg7[%swap3A_206], %broadcast_in_dim3A_6 {strides = array<i32>} : memref<2048xi32, #tpu.memory_space<vmem>>, vector<16xi32>,
    %swap3A_208 = arith.constant 1616 : index
    %swap3A_209 = tpu.vector_load %arg7[%swap3A_208] {strides = array<i32>} : memref<2048xi32, #tpu.memory_space<vmem>>, vector<16xi32>,
    tpu.vector_store %arg7[%swap3A_208], %broadcast_in_dim3A_6 {strides = array<i32>} : memref<2048xi32, #tpu.memory_space<vmem>>, vector<16xi32>,
    %swap3A_210 = arith.constant 1632 : index
    %swap3A_211 = tpu.vector_load %arg7[%swap3A_210] {strides = array<i32>} : memref<2048xi32, #tpu.memory_space<vmem>>, vector<16xi32>,
    tpu.vector_store %arg7[%swap3A_210], %broadcast_in_dim3A_6 {strides = array<i32>} : memref<2048xi32, #tpu.memory_space<vmem>>, vector<16xi32>,
    %swap3A_212 = arith.constant 1648 : index
    %swap3A_213 = tpu.vector_load %arg7[%swap3A_212] {strides = array<i32>} : memref<2048xi32, #tpu.memory_space<vmem>>, vector<16xi32>,
    tpu.vector_store %arg7[%swap3A_212], %broadcast_in_dim3A_6 {strides = array<i32>} : memref<2048xi32, #tpu.memory_space<vmem>>, vector<16xi32>,
    %swap3A_214 = arith.constant 1664 : index
    %swap3A_215 = tpu.vector_load %arg7[%swap3A_214] {strides = array<i32>} : memref<2048xi32, #tpu.memory_space<vmem>>, vector<16xi32>,
    tpu.vector_store %arg7[%swap3A_214], %broadcast_in_dim3A_6 {strides = array<i32>} : memref<2048xi32, #tpu.memory_space<vmem>>, vector<16xi32>,
    %swap3A_216 = arith.constant 1680 : index
    %swap3A_217 = tpu.vector_load %arg7[%swap3A_216] {strides = array<i32>} : memref<2048xi32, #tpu.memory_space<vmem>>, vector<16xi32>,
    tpu.vector_store %arg7[%swap3A_216], %broadcast_in_dim3A_6 {strides = array<i32>} : memref<2048xi32, #tpu.memory_space<vmem>>, vector<16xi32>,
    %swap3A_218 = arith.constant 1696 : index
    %swap3A_219 = tpu.vector_load %arg7[%swap3A_218] {strides = array<i32>} : memref<2048xi32, #tpu.memory_space<vmem>>, vector<16xi32>,
    tpu.vector_store %arg7[%swap3A_218], %broadcast_in_dim3A_6 {strides = array<i32>} : memref<2048xi32, #tpu.memory_space<vmem>>, vector<16xi32>,
    %swap3A_220 = arith.constant 1712 : index
    %swap3A_221 = tpu.vector_load %arg7[%swap3A_220] {strides = array<i32>} : memref<2048xi32, #tpu.memory_space<vmem>>, vector<16xi32>,
    tpu.vector_store %arg7[%swap3A_220], %broadcast_in_dim3A_6 {strides = array<i32>} : memref<2048xi32, #tpu.memory_space<vmem>>, vector<16xi32>,
    %swap3A_222 = arith.constant 1728 : index
    %swap3A_223 = tpu.vector_load %arg7[%swap3A_222] {strides = array<i32>} : memref<2048xi32, #tpu.memory_space<vmem>>, vector<16xi32>,
    tpu.vector_store %arg7[%swap3A_222], %broadcast_in_dim3A_6 {strides = array<i32>} : memref<2048xi32, #tpu.memory_space<vmem>>, vector<16xi32>,
    %swap3A_224 = arith.constant 1744 : index
    %swap3A_225 = tpu.vector_load %arg7[%swap3A_224] {strides = array<i32>} : memref<2048xi32, #tpu.memory_space<vmem>>, vector<16xi32>,
    tpu.vector_store %arg7[%swap3A_224], %broadcast_in_dim3A_6 {strides = array<i32>} : memref<2048xi32, #tpu.memory_space<vmem>>, vector<16xi32>,
    %swap3A_226 = arith.constant 1760 : index
    %swap3A_227 = tpu.vector_load %arg7[%swap3A_226] {strides = array<i32>} : memref<2048xi32, #tpu.memory_space<vmem>>, vector<16xi32>,
    tpu.vector_store %arg7[%swap3A_226], %broadcast_in_dim3A_6 {strides = array<i32>} : memref<2048xi32, #tpu.memory_space<vmem>>, vector<16xi32>,
    %swap3A_228 = arith.constant 1776 : index
    %swap3A_229 = tpu.vector_load %arg7[%swap3A_228] {strides = array<i32>} : memref<2048xi32, #tpu.memory_space<vmem>>, vector<16xi32>,
    tpu.vector_store %arg7[%swap3A_228], %broadcast_in_dim3A_6 {strides = array<i32>} : memref<2048xi32, #tpu.memory_space<vmem>>, vector<16xi32>,
    %swap3A_230 = arith.constant 1792 : index
    %swap3A_231 = tpu.vector_load %arg7[%swap3A_230] {strides = array<i32>} : memref<2048xi32, #tpu.memory_space<vmem>>, vector<16xi32>,
    tpu.vector_store %arg7[%swap3A_230], %broadcast_in_dim3A_6 {strides = array<i32>} : memref<2048xi32, #tpu.memory_space<vmem>>, vector<16xi32>,
    %swap3A_232 = arith.constant 1808 : index
    %swap3A_233 = tpu.vector_load %arg7[%swap3A_232] {strides = array<i32>} : memref<2048xi32, #tpu.memory_space<vmem>>, vector<16xi32>,
    tpu.vector_store %arg7[%swap3A_232], %broadcast_in_dim3A_6 {strides = array<i32>} : memref<2048xi32, #tpu.memory_space<vmem>>, vector<16xi32>,
    %swap3A_234 = arith.constant 1824 : index
    %swap3A_235 = tpu.vector_load %arg7[%swap3A_234] {strides = array<i32>} : memref<2048xi32, #tpu.memory_space<vmem>>, vector<16xi32>,
    tpu.vector_store %arg7[%swap3A_234], %broadcast_in_dim3A_6 {strides = array<i32>} : memref<2048xi32, #tpu.memory_space<vmem>>, vector<16xi32>,
    %swap3A_236 = arith.constant 1840 : index
    %swap3A_237 = tpu.vector_load %arg7[%swap3A_236] {strides = array<i32>} : memref<2048xi32, #tpu.memory_space<vmem>>, vector<16xi32>,
    tpu.vector_store %arg7[%swap3A_236], %broadcast_in_dim3A_6 {strides = array<i32>} : memref<2048xi32, #tpu.memory_space<vmem>>, vector<16xi32>,
    %swap3A_238 = arith.constant 1856 : index
    %swap3A_239 = tpu.vector_load %arg7[%swap3A_238] {strides = array<i32>} : memref<2048xi32, #tpu.memory_space<vmem>>, vector<16xi32>,
    tpu.vector_store %arg7[%swap3A_238], %broadcast_in_dim3A_6 {strides = array<i32>} : memref<2048xi32, #tpu.memory_space<vmem>>, vector<16xi32>,
    %swap3A_240 = arith.constant 1872 : index
    %swap3A_241 = tpu.vector_load %arg7[%swap3A_240] {strides = array<i32>} : memref<2048xi32, #tpu.memory_space<vmem>>, vector<16xi32>,
    tpu.vector_store %arg7[%swap3A_240], %broadcast_in_dim3A_6 {strides = array<i32>} : memref<2048xi32, #tpu.memory_space<vmem>>, vector<16xi32>,
    %swap3A_242 = arith.constant 1888 : index
    %swap3A_243 = tpu.vector_load %arg7[%swap3A_242] {strides = array<i32>} : memref<2048xi32, #tpu.memory_space<vmem>>, vector<16xi32>,
    tpu.vector_store %arg7[%swap3A_242], %broadcast_in_dim3A_6 {strides = array<i32>} : memref<2048xi32, #tpu.memory_space<vmem>>, vector<16xi32>,
    %swap3A_244 = arith.constant 1904 : index
    %swap3A_245 = tpu.vector_load %arg7[%swap3A_244] {strides = array<i32>} : memref<2048xi32, #tpu.memory_space<vmem>>, vector<16xi32>,
    tpu.vector_store %arg7[%swap3A_244], %broadcast_in_dim3A_6 {strides = array<i32>} : memref<2048xi32, #tpu.memory_space<vmem>>, vector<16xi32>,
    %swap3A_246 = arith.constant 1920 : index
    %swap3A_247 = tpu.vector_load %arg7[%swap3A_246] {strides = array<i32>} : memref<2048xi32, #tpu.memory_space<vmem>>, vector<16xi32>,
    tpu.vector_store %arg7[%swap3A_246], %broadcast_in_dim3A_6 {strides = array<i32>} : memref<2048xi32, #tpu.memory_space<vmem>>, vector<16xi32>,
    %swap3A_248 = arith.constant 1936 : index
    %swap3A_249 = tpu.vector_load %arg7[%swap3A_248] {strides = array<i32>} : memref<2048xi32, #tpu.memory_space<vmem>>, vector<16xi32>,
    tpu.vector_store %arg7[%swap3A_248], %broadcast_in_dim3A_6 {strides = array<i32>} : memref<2048xi32, #tpu.memory_space<vmem>>, vector<16xi32>,
    %swap3A_250 = arith.constant 1952 : index
    %swap3A_251 = tpu.vector_load %arg7[%swap3A_250] {strides = array<i32>} : memref<2048xi32, #tpu.memory_space<vmem>>, vector<16xi32>,
    tpu.vector_store %arg7[%swap3A_250], %broadcast_in_dim3A_6 {strides = array<i32>} : memref<2048xi32, #tpu.memory_space<vmem>>, vector<16xi32>,
    %swap3A_252 = arith.constant 1968 : index
    %swap3A_253 = tpu.vector_load %arg7[%swap3A_252] {strides = array<i32>} : memref<2048xi32, #tpu.memory_space<vmem>>, vector<16xi32>,
    tpu.vector_store %arg7[%swap3A_252], %broadcast_in_dim3A_6 {strides = array<i32>} : memref<2048xi32, #tpu.memory_space<vmem>>, vector<16xi32>,
    %swap3A_254 = arith.constant 1984 : index
    %swap3A_255 = tpu.vector_load %arg7[%swap3A_254] {strides = array<i32>} : memref<2048xi32, #tpu.memory_space<vmem>>, vector<16xi32>,
    tpu.vector_store %arg7[%swap3A_254], %broadcast_in_dim3A_6 {strides = array<i32>} : memref<2048xi32, #tpu.memory_space<vmem>>, vector<16xi32>,
    %swap3A_256 = arith.constant 2000 : index
    %swap3A_257 = tpu.vector_load %arg7[%swap3A_256] {strides = array<i32>} : memref<2048xi32, #tpu.memory_space<vmem>>, vector<16xi32>,
    tpu.vector_store %arg7[%swap3A_256], %broadcast_in_dim3A_6 {strides = array<i32>} : memref<2048xi32, #tpu.memory_space<vmem>>, vector<16xi32>,
    %swap3A_258 = arith.constant 2016 : index
    %swap3A_259 = tpu.vector_load %arg7[%swap3A_258] {strides = array<i32>} : memref<2048xi32, #tpu.memory_space<vmem>>, vector<16xi32>,
    tpu.vector_store %arg7[%swap3A_258], %broadcast_in_dim3A_6 {strides = array<i32>} : memref<2048xi32, #tpu.memory_space<vmem>>, vector<16xi32>,
    %swap3A_260 = arith.constant 2032 : index
    %swap3A_261 = tpu.vector_load %arg7[%swap3A_260] {strides = array<i32>} : memref<2048xi32, #tpu.memory_space<vmem>>, vector<16xi32>,
    tpu.vector_store %arg7[%swap3A_260], %broadcast_in_dim3A_6 {strides = array<i32>} : memref<2048xi32, #tpu.memory_space<vmem>>, vector<16xi32>,
    %broadcast_in_dim3A_262 = arith.constant 1 : i32
    %broadcast_in_dim3A_263 = vector.broadcast %broadcast_in_dim3A_262 : i32 to vector<16xi32>
    %iota3A = tpu.iota {dimensions = array<i32: 0>} : vector<16xi32>
    %mul3A_264 = arith.constant 128 : i32
    %mul3A_265 = vector.broadcast %mul3A_264 : i32 to vector<16xi32>
    %mul3A_266 = arith.muli %iota3A, %mul3A_265 : vector<16xi32>
    %convert_element_type3A = arith.sitofp %mul3A_266 : vector<16xi32> to vector<16xf32>
    %add3A_267 = arith.addf %get3A_5, %convert_element_type3A : vector<16xf32>
    %add3A_268 = arith.constant 1.190000e+02 : f32
    %add3A_269 = vector.broadcast %add3A_268 : f32 to vector<16xf32>
    %add3A_270 = arith.addf %convert_element_type3A, %add3A_269 : vector<16xf32>
    %dma_start3A = tpu.memref_slice %arg2[%mul3A_2] : memref<19267584xf32, #tpu.memory_space<hbm>> -> memref<12288xf32, #tpu.memory_space<hbm>>
    %dma_start3A_271 = tpu.memref_slice %arg2[%mul3A_2] : memref<19267584xf32, #tpu.memory_space<hbm>> -> memref<12288xf32, #tpu.memory_space<hbm>>
    tpu.enqueue_dma source(%dma_start3A_271 : memref<12288xf32, #tpu.memory_space<hbm>>) target(%arg5 : memref<12288xf32, #tpu.memory_space<vmem>>) target_semaphore(%arg10 : memref<!tpu.dma_semaphore, #tpu.memory_space<semaphore_mem>>)
    %add3A_272 = arith.constant 12288 : i32
    %add3A_273 = arith.addi %mul3A_2, %add3A_272 : i32
    %dma_start3A_274 = tpu.memref_slice %arg2[%add3A_273] : memref<19267584xf32, #tpu.memory_space<hbm>> -> memref<12288xf32, #tpu.memory_space<hbm>>
    %dma_start3A_275 = tpu.memref_slice %arg2[%add3A_273] : memref<19267584xf32, #tpu.memory_space<hbm>> -> memref<12288xf32, #tpu.memory_space<hbm>>
    tpu.enqueue_dma source(%dma_start3A_275 : memref<12288xf32, #tpu.memory_space<hbm>>) target(%arg6 : memref<12288xf32, #tpu.memory_space<vmem>>) target_semaphore(%arg11 : memref<!tpu.dma_semaphore, #tpu.memory_space<semaphore_mem>>)
    %scan3A = arith.constant 0 : i32
    %scan3A_276 = arith.constant 0 : i32
    %scan3A_277 = arith.constant 24 : i32
    %scan3A_278 = arith.addi %scan3A_276, %scan3A_277 : i32
    %scan3A_279 = arith.constant 1 : i32
    scf.for %scan3A_678 = %scan3A_276 to %scan3A_278 step %scan3A_279  : i32 {
      %mul3A_679 = arith.constant 2 : i32
      %mul3A_680 = arith.muli %mul3A_679, %scan3A_678 : i32
      %dma_wait3A_681 = arith.constant 0 : i32
      %dma_wait3A_682 = tpu.memref_slice %arg2[%dma_wait3A_681] : memref<19267584xf32, #tpu.memory_space<hbm>> -> memref<12288xf32, #tpu.memory_space<hbm>>
      %dma_wait3A_683 = arith.constant 0 : i32
      %dma_wait3A_684 = tpu.memref_slice %arg2[%dma_wait3A_683] : memref<19267584xf32, #tpu.memory_space<hbm>> -> memref<12288xf32, #tpu.memory_space<hbm>>
      tpu.wait_dma2 semaphore(%arg10 : memref<!tpu.dma_semaphore, #tpu.memory_space<semaphore_mem>>) src(%dma_wait3A_684 : memref<12288xf32, #tpu.memory_space<hbm>>) dst(%arg5 : memref<12288xf32, #tpu.memory_space<vmem>>)
      %parallel_loop3A_685 = arith.constant 0 : i32
      %parallel_loop3A_686 = arith.constant 768 : i32
      %parallel_loop3A_687 = arith.constant 1 : i32
      scf.for %parallel_loop3A_707 = %parallel_loop3A_685 to %parallel_loop3A_686 step %parallel_loop3A_687  : i32 {
        %parallel_loop3A_708 = arith.constant 16 : i32
        %parallel_loop3A_709 = arith.muli %parallel_loop3A_707, %parallel_loop3A_708 : i32
        %parallel_loop3A_710 = arith.index_cast %parallel_loop3A_709 : i32 to index
        %parallel_loop3A_711 = tpu.vector_load %arg5[%parallel_loop3A_710] {strides = array<i32>} : memref<12288xf32, #tpu.memory_space<vmem>>, vector<16xf32>,
        %parallel_loop3A_712 = arith.mulf %parallel_loop3A_711, %get3A_3 : vector<16xf32>
        %parallel_loop3A_713 = arith.addf %parallel_loop3A_712, %add3A_267 : vector<16xf32>
        %parallel_loop3A_714 = arith.minimumf %parallel_loop3A_713, %add3A_270 : vector<16xf32>
        %parallel_loop3A_715 = arith.fptosi %parallel_loop3A_714 : vector<16xf32> to vector<16xi32>
        tpu.vector_store_idx %arg7[%parallel_loop3A_715], %broadcast_in_dim3A_263 {add = true} : memref<2048xi32, #tpu.memory_space<vmem>>[vector<16xi32>], vector<16xi32>,
      } {sc.loop_unroll_factor = 16 : i64, sc.parallel_access}
      %add3A_688 = arith.constant 2 : i32
      %add3A_689 = arith.addi %mul3A_680, %add3A_688 : i32
      %lt3A = arith.constant 49 : i32
      %lt3A_690 = arith.cmpi slt, %add3A_689, %lt3A : i32
      %convert_element_type3A_691 = arith.extui %lt3A_690 : i1 to i32
      %cond3A = arith.constant 0 : i32
      %cond3A_692 = arith.cmpi ne, %convert_element_type3A_691, %cond3A : i32
      scf.if %cond3A_692 {
        %add3A_707 = arith.constant 2 : i32
        %add3A_708 = arith.addi %mul3A_680, %add3A_707 : i32
        %mul3A_709 = arith.constant 12288 : i32
        %mul3A_710 = arith.muli %add3A_708, %mul3A_709 : i32
        %add3A_711 = arith.addi %mul3A_2, %mul3A_710 : i32
        %dma_start3A_712 = tpu.memref_slice %arg2[%add3A_711] : memref<19267584xf32, #tpu.memory_space<hbm>> -> memref<12288xf32, #tpu.memory_space<hbm>>
        %dma_start3A_713 = tpu.memref_slice %arg2[%add3A_711] : memref<19267584xf32, #tpu.memory_space<hbm>> -> memref<12288xf32, #tpu.memory_space<hbm>>
        tpu.enqueue_dma source(%dma_start3A_713 : memref<12288xf32, #tpu.memory_space<hbm>>) target(%arg5 : memref<12288xf32, #tpu.memory_space<vmem>>) target_semaphore(%arg10 : memref<!tpu.dma_semaphore, #tpu.memory_space<semaphore_mem>>)
      } else {
      }
      %dma_wait3A_693 = arith.constant 0 : i32
      %dma_wait3A_694 = tpu.memref_slice %arg2[%dma_wait3A_693] : memref<19267584xf32, #tpu.memory_space<hbm>> -> memref<12288xf32, #tpu.memory_space<hbm>>
      %dma_wait3A_695 = arith.constant 0 : i32
      %dma_wait3A_696 = tpu.memref_slice %arg2[%dma_wait3A_695] : memref<19267584xf32, #tpu.memory_space<hbm>> -> memref<12288xf32, #tpu.memory_space<hbm>>
      tpu.wait_dma2 semaphore(%arg11 : memref<!tpu.dma_semaphore, #tpu.memory_space<semaphore_mem>>) src(%dma_wait3A_696 : memref<12288xf32, #tpu.memory_space<hbm>>) dst(%arg6 : memref<12288xf32, #tpu.memory_space<vmem>>)
      %parallel_loop3A_697 = arith.constant 0 : i32
      %parallel_loop3A_698 = arith.constant 768 : i32
      %parallel_loop3A_699 = arith.constant 1 : i32
      scf.for %parallel_loop3A_707 = %parallel_loop3A_697 to %parallel_loop3A_698 step %parallel_loop3A_699  : i32 {
        %parallel_loop3A_708 = arith.constant 16 : i32
        %parallel_loop3A_709 = arith.muli %parallel_loop3A_707, %parallel_loop3A_708 : i32
        %parallel_loop3A_710 = arith.index_cast %parallel_loop3A_709 : i32 to index
        %parallel_loop3A_711 = tpu.vector_load %arg6[%parallel_loop3A_710] {strides = array<i32>} : memref<12288xf32, #tpu.memory_space<vmem>>, vector<16xf32>,
        %parallel_loop3A_712 = arith.mulf %parallel_loop3A_711, %get3A_3 : vector<16xf32>
        %parallel_loop3A_713 = arith.addf %parallel_loop3A_712, %add3A_267 : vector<16xf32>
        %parallel_loop3A_714 = arith.minimumf %parallel_loop3A_713, %add3A_270 : vector<16xf32>
        %parallel_loop3A_715 = arith.fptosi %parallel_loop3A_714 : vector<16xf32> to vector<16xi32>
        tpu.vector_store_idx %arg7[%parallel_loop3A_715], %broadcast_in_dim3A_263 {add = true} : memref<2048xi32, #tpu.memory_space<vmem>>[vector<16xi32>], vector<16xi32>,
      } {sc.loop_unroll_factor = 16 : i64, sc.parallel_access}
      %add3A_700 = arith.constant 3 : i32
      %add3A_701 = arith.addi %mul3A_680, %add3A_700 : i32
      %lt3A_702 = arith.constant 49 : i32
      %lt3A_703 = arith.cmpi slt, %add3A_701, %lt3A_702 : i32
      %convert_element_type3A_704 = arith.extui %lt3A_703 : i1 to i32
      %cond3A_705 = arith.constant 0 : i32
      %cond3A_706 = arith.cmpi ne, %convert_element_type3A_704, %cond3A_705 : i32
      scf.if %cond3A_706 {
        %add3A_707 = arith.constant 3 : i32
        %add3A_708 = arith.addi %mul3A_680, %add3A_707 : i32
        %mul3A_709 = arith.constant 12288 : i32
        %mul3A_710 = arith.muli %add3A_708, %mul3A_709 : i32
        %add3A_711 = arith.addi %mul3A_2, %mul3A_710 : i32
        %dma_start3A_712 = tpu.memref_slice %arg2[%add3A_711] : memref<19267584xf32, #tpu.memory_space<hbm>> -> memref<12288xf32, #tpu.memory_space<hbm>>
        %dma_start3A_713 = tpu.memref_slice %arg2[%add3A_711] : memref<19267584xf32, #tpu.memory_space<hbm>> -> memref<12288xf32, #tpu.memory_space<hbm>>
        tpu.enqueue_dma source(%dma_start3A_713 : memref<12288xf32, #tpu.memory_space<hbm>>) target(%arg6 : memref<12288xf32, #tpu.memory_space<vmem>>) target_semaphore(%arg11 : memref<!tpu.dma_semaphore, #tpu.memory_space<semaphore_mem>>)
      } else {
      }
    }
    %scan3A_280 = arith.constant 24 : i32
    %dma_wait3A = arith.constant 0 : i32
    %dma_wait3A_281 = tpu.memref_slice %arg2[%dma_wait3A] : memref<19267584xf32, #tpu.memory_space<hbm>> -> memref<12288xf32, #tpu.memory_space<hbm>>
    %dma_wait3A_282 = arith.constant 0 : i32
    %dma_wait3A_283 = tpu.memref_slice %arg2[%dma_wait3A_282] : memref<19267584xf32, #tpu.memory_space<hbm>> -> memref<12288xf32, #tpu.memory_space<hbm>>
    tpu.wait_dma2 semaphore(%arg10 : memref<!tpu.dma_semaphore, #tpu.memory_space<semaphore_mem>>) src(%dma_wait3A_283 : memref<12288xf32, #tpu.memory_space<hbm>>) dst(%arg5 : memref<12288xf32, #tpu.memory_space<vmem>>)
    %parallel_loop3A = arith.constant 0 : i32
    %parallel_loop3A_284 = arith.constant 768 : i32
    %parallel_loop3A_285 = arith.constant 1 : i32
    scf.for %parallel_loop3A_678 = %parallel_loop3A to %parallel_loop3A_284 step %parallel_loop3A_285  : i32 {
      %parallel_loop3A_679 = arith.constant 16 : i32
      %parallel_loop3A_680 = arith.muli %parallel_loop3A_678, %parallel_loop3A_679 : i32
      %parallel_loop3A_681 = arith.index_cast %parallel_loop3A_680 : i32 to index
      %parallel_loop3A_682 = tpu.vector_load %arg5[%parallel_loop3A_681] {strides = array<i32>} : memref<12288xf32, #tpu.memory_space<vmem>>, vector<16xf32>,
      %parallel_loop3A_683 = arith.mulf %parallel_loop3A_682, %get3A_3 : vector<16xf32>
      %parallel_loop3A_684 = arith.addf %parallel_loop3A_683, %add3A_267 : vector<16xf32>
      %parallel_loop3A_685 = arith.minimumf %parallel_loop3A_684, %add3A_270 : vector<16xf32>
      %parallel_loop3A_686 = arith.fptosi %parallel_loop3A_685 : vector<16xf32> to vector<16xi32>
      tpu.vector_store_idx %arg7[%parallel_loop3A_686], %broadcast_in_dim3A_263 {add = true} : memref<2048xi32, #tpu.memory_space<vmem>>[vector<16xi32>], vector<16xi32>,
    } {sc.loop_unroll_factor = 16 : i64, sc.parallel_access}
    %get3A_286 = arith.constant 0 : index
    %get3A_287 = tpu.vector_load %arg7[%get3A_286] {strides = array<i32>} : memref<2048xi32, #tpu.memory_space<vmem>>, vector<16xi32>,
    %get3A_288 = arith.constant 128 : index
    %get3A_289 = tpu.vector_load %arg7[%get3A_288] {strides = array<i32>} : memref<2048xi32, #tpu.memory_space<vmem>>, vector<16xi32>,
    %add3A_290 = arith.addi %get3A_287, %get3A_289 : vector<16xi32>
    %get3A_291 = arith.constant 256 : index
    %get3A_292 = tpu.vector_load %arg7[%get3A_291] {strides = array<i32>} : memref<2048xi32, #tpu.memory_space<vmem>>, vector<16xi32>,
    %add3A_293 = arith.addi %add3A_290, %get3A_292 : vector<16xi32>
    %get3A_294 = arith.constant 384 : index
    %get3A_295 = tpu.vector_load %arg7[%get3A_294] {strides = array<i32>} : memref<2048xi32, #tpu.memory_space<vmem>>, vector<16xi32>,
    %add3A_296 = arith.addi %add3A_293, %get3A_295 : vector<16xi32>
    %get3A_297 = arith.constant 512 : index
    %get3A_298 = tpu.vector_load %arg7[%get3A_297] {strides = array<i32>} : memref<2048xi32, #tpu.memory_space<vmem>>, vector<16xi32>,
    %add3A_299 = arith.addi %add3A_296, %get3A_298 : vector<16xi32>
    %get3A_300 = arith.constant 640 : index
    %get3A_301 = tpu.vector_load %arg7[%get3A_300] {strides = array<i32>} : memref<2048xi32, #tpu.memory_space<vmem>>, vector<16xi32>,
    %add3A_302 = arith.addi %add3A_299, %get3A_301 : vector<16xi32>
    %get3A_303 = arith.constant 768 : index
    %get3A_304 = tpu.vector_load %arg7[%get3A_303] {strides = array<i32>} : memref<2048xi32, #tpu.memory_space<vmem>>, vector<16xi32>,
    %add3A_305 = arith.addi %add3A_302, %get3A_304 : vector<16xi32>
    %get3A_306 = arith.constant 896 : index
    %get3A_307 = tpu.vector_load %arg7[%get3A_306] {strides = array<i32>} : memref<2048xi32, #tpu.memory_space<vmem>>, vector<16xi32>,
    %add3A_308 = arith.addi %add3A_305, %get3A_307 : vector<16xi32>
    %get3A_309 = arith.constant 1024 : index
    %get3A_310 = tpu.vector_load %arg7[%get3A_309] {strides = array<i32>} : memref<2048xi32, #tpu.memory_space<vmem>>, vector<16xi32>,
    %add3A_311 = arith.addi %add3A_308, %get3A_310 : vector<16xi32>
    %get3A_312 = arith.constant 1152 : index
    %get3A_313 = tpu.vector_load %arg7[%get3A_312] {strides = array<i32>} : memref<2048xi32, #tpu.memory_space<vmem>>, vector<16xi32>,
    %add3A_314 = arith.addi %add3A_311, %get3A_313 : vector<16xi32>
    %get3A_315 = arith.constant 1280 : index
    %get3A_316 = tpu.vector_load %arg7[%get3A_315] {strides = array<i32>} : memref<2048xi32, #tpu.memory_space<vmem>>, vector<16xi32>,
    %add3A_317 = arith.addi %add3A_314, %get3A_316 : vector<16xi32>
    %get3A_318 = arith.constant 1408 : index
    %get3A_319 = tpu.vector_load %arg7[%get3A_318] {strides = array<i32>} : memref<2048xi32, #tpu.memory_space<vmem>>, vector<16xi32>,
    %add3A_320 = arith.addi %add3A_317, %get3A_319 : vector<16xi32>
    %get3A_321 = arith.constant 1536 : index
    %get3A_322 = tpu.vector_load %arg7[%get3A_321] {strides = array<i32>} : memref<2048xi32, #tpu.memory_space<vmem>>, vector<16xi32>,
    %add3A_323 = arith.addi %add3A_320, %get3A_322 : vector<16xi32>
    %get3A_324 = arith.constant 1664 : index
    %get3A_325 = tpu.vector_load %arg7[%get3A_324] {strides = array<i32>} : memref<2048xi32, #tpu.memory_space<vmem>>, vector<16xi32>,
    %add3A_326 = arith.addi %add3A_323, %get3A_325 : vector<16xi32>
    %get3A_327 = arith.constant 1792 : index
    %get3A_328 = tpu.vector_load %arg7[%get3A_327] {strides = array<i32>} : memref<2048xi32, #tpu.memory_space<vmem>>, vector<16xi32>,
    %add3A_329 = arith.addi %add3A_326, %get3A_328 : vector<16xi32>
    %get3A_330 = arith.constant 1920 : index
    %get3A_331 = tpu.vector_load %arg7[%get3A_330] {strides = array<i32>} : memref<2048xi32, #tpu.memory_space<vmem>>, vector<16xi32>,
    %add3A_332 = arith.addi %add3A_329, %get3A_331 : vector<16xi32>
    %swap3A_333 = arith.constant 0 : index
    %swap3A_334 = tpu.vector_load %arg9[%swap3A_333] {strides = array<i32>} : memref<128xi32, #tpu.memory_space<vmem>>, vector<16xi32>,
    tpu.vector_store %arg9[%swap3A_333], %add3A_332 {strides = array<i32>} : memref<128xi32, #tpu.memory_space<vmem>>, vector<16xi32>,
    %get3A_335 = arith.constant 16 : index
    %get3A_336 = tpu.vector_load %arg7[%get3A_335] {strides = array<i32>} : memref<2048xi32, #tpu.memory_space<vmem>>, vector<16xi32>,
    %get3A_337 = arith.constant 144 : index
    %get3A_338 = tpu.vector_load %arg7[%get3A_337] {strides = array<i32>} : memref<2048xi32, #tpu.memory_space<vmem>>, vector<16xi32>,
    %add3A_339 = arith.addi %get3A_336, %get3A_338 : vector<16xi32>
    %get3A_340 = arith.constant 272 : index
    %get3A_341 = tpu.vector_load %arg7[%get3A_340] {strides = array<i32>} : memref<2048xi32, #tpu.memory_space<vmem>>, vector<16xi32>,
    %add3A_342 = arith.addi %add3A_339, %get3A_341 : vector<16xi32>
    %get3A_343 = arith.constant 400 : index
    %get3A_344 = tpu.vector_load %arg7[%get3A_343] {strides = array<i32>} : memref<2048xi32, #tpu.memory_space<vmem>>, vector<16xi32>,
    %add3A_345 = arith.addi %add3A_342, %get3A_344 : vector<16xi32>
    %get3A_346 = arith.constant 528 : index
    %get3A_347 = tpu.vector_load %arg7[%get3A_346] {strides = array<i32>} : memref<2048xi32, #tpu.memory_space<vmem>>, vector<16xi32>,
    %add3A_348 = arith.addi %add3A_345, %get3A_347 : vector<16xi32>
    %get3A_349 = arith.constant 656 : index
    %get3A_350 = tpu.vector_load %arg7[%get3A_349] {strides = array<i32>} : memref<2048xi32, #tpu.memory_space<vmem>>, vector<16xi32>,
    %add3A_351 = arith.addi %add3A_348, %get3A_350 : vector<16xi32>
    %get3A_352 = arith.constant 784 : index
    %get3A_353 = tpu.vector_load %arg7[%get3A_352] {strides = array<i32>} : memref<2048xi32, #tpu.memory_space<vmem>>, vector<16xi32>,
    %add3A_354 = arith.addi %add3A_351, %get3A_353 : vector<16xi32>
    %get3A_355 = arith.constant 912 : index
    %get3A_356 = tpu.vector_load %arg7[%get3A_355] {strides = array<i32>} : memref<2048xi32, #tpu.memory_space<vmem>>, vector<16xi32>,
    %add3A_357 = arith.addi %add3A_354, %get3A_356 : vector<16xi32>
    %get3A_358 = arith.constant 1040 : index
    %get3A_359 = tpu.vector_load %arg7[%get3A_358] {strides = array<i32>} : memref<2048xi32, #tpu.memory_space<vmem>>, vector<16xi32>,
    %add3A_360 = arith.addi %add3A_357, %get3A_359 : vector<16xi32>
    %get3A_361 = arith.constant 1168 : index
    %get3A_362 = tpu.vector_load %arg7[%get3A_361] {strides = array<i32>} : memref<2048xi32, #tpu.memory_space<vmem>>, vector<16xi32>,
    %add3A_363 = arith.addi %add3A_360, %get3A_362 : vector<16xi32>
    %get3A_364 = arith.constant 1296 : index
    %get3A_365 = tpu.vector_load %arg7[%get3A_364] {strides = array<i32>} : memref<2048xi32, #tpu.memory_space<vmem>>, vector<16xi32>,
    %add3A_366 = arith.addi %add3A_363, %get3A_365 : vector<16xi32>
    %get3A_367 = arith.constant 1424 : index
    %get3A_368 = tpu.vector_load %arg7[%get3A_367] {strides = array<i32>} : memref<2048xi32, #tpu.memory_space<vmem>>, vector<16xi32>,
    %add3A_369 = arith.addi %add3A_366, %get3A_368 : vector<16xi32>
    %get3A_370 = arith.constant 1552 : index
    %get3A_371 = tpu.vector_load %arg7[%get3A_370] {strides = array<i32>} : memref<2048xi32, #tpu.memory_space<vmem>>, vector<16xi32>,
    %add3A_372 = arith.addi %add3A_369, %get3A_371 : vector<16xi32>
    %get3A_373 = arith.constant 1680 : index
    %get3A_374 = tpu.vector_load %arg7[%get3A_373] {strides = array<i32>} : memref<2048xi32, #tpu.memory_space<vmem>>, vector<16xi32>,
    %add3A_375 = arith.addi %add3A_372, %get3A_374 : vector<16xi32>
    %get3A_376 = arith.constant 1808 : index
    %get3A_377 = tpu.vector_load %arg7[%get3A_376] {strides = array<i32>} : memref<2048xi32, #tpu.memory_space<vmem>>, vector<16xi32>,
    %add3A_378 = arith.addi %add3A_375, %get3A_377 : vector<16xi32>
    %get3A_379 = arith.constant 1936 : index
    %get3A_380 = tpu.vector_load %arg7[%get3A_379] {strides = array<i32>} : memref<2048xi32, #tpu.memory_space<vmem>>, vector<16xi32>,
    %add3A_381 = arith.addi %add3A_378, %get3A_380 : vector<16xi32>
    %swap3A_382 = arith.constant 16 : index
    %swap3A_383 = tpu.vector_load %arg9[%swap3A_382] {strides = array<i32>} : memref<128xi32, #tpu.memory_space<vmem>>, vector<16xi32>,
    tpu.vector_store %arg9[%swap3A_382], %add3A_381 {strides = array<i32>} : memref<128xi32, #tpu.memory_space<vmem>>, vector<16xi32>,
    %get3A_384 = arith.constant 32 : index
    %get3A_385 = tpu.vector_load %arg7[%get3A_384] {strides = array<i32>} : memref<2048xi32, #tpu.memory_space<vmem>>, vector<16xi32>,
    %get3A_386 = arith.constant 160 : index
    %get3A_387 = tpu.vector_load %arg7[%get3A_386] {strides = array<i32>} : memref<2048xi32, #tpu.memory_space<vmem>>, vector<16xi32>,
    %add3A_388 = arith.addi %get3A_385, %get3A_387 : vector<16xi32>
    %get3A_389 = arith.constant 288 : index
    %get3A_390 = tpu.vector_load %arg7[%get3A_389] {strides = array<i32>} : memref<2048xi32, #tpu.memory_space<vmem>>, vector<16xi32>,
    %add3A_391 = arith.addi %add3A_388, %get3A_390 : vector<16xi32>
    %get3A_392 = arith.constant 416 : index
    %get3A_393 = tpu.vector_load %arg7[%get3A_392] {strides = array<i32>} : memref<2048xi32, #tpu.memory_space<vmem>>, vector<16xi32>,
    %add3A_394 = arith.addi %add3A_391, %get3A_393 : vector<16xi32>
    %get3A_395 = arith.constant 544 : index
    %get3A_396 = tpu.vector_load %arg7[%get3A_395] {strides = array<i32>} : memref<2048xi32, #tpu.memory_space<vmem>>, vector<16xi32>,
    %add3A_397 = arith.addi %add3A_394, %get3A_396 : vector<16xi32>
    %get3A_398 = arith.constant 672 : index
    %get3A_399 = tpu.vector_load %arg7[%get3A_398] {strides = array<i32>} : memref<2048xi32, #tpu.memory_space<vmem>>, vector<16xi32>,
    %add3A_400 = arith.addi %add3A_397, %get3A_399 : vector<16xi32>
    %get3A_401 = arith.constant 800 : index
    %get3A_402 = tpu.vector_load %arg7[%get3A_401] {strides = array<i32>} : memref<2048xi32, #tpu.memory_space<vmem>>, vector<16xi32>,
    %add3A_403 = arith.addi %add3A_400, %get3A_402 : vector<16xi32>
    %get3A_404 = arith.constant 928 : index
    %get3A_405 = tpu.vector_load %arg7[%get3A_404] {strides = array<i32>} : memref<2048xi32, #tpu.memory_space<vmem>>, vector<16xi32>,
    %add3A_406 = arith.addi %add3A_403, %get3A_405 : vector<16xi32>
    %get3A_407 = arith.constant 1056 : index
    %get3A_408 = tpu.vector_load %arg7[%get3A_407] {strides = array<i32>} : memref<2048xi32, #tpu.memory_space<vmem>>, vector<16xi32>,
    %add3A_409 = arith.addi %add3A_406, %get3A_408 : vector<16xi32>
    %get3A_410 = arith.constant 1184 : index
    %get3A_411 = tpu.vector_load %arg7[%get3A_410] {strides = array<i32>} : memref<2048xi32, #tpu.memory_space<vmem>>, vector<16xi32>,
    %add3A_412 = arith.addi %add3A_409, %get3A_411 : vector<16xi32>
    %get3A_413 = arith.constant 1312 : index
    %get3A_414 = tpu.vector_load %arg7[%get3A_413] {strides = array<i32>} : memref<2048xi32, #tpu.memory_space<vmem>>, vector<16xi32>,
    %add3A_415 = arith.addi %add3A_412, %get3A_414 : vector<16xi32>
    %get3A_416 = arith.constant 1440 : index
    %get3A_417 = tpu.vector_load %arg7[%get3A_416] {strides = array<i32>} : memref<2048xi32, #tpu.memory_space<vmem>>, vector<16xi32>,
    %add3A_418 = arith.addi %add3A_415, %get3A_417 : vector<16xi32>
    %get3A_419 = arith.constant 1568 : index
    %get3A_420 = tpu.vector_load %arg7[%get3A_419] {strides = array<i32>} : memref<2048xi32, #tpu.memory_space<vmem>>, vector<16xi32>,
    %add3A_421 = arith.addi %add3A_418, %get3A_420 : vector<16xi32>
    %get3A_422 = arith.constant 1696 : index
    %get3A_423 = tpu.vector_load %arg7[%get3A_422] {strides = array<i32>} : memref<2048xi32, #tpu.memory_space<vmem>>, vector<16xi32>,
    %add3A_424 = arith.addi %add3A_421, %get3A_423 : vector<16xi32>
    %get3A_425 = arith.constant 1824 : index
    %get3A_426 = tpu.vector_load %arg7[%get3A_425] {strides = array<i32>} : memref<2048xi32, #tpu.memory_space<vmem>>, vector<16xi32>,
    %add3A_427 = arith.addi %add3A_424, %get3A_426 : vector<16xi32>
    %get3A_428 = arith.constant 1952 : index
    %get3A_429 = tpu.vector_load %arg7[%get3A_428] {strides = array<i32>} : memref<2048xi32, #tpu.memory_space<vmem>>, vector<16xi32>,
    %add3A_430 = arith.addi %add3A_427, %get3A_429 : vector<16xi32>
    %swap3A_431 = arith.constant 32 : index
    %swap3A_432 = tpu.vector_load %arg9[%swap3A_431] {strides = array<i32>} : memref<128xi32, #tpu.memory_space<vmem>>, vector<16xi32>,
    tpu.vector_store %arg9[%swap3A_431], %add3A_430 {strides = array<i32>} : memref<128xi32, #tpu.memory_space<vmem>>, vector<16xi32>,
    %get3A_433 = arith.constant 48 : index
    %get3A_434 = tpu.vector_load %arg7[%get3A_433] {strides = array<i32>} : memref<2048xi32, #tpu.memory_space<vmem>>, vector<16xi32>,
    %get3A_435 = arith.constant 176 : index
    %get3A_436 = tpu.vector_load %arg7[%get3A_435] {strides = array<i32>} : memref<2048xi32, #tpu.memory_space<vmem>>, vector<16xi32>,
    %add3A_437 = arith.addi %get3A_434, %get3A_436 : vector<16xi32>
    %get3A_438 = arith.constant 304 : index
    %get3A_439 = tpu.vector_load %arg7[%get3A_438] {strides = array<i32>} : memref<2048xi32, #tpu.memory_space<vmem>>, vector<16xi32>,
    %add3A_440 = arith.addi %add3A_437, %get3A_439 : vector<16xi32>
    %get3A_441 = arith.constant 432 : index
    %get3A_442 = tpu.vector_load %arg7[%get3A_441] {strides = array<i32>} : memref<2048xi32, #tpu.memory_space<vmem>>, vector<16xi32>,
    %add3A_443 = arith.addi %add3A_440, %get3A_442 : vector<16xi32>
    %get3A_444 = arith.constant 560 : index
    %get3A_445 = tpu.vector_load %arg7[%get3A_444] {strides = array<i32>} : memref<2048xi32, #tpu.memory_space<vmem>>, vector<16xi32>,
    %add3A_446 = arith.addi %add3A_443, %get3A_445 : vector<16xi32>
    %get3A_447 = arith.constant 688 : index
    %get3A_448 = tpu.vector_load %arg7[%get3A_447] {strides = array<i32>} : memref<2048xi32, #tpu.memory_space<vmem>>, vector<16xi32>,
    %add3A_449 = arith.addi %add3A_446, %get3A_448 : vector<16xi32>
    %get3A_450 = arith.constant 816 : index
    %get3A_451 = tpu.vector_load %arg7[%get3A_450] {strides = array<i32>} : memref<2048xi32, #tpu.memory_space<vmem>>, vector<16xi32>,
    %add3A_452 = arith.addi %add3A_449, %get3A_451 : vector<16xi32>
    %get3A_453 = arith.constant 944 : index
    %get3A_454 = tpu.vector_load %arg7[%get3A_453] {strides = array<i32>} : memref<2048xi32, #tpu.memory_space<vmem>>, vector<16xi32>,
    %add3A_455 = arith.addi %add3A_452, %get3A_454 : vector<16xi32>
    %get3A_456 = arith.constant 1072 : index
    %get3A_457 = tpu.vector_load %arg7[%get3A_456] {strides = array<i32>} : memref<2048xi32, #tpu.memory_space<vmem>>, vector<16xi32>,
    %add3A_458 = arith.addi %add3A_455, %get3A_457 : vector<16xi32>
    %get3A_459 = arith.constant 1200 : index
    %get3A_460 = tpu.vector_load %arg7[%get3A_459] {strides = array<i32>} : memref<2048xi32, #tpu.memory_space<vmem>>, vector<16xi32>,
    %add3A_461 = arith.addi %add3A_458, %get3A_460 : vector<16xi32>
    %get3A_462 = arith.constant 1328 : index
    %get3A_463 = tpu.vector_load %arg7[%get3A_462] {strides = array<i32>} : memref<2048xi32, #tpu.memory_space<vmem>>, vector<16xi32>,
    %add3A_464 = arith.addi %add3A_461, %get3A_463 : vector<16xi32>
    %get3A_465 = arith.constant 1456 : index
    %get3A_466 = tpu.vector_load %arg7[%get3A_465] {strides = array<i32>} : memref<2048xi32, #tpu.memory_space<vmem>>, vector<16xi32>,
    %add3A_467 = arith.addi %add3A_464, %get3A_466 : vector<16xi32>
    %get3A_468 = arith.constant 1584 : index
    %get3A_469 = tpu.vector_load %arg7[%get3A_468] {strides = array<i32>} : memref<2048xi32, #tpu.memory_space<vmem>>, vector<16xi32>,
    %add3A_470 = arith.addi %add3A_467, %get3A_469 : vector<16xi32>
    %get3A_471 = arith.constant 1712 : index
    %get3A_472 = tpu.vector_load %arg7[%get3A_471] {strides = array<i32>} : memref<2048xi32, #tpu.memory_space<vmem>>, vector<16xi32>,
    %add3A_473 = arith.addi %add3A_470, %get3A_472 : vector<16xi32>
    %get3A_474 = arith.constant 1840 : index
    %get3A_475 = tpu.vector_load %arg7[%get3A_474] {strides = array<i32>} : memref<2048xi32, #tpu.memory_space<vmem>>, vector<16xi32>,
    %add3A_476 = arith.addi %add3A_473, %get3A_475 : vector<16xi32>
    %get3A_477 = arith.constant 1968 : index
    %get3A_478 = tpu.vector_load %arg7[%get3A_477] {strides = array<i32>} : memref<2048xi32, #tpu.memory_space<vmem>>, vector<16xi32>,
    %add3A_479 = arith.addi %add3A_476, %get3A_478 : vector<16xi32>
    %swap3A_480 = arith.constant 48 : index
    %swap3A_481 = tpu.vector_load %arg9[%swap3A_480] {strides = array<i32>} : memref<128xi32, #tpu.memory_space<vmem>>, vector<16xi32>,
    tpu.vector_store %arg9[%swap3A_480], %add3A_479 {strides = array<i32>} : memref<128xi32, #tpu.memory_space<vmem>>, vector<16xi32>,
    %get3A_482 = arith.constant 64 : index
    %get3A_483 = tpu.vector_load %arg7[%get3A_482] {strides = array<i32>} : memref<2048xi32, #tpu.memory_space<vmem>>, vector<16xi32>,
    %get3A_484 = arith.constant 192 : index
    %get3A_485 = tpu.vector_load %arg7[%get3A_484] {strides = array<i32>} : memref<2048xi32, #tpu.memory_space<vmem>>, vector<16xi32>,
    %add3A_486 = arith.addi %get3A_483, %get3A_485 : vector<16xi32>
    %get3A_487 = arith.constant 320 : index
    %get3A_488 = tpu.vector_load %arg7[%get3A_487] {strides = array<i32>} : memref<2048xi32, #tpu.memory_space<vmem>>, vector<16xi32>,
    %add3A_489 = arith.addi %add3A_486, %get3A_488 : vector<16xi32>
    %get3A_490 = arith.constant 448 : index
    %get3A_491 = tpu.vector_load %arg7[%get3A_490] {strides = array<i32>} : memref<2048xi32, #tpu.memory_space<vmem>>, vector<16xi32>,
    %add3A_492 = arith.addi %add3A_489, %get3A_491 : vector<16xi32>
    %get3A_493 = arith.constant 576 : index
    %get3A_494 = tpu.vector_load %arg7[%get3A_493] {strides = array<i32>} : memref<2048xi32, #tpu.memory_space<vmem>>, vector<16xi32>,
    %add3A_495 = arith.addi %add3A_492, %get3A_494 : vector<16xi32>
    %get3A_496 = arith.constant 704 : index
    %get3A_497 = tpu.vector_load %arg7[%get3A_496] {strides = array<i32>} : memref<2048xi32, #tpu.memory_space<vmem>>, vector<16xi32>,
    %add3A_498 = arith.addi %add3A_495, %get3A_497 : vector<16xi32>
    %get3A_499 = arith.constant 832 : index
    %get3A_500 = tpu.vector_load %arg7[%get3A_499] {strides = array<i32>} : memref<2048xi32, #tpu.memory_space<vmem>>, vector<16xi32>,
    %add3A_501 = arith.addi %add3A_498, %get3A_500 : vector<16xi32>
    %get3A_502 = arith.constant 960 : index
    %get3A_503 = tpu.vector_load %arg7[%get3A_502] {strides = array<i32>} : memref<2048xi32, #tpu.memory_space<vmem>>, vector<16xi32>,
    %add3A_504 = arith.addi %add3A_501, %get3A_503 : vector<16xi32>
    %get3A_505 = arith.constant 1088 : index
    %get3A_506 = tpu.vector_load %arg7[%get3A_505] {strides = array<i32>} : memref<2048xi32, #tpu.memory_space<vmem>>, vector<16xi32>,
    %add3A_507 = arith.addi %add3A_504, %get3A_506 : vector<16xi32>
    %get3A_508 = arith.constant 1216 : index
    %get3A_509 = tpu.vector_load %arg7[%get3A_508] {strides = array<i32>} : memref<2048xi32, #tpu.memory_space<vmem>>, vector<16xi32>,
    %add3A_510 = arith.addi %add3A_507, %get3A_509 : vector<16xi32>
    %get3A_511 = arith.constant 1344 : index
    %get3A_512 = tpu.vector_load %arg7[%get3A_511] {strides = array<i32>} : memref<2048xi32, #tpu.memory_space<vmem>>, vector<16xi32>,
    %add3A_513 = arith.addi %add3A_510, %get3A_512 : vector<16xi32>
    %get3A_514 = arith.constant 1472 : index
    %get3A_515 = tpu.vector_load %arg7[%get3A_514] {strides = array<i32>} : memref<2048xi32, #tpu.memory_space<vmem>>, vector<16xi32>,
    %add3A_516 = arith.addi %add3A_513, %get3A_515 : vector<16xi32>
    %get3A_517 = arith.constant 1600 : index
    %get3A_518 = tpu.vector_load %arg7[%get3A_517] {strides = array<i32>} : memref<2048xi32, #tpu.memory_space<vmem>>, vector<16xi32>,
    %add3A_519 = arith.addi %add3A_516, %get3A_518 : vector<16xi32>
    %get3A_520 = arith.constant 1728 : index
    %get3A_521 = tpu.vector_load %arg7[%get3A_520] {strides = array<i32>} : memref<2048xi32, #tpu.memory_space<vmem>>, vector<16xi32>,
    %add3A_522 = arith.addi %add3A_519, %get3A_521 : vector<16xi32>
    %get3A_523 = arith.constant 1856 : index
    %get3A_524 = tpu.vector_load %arg7[%get3A_523] {strides = array<i32>} : memref<2048xi32, #tpu.memory_space<vmem>>, vector<16xi32>,
    %add3A_525 = arith.addi %add3A_522, %get3A_524 : vector<16xi32>
    %get3A_526 = arith.constant 1984 : index
    %get3A_527 = tpu.vector_load %arg7[%get3A_526] {strides = array<i32>} : memref<2048xi32, #tpu.memory_space<vmem>>, vector<16xi32>,
    %add3A_528 = arith.addi %add3A_525, %get3A_527 : vector<16xi32>
    %swap3A_529 = arith.constant 64 : index
    %swap3A_530 = tpu.vector_load %arg9[%swap3A_529] {strides = array<i32>} : memref<128xi32, #tpu.memory_space<vmem>>, vector<16xi32>,
    tpu.vector_store %arg9[%swap3A_529], %add3A_528 {strides = array<i32>} : memref<128xi32, #tpu.memory_space<vmem>>, vector<16xi32>,
    %get3A_531 = arith.constant 80 : index
    %get3A_532 = tpu.vector_load %arg7[%get3A_531] {strides = array<i32>} : memref<2048xi32, #tpu.memory_space<vmem>>, vector<16xi32>,
    %get3A_533 = arith.constant 208 : index
    %get3A_534 = tpu.vector_load %arg7[%get3A_533] {strides = array<i32>} : memref<2048xi32, #tpu.memory_space<vmem>>, vector<16xi32>,
    %add3A_535 = arith.addi %get3A_532, %get3A_534 : vector<16xi32>
    %get3A_536 = arith.constant 336 : index
    %get3A_537 = tpu.vector_load %arg7[%get3A_536] {strides = array<i32>} : memref<2048xi32, #tpu.memory_space<vmem>>, vector<16xi32>,
    %add3A_538 = arith.addi %add3A_535, %get3A_537 : vector<16xi32>
    %get3A_539 = arith.constant 464 : index
    %get3A_540 = tpu.vector_load %arg7[%get3A_539] {strides = array<i32>} : memref<2048xi32, #tpu.memory_space<vmem>>, vector<16xi32>,
    %add3A_541 = arith.addi %add3A_538, %get3A_540 : vector<16xi32>
    %get3A_542 = arith.constant 592 : index
    %get3A_543 = tpu.vector_load %arg7[%get3A_542] {strides = array<i32>} : memref<2048xi32, #tpu.memory_space<vmem>>, vector<16xi32>,
    %add3A_544 = arith.addi %add3A_541, %get3A_543 : vector<16xi32>
    %get3A_545 = arith.constant 720 : index
    %get3A_546 = tpu.vector_load %arg7[%get3A_545] {strides = array<i32>} : memref<2048xi32, #tpu.memory_space<vmem>>, vector<16xi32>,
    %add3A_547 = arith.addi %add3A_544, %get3A_546 : vector<16xi32>
    %get3A_548 = arith.constant 848 : index
    %get3A_549 = tpu.vector_load %arg7[%get3A_548] {strides = array<i32>} : memref<2048xi32, #tpu.memory_space<vmem>>, vector<16xi32>,
    %add3A_550 = arith.addi %add3A_547, %get3A_549 : vector<16xi32>
    %get3A_551 = arith.constant 976 : index
    %get3A_552 = tpu.vector_load %arg7[%get3A_551] {strides = array<i32>} : memref<2048xi32, #tpu.memory_space<vmem>>, vector<16xi32>,
    %add3A_553 = arith.addi %add3A_550, %get3A_552 : vector<16xi32>
    %get3A_554 = arith.constant 1104 : index
    %get3A_555 = tpu.vector_load %arg7[%get3A_554] {strides = array<i32>} : memref<2048xi32, #tpu.memory_space<vmem>>, vector<16xi32>,
    %add3A_556 = arith.addi %add3A_553, %get3A_555 : vector<16xi32>
    %get3A_557 = arith.constant 1232 : index
    %get3A_558 = tpu.vector_load %arg7[%get3A_557] {strides = array<i32>} : memref<2048xi32, #tpu.memory_space<vmem>>, vector<16xi32>,
    %add3A_559 = arith.addi %add3A_556, %get3A_558 : vector<16xi32>
    %get3A_560 = arith.constant 1360 : index
    %get3A_561 = tpu.vector_load %arg7[%get3A_560] {strides = array<i32>} : memref<2048xi32, #tpu.memory_space<vmem>>, vector<16xi32>,
    %add3A_562 = arith.addi %add3A_559, %get3A_561 : vector<16xi32>
    %get3A_563 = arith.constant 1488 : index
    %get3A_564 = tpu.vector_load %arg7[%get3A_563] {strides = array<i32>} : memref<2048xi32, #tpu.memory_space<vmem>>, vector<16xi32>,
    %add3A_565 = arith.addi %add3A_562, %get3A_564 : vector<16xi32>
    %get3A_566 = arith.constant 1616 : index
    %get3A_567 = tpu.vector_load %arg7[%get3A_566] {strides = array<i32>} : memref<2048xi32, #tpu.memory_space<vmem>>, vector<16xi32>,
    %add3A_568 = arith.addi %add3A_565, %get3A_567 : vector<16xi32>
    %get3A_569 = arith.constant 1744 : index
    %get3A_570 = tpu.vector_load %arg7[%get3A_569] {strides = array<i32>} : memref<2048xi32, #tpu.memory_space<vmem>>, vector<16xi32>,
    %add3A_571 = arith.addi %add3A_568, %get3A_570 : vector<16xi32>
    %get3A_572 = arith.constant 1872 : index
    %get3A_573 = tpu.vector_load %arg7[%get3A_572] {strides = array<i32>} : memref<2048xi32, #tpu.memory_space<vmem>>, vector<16xi32>,
    %add3A_574 = arith.addi %add3A_571, %get3A_573 : vector<16xi32>
    %get3A_575 = arith.constant 2000 : index
    %get3A_576 = tpu.vector_load %arg7[%get3A_575] {strides = array<i32>} : memref<2048xi32, #tpu.memory_space<vmem>>, vector<16xi32>,
    %add3A_577 = arith.addi %add3A_574, %get3A_576 : vector<16xi32>
    %swap3A_578 = arith.constant 80 : index
    %swap3A_579 = tpu.vector_load %arg9[%swap3A_578] {strides = array<i32>} : memref<128xi32, #tpu.memory_space<vmem>>, vector<16xi32>,
    tpu.vector_store %arg9[%swap3A_578], %add3A_577 {strides = array<i32>} : memref<128xi32, #tpu.memory_space<vmem>>, vector<16xi32>,
    %get3A_580 = arith.constant 96 : index
    %get3A_581 = tpu.vector_load %arg7[%get3A_580] {strides = array<i32>} : memref<2048xi32, #tpu.memory_space<vmem>>, vector<16xi32>,
    %get3A_582 = arith.constant 224 : index
    %get3A_583 = tpu.vector_load %arg7[%get3A_582] {strides = array<i32>} : memref<2048xi32, #tpu.memory_space<vmem>>, vector<16xi32>,
    %add3A_584 = arith.addi %get3A_581, %get3A_583 : vector<16xi32>
    %get3A_585 = arith.constant 352 : index
    %get3A_586 = tpu.vector_load %arg7[%get3A_585] {strides = array<i32>} : memref<2048xi32, #tpu.memory_space<vmem>>, vector<16xi32>,
    %add3A_587 = arith.addi %add3A_584, %get3A_586 : vector<16xi32>
    %get3A_588 = arith.constant 480 : index
    %get3A_589 = tpu.vector_load %arg7[%get3A_588] {strides = array<i32>} : memref<2048xi32, #tpu.memory_space<vmem>>, vector<16xi32>,
    %add3A_590 = arith.addi %add3A_587, %get3A_589 : vector<16xi32>
    %get3A_591 = arith.constant 608 : index
    %get3A_592 = tpu.vector_load %arg7[%get3A_591] {strides = array<i32>} : memref<2048xi32, #tpu.memory_space<vmem>>, vector<16xi32>,
    %add3A_593 = arith.addi %add3A_590, %get3A_592 : vector<16xi32>
    %get3A_594 = arith.constant 736 : index
    %get3A_595 = tpu.vector_load %arg7[%get3A_594] {strides = array<i32>} : memref<2048xi32, #tpu.memory_space<vmem>>, vector<16xi32>,
    %add3A_596 = arith.addi %add3A_593, %get3A_595 : vector<16xi32>
    %get3A_597 = arith.constant 864 : index
    %get3A_598 = tpu.vector_load %arg7[%get3A_597] {strides = array<i32>} : memref<2048xi32, #tpu.memory_space<vmem>>, vector<16xi32>,
    %add3A_599 = arith.addi %add3A_596, %get3A_598 : vector<16xi32>
    %get3A_600 = arith.constant 992 : index
    %get3A_601 = tpu.vector_load %arg7[%get3A_600] {strides = array<i32>} : memref<2048xi32, #tpu.memory_space<vmem>>, vector<16xi32>,
    %add3A_602 = arith.addi %add3A_599, %get3A_601 : vector<16xi32>
    %get3A_603 = arith.constant 1120 : index
    %get3A_604 = tpu.vector_load %arg7[%get3A_603] {strides = array<i32>} : memref<2048xi32, #tpu.memory_space<vmem>>, vector<16xi32>,
    %add3A_605 = arith.addi %add3A_602, %get3A_604 : vector<16xi32>
    %get3A_606 = arith.constant 1248 : index
    %get3A_607 = tpu.vector_load %arg7[%get3A_606] {strides = array<i32>} : memref<2048xi32, #tpu.memory_space<vmem>>, vector<16xi32>,
    %add3A_608 = arith.addi %add3A_605, %get3A_607 : vector<16xi32>
    %get3A_609 = arith.constant 1376 : index
    %get3A_610 = tpu.vector_load %arg7[%get3A_609] {strides = array<i32>} : memref<2048xi32, #tpu.memory_space<vmem>>, vector<16xi32>,
    %add3A_611 = arith.addi %add3A_608, %get3A_610 : vector<16xi32>
    %get3A_612 = arith.constant 1504 : index
    %get3A_613 = tpu.vector_load %arg7[%get3A_612] {strides = array<i32>} : memref<2048xi32, #tpu.memory_space<vmem>>, vector<16xi32>,
    %add3A_614 = arith.addi %add3A_611, %get3A_613 : vector<16xi32>
    %get3A_615 = arith.constant 1632 : index
    %get3A_616 = tpu.vector_load %arg7[%get3A_615] {strides = array<i32>} : memref<2048xi32, #tpu.memory_space<vmem>>, vector<16xi32>,
    %add3A_617 = arith.addi %add3A_614, %get3A_616 : vector<16xi32>
    %get3A_618 = arith.constant 1760 : index
    %get3A_619 = tpu.vector_load %arg7[%get3A_618] {strides = array<i32>} : memref<2048xi32, #tpu.memory_space<vmem>>, vector<16xi32>,
    %add3A_620 = arith.addi %add3A_617, %get3A_619 : vector<16xi32>
    %get3A_621 = arith.constant 1888 : index
    %get3A_622 = tpu.vector_load %arg7[%get3A_621] {strides = array<i32>} : memref<2048xi32, #tpu.memory_space<vmem>>, vector<16xi32>,
    %add3A_623 = arith.addi %add3A_620, %get3A_622 : vector<16xi32>
    %get3A_624 = arith.constant 2016 : index
    %get3A_625 = tpu.vector_load %arg7[%get3A_624] {strides = array<i32>} : memref<2048xi32, #tpu.memory_space<vmem>>, vector<16xi32>,
    %add3A_626 = arith.addi %add3A_623, %get3A_625 : vector<16xi32>
    %swap3A_627 = arith.constant 96 : index
    %swap3A_628 = tpu.vector_load %arg9[%swap3A_627] {strides = array<i32>} : memref<128xi32, #tpu.memory_space<vmem>>, vector<16xi32>,
    tpu.vector_store %arg9[%swap3A_627], %add3A_626 {strides = array<i32>} : memref<128xi32, #tpu.memory_space<vmem>>, vector<16xi32>,
    %get3A_629 = arith.constant 112 : index
    %get3A_630 = tpu.vector_load %arg7[%get3A_629] {strides = array<i32>} : memref<2048xi32, #tpu.memory_space<vmem>>, vector<16xi32>,
    %get3A_631 = arith.constant 240 : index
    %get3A_632 = tpu.vector_load %arg7[%get3A_631] {strides = array<i32>} : memref<2048xi32, #tpu.memory_space<vmem>>, vector<16xi32>,
    %add3A_633 = arith.addi %get3A_630, %get3A_632 : vector<16xi32>
    %get3A_634 = arith.constant 368 : index
    %get3A_635 = tpu.vector_load %arg7[%get3A_634] {strides = array<i32>} : memref<2048xi32, #tpu.memory_space<vmem>>, vector<16xi32>,
    %add3A_636 = arith.addi %add3A_633, %get3A_635 : vector<16xi32>
    %get3A_637 = arith.constant 496 : index
    %get3A_638 = tpu.vector_load %arg7[%get3A_637] {strides = array<i32>} : memref<2048xi32, #tpu.memory_space<vmem>>, vector<16xi32>,
    %add3A_639 = arith.addi %add3A_636, %get3A_638 : vector<16xi32>
    %get3A_640 = arith.constant 624 : index
    %get3A_641 = tpu.vector_load %arg7[%get3A_640] {strides = array<i32>} : memref<2048xi32, #tpu.memory_space<vmem>>, vector<16xi32>,
    %add3A_642 = arith.addi %add3A_639, %get3A_641 : vector<16xi32>
    %get3A_643 = arith.constant 752 : index
    %get3A_644 = tpu.vector_load %arg7[%get3A_643] {strides = array<i32>} : memref<2048xi32, #tpu.memory_space<vmem>>, vector<16xi32>,
    %add3A_645 = arith.addi %add3A_642, %get3A_644 : vector<16xi32>
    %get3A_646 = arith.constant 880 : index
    %get3A_647 = tpu.vector_load %arg7[%get3A_646] {strides = array<i32>} : memref<2048xi32, #tpu.memory_space<vmem>>, vector<16xi32>,
    %add3A_648 = arith.addi %add3A_645, %get3A_647 : vector<16xi32>
    %get3A_649 = arith.constant 1008 : index
    %get3A_650 = tpu.vector_load %arg7[%get3A_649] {strides = array<i32>} : memref<2048xi32, #tpu.memory_space<vmem>>, vector<16xi32>,
    %add3A_651 = arith.addi %add3A_648, %get3A_650 : vector<16xi32>
    %get3A_652 = arith.constant 1136 : index
    %get3A_653 = tpu.vector_load %arg7[%get3A_652] {strides = array<i32>} : memref<2048xi32, #tpu.memory_space<vmem>>, vector<16xi32>,
    %add3A_654 = arith.addi %add3A_651, %get3A_653 : vector<16xi32>
    %get3A_655 = arith.constant 1264 : index
    %get3A_656 = tpu.vector_load %arg7[%get3A_655] {strides = array<i32>} : memref<2048xi32, #tpu.memory_space<vmem>>, vector<16xi32>,
    %add3A_657 = arith.addi %add3A_654, %get3A_656 : vector<16xi32>
    %get3A_658 = arith.constant 1392 : index
    %get3A_659 = tpu.vector_load %arg7[%get3A_658] {strides = array<i32>} : memref<2048xi32, #tpu.memory_space<vmem>>, vector<16xi32>,
    %add3A_660 = arith.addi %add3A_657, %get3A_659 : vector<16xi32>
    %get3A_661 = arith.constant 1520 : index
    %get3A_662 = tpu.vector_load %arg7[%get3A_661] {strides = array<i32>} : memref<2048xi32, #tpu.memory_space<vmem>>, vector<16xi32>,
    %add3A_663 = arith.addi %add3A_660, %get3A_662 : vector<16xi32>
    %get3A_664 = arith.constant 1648 : index
    %get3A_665 = tpu.vector_load %arg7[%get3A_664] {strides = array<i32>} : memref<2048xi32, #tpu.memory_space<vmem>>, vector<16xi32>,
    %add3A_666 = arith.addi %add3A_663, %get3A_665 : vector<16xi32>
    %get3A_667 = arith.constant 1776 : index
    %get3A_668 = tpu.vector_load %arg7[%get3A_667] {strides = array<i32>} : memref<2048xi32, #tpu.memory_space<vmem>>, vector<16xi32>,
    %add3A_669 = arith.addi %add3A_666, %get3A_668 : vector<16xi32>
    %get3A_670 = arith.constant 1904 : index
    %get3A_671 = tpu.vector_load %arg7[%get3A_670] {strides = array<i32>} : memref<2048xi32, #tpu.memory_space<vmem>>, vector<16xi32>,
    %add3A_672 = arith.addi %add3A_669, %get3A_671 : vector<16xi32>
    %get3A_673 = arith.constant 2032 : index
    %get3A_674 = tpu.vector_load %arg7[%get3A_673] {strides = array<i32>} : memref<2048xi32, #tpu.memory_space<vmem>>, vector<16xi32>,
    %add3A_675 = arith.addi %add3A_672, %get3A_674 : vector<16xi32>
    %swap3A_676 = arith.constant 112 : index
    %swap3A_677 = tpu.vector_load %arg9[%swap3A_676] {strides = array<i32>} : memref<128xi32, #tpu.memory_space<vmem>>, vector<16xi32>,
    tpu.vector_store %arg9[%swap3A_676], %add3A_675 {strides = array<i32>} : memref<128xi32, #tpu.memory_space<vmem>>, vector<16xi32>,
    "tpu.region"() ({
      %run_scoped3A = tpu.sem_alloc : memref<!tpu.dma_semaphore, #tpu.memory_space<semaphore_mem>>
      %dma_start3A_678 = arith.constant 0 : i32
      %dma_start3A_679 = tpu.memref_slice %arg4[%add3A, %dma_start3A_678] : memref<32x128xi32, #tpu.memory_space<hbm>> -> memref<1x128xi32, #tpu.memory_space<hbm>>
      %dma_start3A_680 = tpu.memref_squeeze %dma_start3A_679 : memref<1x128xi32, #tpu.memory_space<hbm>> -> memref<128xi32, #tpu.memory_space<hbm>>
      %dma_start3A_681 = arith.constant 0 : i32
      %dma_start3A_682 = tpu.memref_slice %arg4[%add3A, %dma_start3A_681] : memref<32x128xi32, #tpu.memory_space<hbm>> -> memref<1x128xi32, #tpu.memory_space<hbm>>
      %dma_start3A_683 = tpu.memref_squeeze %dma_start3A_682 : memref<1x128xi32, #tpu.memory_space<hbm>> -> memref<128xi32, #tpu.memory_space<hbm>>
      tpu.enqueue_dma source(%arg9 : memref<128xi32, #tpu.memory_space<vmem>>) target(%dma_start3A_683 : memref<128xi32, #tpu.memory_space<hbm>>) target_semaphore(%run_scoped3A : memref<!tpu.dma_semaphore, #tpu.memory_space<semaphore_mem>>)
      %dma_wait3A_684 = arith.constant 0 : i32
      %dma_wait3A_685 = tpu.memref_slice %arg4[%add3A, %dma_wait3A_684] : memref<32x128xi32, #tpu.memory_space<hbm>> -> memref<1x128xi32, #tpu.memory_space<hbm>>
      %dma_wait3A_686 = tpu.memref_squeeze %dma_wait3A_685 : memref<1x128xi32, #tpu.memory_space<hbm>> -> memref<128xi32, #tpu.memory_space<hbm>>
      %dma_wait3A_687 = arith.constant 0 : i32
      %dma_wait3A_688 = tpu.memref_slice %arg4[%add3A, %dma_wait3A_687] : memref<32x128xi32, #tpu.memory_space<hbm>> -> memref<1x128xi32, #tpu.memory_space<hbm>>
      %dma_wait3A_689 = tpu.memref_squeeze %dma_wait3A_688 : memref<1x128xi32, #tpu.memory_space<hbm>> -> memref<128xi32, #tpu.memory_space<hbm>>
      tpu.wait_dma2 semaphore(%run_scoped3A : memref<!tpu.dma_semaphore, #tpu.memory_space<semaphore_mem>>) src(%arg9 : memref<128xi32, #tpu.memory_space<vmem>>) dst(%dma_wait3A_689 : memref<128xi32, #tpu.memory_space<hbm>>)
      tpu.yield
    }) : () -> ()
    return
  }
}

module attributes {stable_mosaic.version = 14 : i64} {
  func.func @_minmax_body(%arg0: i32, %arg1: memref<96x4096xf32, #tpu.memory_space<vmem>>, %arg2: memref<2x128xf32, #tpu.memory_space<vmem>>, %arg3: memref<2x4096xf32, #tpu.memory_space<vmem>>) attributes {dimension_semantics = [#tpu.dimension_semantics<arbitrary>], iteration_bounds = array<i64: 49>, scalar_prefetch = 0 : i64, scratch_operands = 1 : i64, tpu.core_type = #tpu.core_type<tc>, window_params = [{transform_indices = @transform_0, window_bounds = array<i64: 96, 4096>}, {pipeline_mode = #tpu.pipeline_mode<synchronous>, transform_indices = @transform_1, window_bounds = array<i64: 2, 128>}]} {
    %get3A = arith.constant 0 : index
    %get3A_0 = arith.constant 0 : index
    %get3A_1 = vector.load %arg1[%get3A, %get3A_0] : memref<96x4096xf32, #tpu.memory_space<vmem>>, vector<96x4096xf32>
    %reduce_min3A = arith.constant dense<0x7F800000> : vector<4096xf32>
    %reduce_min3A_2 = vector.multi_reduction <minimumf>, %get3A_1, %reduce_min3A [0] : vector<96x4096xf32> to vector<4096xf32>
    %broadcast_in_dim3A = vector.shape_cast %reduce_min3A_2 : vector<4096xf32> to vector<1x4096xf32>
    %reduce_max3A = arith.constant dense<0xFF800000> : vector<4096xf32>
    %reduce_max3A_3 = vector.multi_reduction <maximumf>, %get3A_1, %reduce_max3A [0] : vector<96x4096xf32> to vector<4096xf32>
    %broadcast_in_dim3A_4 = vector.shape_cast %reduce_max3A_3 : vector<4096xf32> to vector<1x4096xf32>
    %eq3A = arith.constant 0 : i32
    %eq3A_5 = arith.cmpi eq, %arg0, %eq3A : i32
    %convert_element_type3A = arith.extui %eq3A_5 : i1 to i32
    %cond3A = arith.constant 0 : i32
    %cond3A_6 = arith.cmpi ne, %convert_element_type3A, %cond3A : i32
    scf.if %cond3A_6 {
      %swap3A = arith.constant 0 : index
      %swap3A_16 = arith.constant 0 : index
      %swap3A_17 = vector.load %arg3[%swap3A, %swap3A_16] : memref<2x4096xf32, #tpu.memory_space<vmem>>, vector<1x4096xf32>
      tpu.vector_store %arg3[%swap3A, %swap3A_16], %broadcast_in_dim3A {strides = array<i32>} : memref<2x4096xf32, #tpu.memory_space<vmem>>, vector<1x4096xf32>,
      %swap3A_18 = arith.constant 1 : index
      %swap3A_19 = arith.constant 0 : index
      %swap3A_20 = vector.load %arg3[%swap3A_18, %swap3A_19] : memref<2x4096xf32, #tpu.memory_space<vmem>>, vector<1x4096xf32>
      tpu.vector_store %arg3[%swap3A_18, %swap3A_19], %broadcast_in_dim3A_4 {strides = array<i32>} : memref<2x4096xf32, #tpu.memory_space<vmem>>, vector<1x4096xf32>,
    } else {
    }
    %gt3A = arith.constant 0 : i32
    %gt3A_7 = arith.cmpi sgt, %arg0, %gt3A : i32
    %convert_element_type3A_8 = arith.extui %gt3A_7 : i1 to i32
    %cond3A_9 = arith.constant 0 : i32
    %cond3A_10 = arith.cmpi ne, %convert_element_type3A_8, %cond3A_9 : i32
    scf.if %cond3A_10 {
      %get3A_16 = arith.constant 0 : index
      %get3A_17 = arith.constant 0 : index
      %get3A_18 = vector.load %arg3[%get3A_16, %get3A_17] : memref<2x4096xf32, #tpu.memory_space<vmem>>, vector<1x4096xf32>
      %min3A = arith.minimumf %get3A_18, %broadcast_in_dim3A : vector<1x4096xf32>
      %swap3A = arith.constant 0 : index
      %swap3A_19 = arith.constant 0 : index
      %swap3A_20 = vector.load %arg3[%swap3A, %swap3A_19] : memref<2x4096xf32, #tpu.memory_space<vmem>>, vector<1x4096xf32>
      tpu.vector_store %arg3[%swap3A, %swap3A_19], %min3A {strides = array<i32>} : memref<2x4096xf32, #tpu.memory_space<vmem>>, vector<1x4096xf32>,
      %get3A_21 = arith.constant 1 : index
      %get3A_22 = arith.constant 0 : index
      %get3A_23 = vector.load %arg3[%get3A_21, %get3A_22] : memref<2x4096xf32, #tpu.memory_space<vmem>>, vector<1x4096xf32>
      %max3A = arith.maximumf %get3A_23, %broadcast_in_dim3A_4 : vector<1x4096xf32>
      %swap3A_24 = arith.constant 1 : index
      %swap3A_25 = arith.constant 0 : index
      %swap3A_26 = vector.load %arg3[%swap3A_24, %swap3A_25] : memref<2x4096xf32, #tpu.memory_space<vmem>>, vector<1x4096xf32>
      tpu.vector_store %arg3[%swap3A_24, %swap3A_25], %max3A {strides = array<i32>} : memref<2x4096xf32, #tpu.memory_space<vmem>>, vector<1x4096xf32>,
    } else {
    }
    %eq3A_11 = arith.constant 48 : i32
    %eq3A_12 = arith.cmpi eq, %arg0, %eq3A_11 : i32
    %convert_element_type3A_13 = arith.extui %eq3A_12 : i1 to i32
    %cond3A_14 = arith.constant 0 : i32
    %cond3A_15 = arith.cmpi ne, %convert_element_type3A_13, %cond3A_14 : i32
    scf.if %cond3A_15 {
      %get3A_16 = arith.constant 0 : index
      %get3A_17 = arith.constant 0 : index
      %get3A_18 = vector.load %arg3[%get3A_16, %get3A_17] : memref<2x4096xf32, #tpu.memory_space<vmem>>, vector<1x4096xf32>
      %reduce_min3A_19 = vector.shape_cast %get3A_18 : vector<1x4096xf32> to vector<1x1x4096xf32>
      %reduce_min3A_20 = arith.constant dense<0x7F800000> : vector<1xf32>
      %reduce_min3A_21 = vector.multi_reduction <minimumf>, %reduce_min3A_19, %reduce_min3A_20 [1, 2] : vector<1x1x4096xf32> to vector<1xf32>
      %reduce_min3A_22 = vector.shape_cast %reduce_min3A_21 : vector<1xf32> to vector<1x1x1xf32>
      %reduce_min3A_23 = vector.extract %reduce_min3A_22[0, 0, 0] : f32 from vector<1x1x1xf32>
      %get3A_24 = arith.constant 1 : index
      %get3A_25 = arith.constant 0 : index
      %get3A_26 = vector.load %arg3[%get3A_24, %get3A_25] : memref<2x4096xf32, #tpu.memory_space<vmem>>, vector<1x4096xf32>
      %reduce_max3A_27 = vector.shape_cast %get3A_26 : vector<1x4096xf32> to vector<1x1x4096xf32>
      %reduce_max3A_28 = arith.constant dense<0xFF800000> : vector<1xf32>
      %reduce_max3A_29 = vector.multi_reduction <maximumf>, %reduce_max3A_27, %reduce_max3A_28 [1, 2] : vector<1x1x4096xf32> to vector<1xf32>
      %reduce_max3A_30 = vector.shape_cast %reduce_max3A_29 : vector<1xf32> to vector<1x1x1xf32>
      %reduce_max3A_31 = vector.extract %reduce_max3A_30[0, 0, 0] : f32 from vector<1x1x1xf32>
      %broadcast_in_dim3A_32 = vector.broadcast %reduce_min3A_23 : f32 to vector<1x128xf32>
      %swap3A = arith.constant 0 : index
      %swap3A_33 = arith.constant 0 : index
      %swap3A_34 = vector.load %arg2[%swap3A, %swap3A_33] : memref<2x128xf32, #tpu.memory_space<vmem>>, vector<1x128xf32>
      tpu.vector_store %arg2[%swap3A, %swap3A_33], %broadcast_in_dim3A_32 {strides = array<i32>} : memref<2x128xf32, #tpu.memory_space<vmem>>, vector<1x128xf32>,
      %broadcast_in_dim3A_35 = vector.broadcast %reduce_max3A_31 : f32 to vector<1x128xf32>
      %swap3A_36 = arith.constant 1 : index
      %swap3A_37 = arith.constant 0 : index
      %swap3A_38 = vector.load %arg2[%swap3A_36, %swap3A_37] : memref<2x128xf32, #tpu.memory_space<vmem>>, vector<1x128xf32>
      tpu.vector_store %arg2[%swap3A_36, %swap3A_37], %broadcast_in_dim3A_35 {strides = array<i32>} : memref<2x128xf32, #tpu.memory_space<vmem>>, vector<1x128xf32>,
    } else {
    }
    return
  }
  func.func @transform_0(%arg0: i32) -> (i32, i32) {
    %c0_i32 = arith.constant 0 : i32
    %c0_i32_0 = arith.constant 0 : i32
    return %arg0, %c0_i32 : i32, i32
  }
  func.func @transform_1(%arg0: i32) -> (i32, i32) {
    %c0_i32 = arith.constant 0 : i32
    %c0_i32_0 = arith.constant 0 : i32
    %c0_i32_1 = arith.constant 0 : i32
    return %c0_i32, %c0_i32_0 : i32, i32
  }
}

module attributes {stable_mosaic.version = 14 : i64} {
  func.func @_transform_body(%arg0: i32, %arg1: memref<96x4096xf32, #tpu.memory_space<vmem>>, %arg2: memref<32x128xi32, #tpu.memory_space<vmem>>, %arg3: memref<4xf32, #tpu.memory_space<smem>>, %arg4: memref<2x128xf32, #tpu.memory_space<vmem>>, %arg5: memref<96x4096xf32, #tpu.memory_space<vmem>>, %arg6: memref<2x96x128xi32, #tpu.memory_space<vmem>>) attributes {dimension_semantics = [#tpu.dimension_semantics<arbitrary>], iteration_bounds = array<i64: 49>, scalar_prefetch = 0 : i64, scratch_operands = 1 : i64, tpu.core_type = #tpu.core_type<tc>, window_params = [{transform_indices = @transform_0, window_bounds = array<i64: 96, 4096>}, {pipeline_mode = #tpu.pipeline_mode<synchronous>, transform_indices = @transform_1, window_bounds = array<i64: 32, 128>}, {transform_indices = @transform_2, window_bounds = array<i64: 4>}, {pipeline_mode = #tpu.pipeline_mode<synchronous>, transform_indices = @transform_3, window_bounds = array<i64: 2, 128>}, {transform_indices = @transform_4, window_bounds = array<i64: 96, 4096>}]} {
    %get3A = arith.constant 0 : index
    %get3A_0 = memref.load %arg3[%get3A] : memref<4xf32, #tpu.memory_space<smem>>
    %get3A_1 = arith.constant 1 : index
    %get3A_2 = memref.load %arg3[%get3A_1] : memref<4xf32, #tpu.memory_space<smem>>
    %get3A_3 = arith.constant 2 : index
    %get3A_4 = memref.load %arg3[%get3A_3] : memref<4xf32, #tpu.memory_space<smem>>
    %get3A_5 = arith.constant 3 : index
    %get3A_6 = memref.load %arg3[%get3A_5] : memref<4xf32, #tpu.memory_space<smem>>
    %eq3A = arith.constant 0 : i32
    %eq3A_7 = arith.cmpi eq, %arg0, %eq3A : i32
    %convert_element_type3A = arith.extui %eq3A_7 : i1 to i32
    %cond3A = arith.constant 0 : i32
    %cond3A_8 = arith.cmpi ne, %convert_element_type3A, %cond3A : i32
    scf.if %cond3A_8 {
      %get3A_62 = arith.constant 0 : index
      %get3A_63 = arith.constant 0 : index
      %get3A_64 = vector.load %arg2[%get3A_62, %get3A_63] : memref<32x128xi32, #tpu.memory_space<vmem>>, vector<32x128xi32>
      %reduce_sum3A = arith.constant dense<0> : vector<128xi32>
      %reduce_sum3A_65 = vector.multi_reduction <add>, %get3A_64, %reduce_sum3A [0] : vector<32x128xi32> to vector<128xi32>
      %broadcast_in_dim3A = vector.shape_cast %reduce_sum3A_65 : vector<128xi32> to vector<1x128xi32>
      %iota3A = tpu.iota {dimensions = array<i32: 0>} : vector<128x128xi32>
      %iota3A_66 = tpu.iota {dimensions = array<i32: 1>} : vector<128x128xi32>
      %broadcast_in_dim3A_67 = vector.shape_cast %broadcast_in_dim3A : vector<1x128xi32> to vector<1x128xi32>
      %broadcast_in_dim3A_68 = vector.broadcast %broadcast_in_dim3A_67 : vector<1x128xi32> to vector<128x128xi32>
      %le3A = arith.cmpi sle, %iota3A_66, %iota3A : vector<128x128xi32>
      %lt3A = arith.constant 120 : i32
      %lt3A_69 = vector.broadcast %lt3A : i32 to vector<128x128xi32>
      %lt3A_70 = arith.cmpi slt, %iota3A_66, %lt3A_69 : vector<128x128xi32>
      %and3A_71 = arith.andi %le3A, %lt3A_70 : vector<128x128xi1>
      %jit3A = arith.constant 0 : i32
      %broadcast_in_dim3A_72 = vector.broadcast %jit3A : i32 to vector<128x128xi32>
      %select_n3A = arith.select %and3A_71, %broadcast_in_dim3A_68, %broadcast_in_dim3A_72 : vector<128x128xi1>, vector<128x128xi32>
      %reduce_sum3A_73 = arith.constant dense<0> : vector<128xi32>
      %reduce_sum3A_74 = vector.multi_reduction <add>, %select_n3A, %reduce_sum3A_73 [1] : vector<128x128xi32> to vector<128xi32>
      %broadcast_in_dim3A_75 = vector.shape_cast %reduce_sum3A_74 : vector<128xi32> to vector<128x1xi32>
      %reduce_max3A = vector.shape_cast %broadcast_in_dim3A_75 : vector<128x1xi32> to vector<1x128x1xi32>
      %reduce_max3A_76 = arith.constant dense<-2147483648> : vector<1xi32>
      %reduce_max3A_77 = vector.multi_reduction <maxsi>, %reduce_max3A, %reduce_max3A_76 [1, 2] : vector<1x128x1xi32> to vector<1xi32>
      %reduce_max3A_78 = vector.shape_cast %reduce_max3A_77 : vector<1xi32> to vector<1x1x1xi32>
      %reduce_max3A_79 = vector.extract %reduce_max3A_78[0, 0, 0] : i32 from vector<1x1x1xi32>
      %convert_element_type3A_80 = arith.sitofp %reduce_max3A_79 : i32 to f32
      %convert_element_type3A_81 = arith.sitofp %broadcast_in_dim3A_75 : vector<128x1xi32> to vector<128x1xf32>
      %div3A = arith.constant 1.190000e+02 : f32
      %div3A_82 = arith.divf %div3A, %convert_element_type3A_80 : f32
      %mul3A_83 = vector.broadcast %div3A_82 : f32 to vector<128x1xf32>
      %mul3A_84 = arith.mulf %convert_element_type3A_81, %mul3A_83 : vector<128x1xf32>
      %broadcast_in_dim3A_85 = vector.shape_cast %mul3A_84 : vector<128x1xf32> to vector<128x1xf32>
      %broadcast_in_dim3A_86 = vector.broadcast %broadcast_in_dim3A_85 : vector<128x1xf32> to vector<128x128xf32>
      %eq3A_87 = arith.cmpi eq, %iota3A, %iota3A_66 : vector<128x128xi32>
      %jit3A_88 = arith.constant 0.000000e+00 : f32
      %broadcast_in_dim3A_89 = vector.broadcast %jit3A_88 : f32 to vector<128x128xf32>
      %select_n3A_90 = arith.select %eq3A_87, %broadcast_in_dim3A_86, %broadcast_in_dim3A_89 : vector<128x128xi1>, vector<128x128xf32>
      %reduce_sum3A_91 = arith.constant dense<0.000000e+00> : vector<128xf32>
      %reduce_sum3A_92 = vector.multi_reduction <add>, %select_n3A_90, %reduce_sum3A_91 [0] : vector<128x128xf32> to vector<128xf32>
      %broadcast_in_dim3A_93 = vector.shape_cast %reduce_sum3A_92 : vector<128xf32> to vector<1x128xf32>
      %broadcast_in_dim3A_94 = vector.shape_cast %broadcast_in_dim3A_93 : vector<1x128xf32> to vector<1x128xf32>
      %broadcast_in_dim3A_95 = vector.broadcast %broadcast_in_dim3A_94 : vector<1x128xf32> to vector<8x128xf32>
      %iota3A_96 = tpu.iota {dimensions = array<i32: 1>} : vector<8x128xi32>
      %add3A_97 = arith.constant 1 : i32
      %add3A_98 = vector.broadcast %add3A_97 : i32 to vector<8x128xi32>
      %add3A_99 = arith.addi %iota3A_96, %add3A_98 : vector<8x128xi32>
      %min3A_100 = arith.constant 119 : i32
      %min3A_101 = vector.broadcast %min3A_100 : i32 to vector<8x128xi32>
      %min3A_102 = arith.minsi %add3A_99, %min3A_101 : vector<8x128xi32>
      %lt3A_103 = arith.constant 0 : i32
      %lt3A_104 = vector.broadcast %lt3A_103 : i32 to vector<8x128xi32>
      %lt3A_105 = arith.cmpi slt, %min3A_102, %lt3A_104 : vector<8x128xi32>
      %add3A_106 = arith.constant 128 : i32
      %add3A_107 = vector.broadcast %add3A_106 : i32 to vector<8x128xi32>
      %add3A_108 = arith.addi %min3A_102, %add3A_107 : vector<8x128xi32>
      %select_n3A_109 = arith.select %lt3A_105, %add3A_108, %min3A_102 : vector<8x128xi1>, vector<8x128xi32>
      %reshape3A_110 = vector.shape_cast %select_n3A_109 : vector<8x128xi32> to vector<8x128x1xi32>
      %gather3A_111 = vector.shape_cast %reshape3A_110 : vector<8x128x1xi32> to vector<8x128xi32>
      %gather3A_112 = tpu.dynamic_gather %broadcast_in_dim3A_95[%gather3A_111] in [1] : vector<8x128xf32>, vector<8x128xi32> -> vector<8x128xf32>
      %convert_element_type3A_113 = arith.sitofp %iota3A_96 : vector<8x128xi32> to vector<8x128xf32>
      %convert_element_type3A_114 = arith.sitofp %iota3A_66 : vector<128x128xi32> to vector<128x128xf32>
      %le3A_115 = arith.cmpf ole, %broadcast_in_dim3A_86, %convert_element_type3A_114 : vector<128x128xf32>
      %lt3A_116 = arith.constant 120 : i32
      %lt3A_117 = vector.broadcast %lt3A_116 : i32 to vector<128x128xi32>
      %lt3A_118 = arith.cmpi slt, %iota3A, %lt3A_117 : vector<128x128xi32>
      %and3A_119 = arith.andi %le3A_115, %lt3A_118 : vector<128x128xi1>
      %jit3A_120 = arith.constant 1 : i32
      %jit3A_121 = arith.constant 0 : i32
      %broadcast_in_dim3A_122 = vector.broadcast %jit3A_120 : i32 to vector<128x128xi32>
      %broadcast_in_dim3A_123 = vector.broadcast %jit3A_121 : i32 to vector<128x128xi32>
      %select_n3A_124 = arith.select %and3A_119, %broadcast_in_dim3A_122, %broadcast_in_dim3A_123 : vector<128x128xi1>, vector<128x128xi32>
      %reduce_sum3A_125 = arith.constant dense<0> : vector<128xi32>
      %reduce_sum3A_126 = vector.multi_reduction <add>, %select_n3A_124, %reduce_sum3A_125 [0] : vector<128x128xi32> to vector<128xi32>
      %broadcast_in_dim3A_127 = vector.shape_cast %reduce_sum3A_126 : vector<128xi32> to vector<1x128xi32>
      %jit3A_128 = arith.constant 1 : i32
      %jit3A_129 = arith.constant 119 : i32
      %max3A = vector.broadcast %jit3A_128 : i32 to vector<1x128xi32>
      %max3A_130 = arith.maxsi %max3A, %broadcast_in_dim3A_127 : vector<1x128xi32>
      %min3A_131 = vector.broadcast %jit3A_129 : i32 to vector<1x128xi32>
      %min3A_132 = arith.minsi %min3A_131, %max3A_130 : vector<1x128xi32>
      %broadcast_in_dim3A_133 = vector.shape_cast %min3A_132 : vector<1x128xi32> to vector<1x128xi32>
      %broadcast_in_dim3A_134 = vector.broadcast %broadcast_in_dim3A_133 : vector<1x128xi32> to vector<8x128xi32>
      %lt3A_135 = arith.constant 0 : i32
      %lt3A_136 = vector.broadcast %lt3A_135 : i32 to vector<8x128xi32>
      %lt3A_137 = arith.cmpi slt, %broadcast_in_dim3A_134, %lt3A_136 : vector<8x128xi32>
      %add3A_138 = arith.constant 128 : i32
      %add3A_139 = vector.broadcast %add3A_138 : i32 to vector<8x128xi32>
      %add3A_140 = arith.addi %broadcast_in_dim3A_134, %add3A_139 : vector<8x128xi32>
      %select_n3A_141 = arith.select %lt3A_137, %add3A_140, %broadcast_in_dim3A_134 : vector<8x128xi1>, vector<8x128xi32>
      %reshape3A_142 = vector.shape_cast %select_n3A_141 : vector<8x128xi32> to vector<8x128x1xi32>
      %gather3A_143 = vector.shape_cast %reshape3A_142 : vector<8x128x1xi32> to vector<8x128xi32>
      %gather3A_144 = tpu.dynamic_gather %broadcast_in_dim3A_95[%gather3A_143] in [1] : vector<8x128xf32>, vector<8x128xi32> -> vector<8x128xf32>
      %sub3A_145 = arith.constant 1 : i32
      %sub3A_146 = vector.broadcast %sub3A_145 : i32 to vector<8x128xi32>
      %sub3A_147 = arith.subi %broadcast_in_dim3A_134, %sub3A_146 : vector<8x128xi32>
      %lt3A_148 = arith.constant 0 : i32
      %lt3A_149 = vector.broadcast %lt3A_148 : i32 to vector<8x128xi32>
      %lt3A_150 = arith.cmpi slt, %sub3A_147, %lt3A_149 : vector<8x128xi32>
      %add3A_151 = arith.constant 128 : i32
      %add3A_152 = vector.broadcast %add3A_151 : i32 to vector<8x128xi32>
      %add3A_153 = arith.addi %sub3A_147, %add3A_152 : vector<8x128xi32>
      %select_n3A_154 = arith.select %lt3A_150, %add3A_153, %sub3A_147 : vector<8x128xi1>, vector<8x128xi32>
      %reshape3A_155 = vector.shape_cast %select_n3A_154 : vector<8x128xi32> to vector<8x128x1xi32>
      %gather3A_156 = vector.shape_cast %reshape3A_155 : vector<8x128x1xi32> to vector<8x128xi32>
      %gather3A_157 = tpu.dynamic_gather %broadcast_in_dim3A_95[%gather3A_156] in [1] : vector<8x128xf32>, vector<8x128xi32> -> vector<8x128xf32>
      %sub3A_158 = arith.subf %gather3A_144, %gather3A_157 : vector<8x128xf32>
      %abs3A = math.absf %sub3A_158 : vector<8x128xf32>
      %le3A_159 = arith.constant 1.42108547E-14 : f32
      %le3A_160 = vector.broadcast %le3A_159 : f32 to vector<8x128xf32>
      %le3A_161 = arith.cmpf ole, %abs3A, %le3A_160 : vector<8x128xf32>
      %jit3A_162 = arith.constant 1.000000e+00 : f32
      %broadcast_in_dim3A_163 = vector.broadcast %jit3A_162 : f32 to vector<8x128xf32>
      %select_n3A_164 = arith.select %le3A_161, %broadcast_in_dim3A_163, %sub3A_158 : vector<8x128xi1>, vector<8x128xf32>
      %eq3A_165 = arith.constant 0 : i32
      %eq3A_166 = vector.broadcast %eq3A_165 : i32 to vector<128x128xi32>
      %eq3A_167 = arith.cmpi eq, %iota3A, %eq3A_166 : vector<128x128xi32>
      %eq3A_168 = arith.constant 0 : i32
      %eq3A_169 = vector.broadcast %eq3A_168 : i32 to vector<128x128xi32>
      %eq3A_170 = arith.cmpi eq, %iota3A_66, %eq3A_169 : vector<128x128xi32>
      %and3A_171 = arith.andi %eq3A_167, %eq3A_170 : vector<128x128xi1>
      %jit3A_172 = arith.constant 0.000000e+00 : f32
      %broadcast_in_dim3A_173 = vector.broadcast %jit3A_172 : f32 to vector<128x128xf32>
      %select_n3A_174 = arith.select %and3A_171, %broadcast_in_dim3A_86, %broadcast_in_dim3A_173 : vector<128x128xi1>, vector<128x128xf32>
      %reduce_sum3A_175 = vector.shape_cast %select_n3A_174 : vector<128x128xf32> to vector<1x128x128xf32>
      %reduce_sum3A_176 = arith.constant dense<0.000000e+00> : vector<1xf32>
      %reduce_sum3A_177 = vector.multi_reduction <add>, %reduce_sum3A_175, %reduce_sum3A_176 [1, 2] : vector<1x128x128xf32> to vector<1xf32>
      %reduce_sum3A_178 = vector.shape_cast %reduce_sum3A_177 : vector<1xf32> to vector<1x1x1xf32>
      %reduce_sum3A_179 = vector.extract %reduce_sum3A_178[0, 0, 0] : f32 from vector<1x1x1xf32>
      %reduce_max3A_180 = vector.shape_cast %mul3A_84 : vector<128x1xf32> to vector<1x128x1xf32>
      %reduce_max3A_181 = arith.constant dense<0xFF800000> : vector<1xf32>
      %reduce_max3A_182 = vector.multi_reduction <maximumf>, %reduce_max3A_180, %reduce_max3A_181 [1, 2] : vector<1x128x1xf32> to vector<1xf32>
      %reduce_max3A_183 = vector.shape_cast %reduce_max3A_182 : vector<1xf32> to vector<1x1x1xf32>
      %reduce_max3A_184 = vector.extract %reduce_max3A_183[0, 0, 0] : f32 from vector<1x1x1xf32>
      %get3A_185 = arith.constant 0 : index
      %get3A_186 = arith.constant 0 : index
      %get3A_187 = vector.load %arg4[%get3A_185, %get3A_186] : memref<2x128xf32, #tpu.memory_space<vmem>>, vector<1x128xf32>
      %broadcast_in_dim3A_188 = vector.shape_cast %get3A_187 : vector<1x128xf32> to vector<1x128xf32>
      %broadcast_in_dim3A_189 = vector.broadcast %broadcast_in_dim3A_188 : vector<1x128xf32> to vector<8x128xf32>
      %get3A_190 = arith.constant 1 : index
      %get3A_191 = arith.constant 0 : index
      %get3A_192 = vector.load %arg4[%get3A_190, %get3A_191] : memref<2x128xf32, #tpu.memory_space<vmem>>, vector<1x128xf32>
      %broadcast_in_dim3A_193 = vector.shape_cast %get3A_192 : vector<1x128xf32> to vector<1x128xf32>
      %broadcast_in_dim3A_194 = vector.broadcast %broadcast_in_dim3A_193 : vector<1x128xf32> to vector<8x128xf32>
      %iota3A_195 = tpu.iota {dimensions = array<i32: 1>} : vector<1x128xi32>
      %eq3A_196 = arith.constant 0 : i32
      %eq3A_197 = vector.broadcast %eq3A_196 : i32 to vector<1x128xi32>
      %eq3A_198 = arith.cmpi eq, %iota3A_195, %eq3A_197 : vector<1x128xi32>
      %get3A_199 = arith.constant 0 : index
      %get3A_200 = arith.constant 0 : index
      %get3A_201 = vector.load %arg4[%get3A_199, %get3A_200] : memref<2x128xf32, #tpu.memory_space<vmem>>, vector<1x128xf32>
      %jit3A_202 = arith.constant 0.000000e+00 : f32
      %broadcast_in_dim3A_203 = vector.broadcast %jit3A_202 : f32 to vector<1x128xf32>
      %select_n3A_204 = arith.select %eq3A_198, %get3A_201, %broadcast_in_dim3A_203 : vector<1x128xi1>, vector<1x128xf32>
      %reduce_sum3A_205 = vector.shape_cast %select_n3A_204 : vector<1x128xf32> to vector<1x1x128xf32>
      %reduce_sum3A_206 = arith.constant dense<0.000000e+00> : vector<1xf32>
      %reduce_sum3A_207 = vector.multi_reduction <add>, %reduce_sum3A_205, %reduce_sum3A_206 [1, 2] : vector<1x1x128xf32> to vector<1xf32>
      %reduce_sum3A_208 = vector.shape_cast %reduce_sum3A_207 : vector<1xf32> to vector<1x1x1xf32>
      %reduce_sum3A_209 = vector.extract %reduce_sum3A_208[0, 0, 0] : f32 from vector<1x1x1xf32>
      %eq3A_210 = arith.constant 119 : i32
      %eq3A_211 = vector.broadcast %eq3A_210 : i32 to vector<1x128xi32>
      %eq3A_212 = arith.cmpi eq, %iota3A_195, %eq3A_211 : vector<1x128xi32>
      %get3A_213 = arith.constant 0 : index
      %get3A_214 = arith.constant 0 : index
      %get3A_215 = vector.load %arg4[%get3A_213, %get3A_214] : memref<2x128xf32, #tpu.memory_space<vmem>>, vector<1x128xf32>
      %jit3A_216 = arith.constant 0.000000e+00 : f32
      %broadcast_in_dim3A_217 = vector.broadcast %jit3A_216 : f32 to vector<1x128xf32>
      %select_n3A_218 = arith.select %eq3A_212, %get3A_215, %broadcast_in_dim3A_217 : vector<1x128xi1>, vector<1x128xf32>
      %reduce_sum3A_219 = vector.shape_cast %select_n3A_218 : vector<1x128xf32> to vector<1x1x128xf32>
      %reduce_sum3A_220 = arith.constant dense<0.000000e+00> : vector<1xf32>
      %reduce_sum3A_221 = vector.multi_reduction <add>, %reduce_sum3A_219, %reduce_sum3A_220 [1, 2] : vector<1x1x128xf32> to vector<1xf32>
      %reduce_sum3A_222 = vector.shape_cast %reduce_sum3A_221 : vector<1xf32> to vector<1x1x1xf32>
      %reduce_sum3A_223 = vector.extract %reduce_sum3A_222[0, 0, 0] : f32 from vector<1x1x1xf32>
      %eq3A_224 = arith.constant 0 : i32
      %eq3A_225 = vector.broadcast %eq3A_224 : i32 to vector<1x128xi32>
      %eq3A_226 = arith.cmpi eq, %iota3A_195, %eq3A_225 : vector<1x128xi32>
      %get3A_227 = arith.constant 1 : index
      %get3A_228 = arith.constant 0 : index
      %get3A_229 = vector.load %arg4[%get3A_227, %get3A_228] : memref<2x128xf32, #tpu.memory_space<vmem>>, vector<1x128xf32>
      %jit3A_230 = arith.constant 0.000000e+00 : f32
      %broadcast_in_dim3A_231 = vector.broadcast %jit3A_230 : f32 to vector<1x128xf32>
      %select_n3A_232 = arith.select %eq3A_226, %get3A_229, %broadcast_in_dim3A_231 : vector<1x128xi1>, vector<1x128xf32>
      %reduce_sum3A_233 = vector.shape_cast %select_n3A_232 : vector<1x128xf32> to vector<1x1x128xf32>
      %reduce_sum3A_234 = arith.constant dense<0.000000e+00> : vector<1xf32>
      %reduce_sum3A_235 = vector.multi_reduction <add>, %reduce_sum3A_233, %reduce_sum3A_234 [1, 2] : vector<1x1x128xf32> to vector<1xf32>
      %reduce_sum3A_236 = vector.shape_cast %reduce_sum3A_235 : vector<1xf32> to vector<1x1x1xf32>
      %reduce_sum3A_237 = vector.extract %reduce_sum3A_236[0, 0, 0] : f32 from vector<1x1x1xf32>
      %eq3A_238 = arith.constant 119 : i32
      %eq3A_239 = vector.broadcast %eq3A_238 : i32 to vector<1x128xi32>
      %eq3A_240 = arith.cmpi eq, %iota3A_195, %eq3A_239 : vector<1x128xi32>
      %get3A_241 = arith.constant 1 : index
      %get3A_242 = arith.constant 0 : index
      %get3A_243 = vector.load %arg4[%get3A_241, %get3A_242] : memref<2x128xf32, #tpu.memory_space<vmem>>, vector<1x128xf32>
      %jit3A_244 = arith.constant 0.000000e+00 : f32
      %broadcast_in_dim3A_245 = vector.broadcast %jit3A_244 : f32 to vector<1x128xf32>
      %select_n3A_246 = arith.select %eq3A_240, %get3A_243, %broadcast_in_dim3A_245 : vector<1x128xi1>, vector<1x128xf32>
      %reduce_sum3A_247 = vector.shape_cast %select_n3A_246 : vector<1x128xf32> to vector<1x1x128xf32>
      %reduce_sum3A_248 = arith.constant dense<0.000000e+00> : vector<1xf32>
      %reduce_sum3A_249 = vector.multi_reduction <add>, %reduce_sum3A_247, %reduce_sum3A_248 [1, 2] : vector<1x1x128xf32> to vector<1xf32>
      %reduce_sum3A_250 = vector.shape_cast %reduce_sum3A_249 : vector<1xf32> to vector<1x1x1xf32>
      %reduce_sum3A_251 = vector.extract %reduce_sum3A_250[0, 0, 0] : f32 from vector<1x1x1xf32>
      %lt3A_252 = arith.constant 0 : i32
      %lt3A_253 = vector.broadcast %lt3A_252 : i32 to vector<8x128xi32>
      %lt3A_254 = arith.cmpi slt, %broadcast_in_dim3A_134, %lt3A_253 : vector<8x128xi32>
      %add3A_255 = arith.constant 128 : i32
      %add3A_256 = vector.broadcast %add3A_255 : i32 to vector<8x128xi32>
      %add3A_257 = arith.addi %broadcast_in_dim3A_134, %add3A_256 : vector<8x128xi32>
      %select_n3A_258 = arith.select %lt3A_254, %add3A_257, %broadcast_in_dim3A_134 : vector<8x128xi1>, vector<8x128xi32>
      %reshape3A_259 = vector.shape_cast %select_n3A_258 : vector<8x128xi32> to vector<8x128x1xi32>
      %gather3A_260 = vector.shape_cast %reshape3A_259 : vector<8x128x1xi32> to vector<8x128xi32>
      %gather3A_261 = tpu.dynamic_gather %broadcast_in_dim3A_189[%gather3A_260] in [1] : vector<8x128xf32>, vector<8x128xi32> -> vector<8x128xf32>
      %sub3A_262 = arith.constant 1 : i32
      %sub3A_263 = vector.broadcast %sub3A_262 : i32 to vector<8x128xi32>
      %sub3A_264 = arith.subi %broadcast_in_dim3A_134, %sub3A_263 : vector<8x128xi32>
      %lt3A_265 = arith.constant 0 : i32
      %lt3A_266 = vector.broadcast %lt3A_265 : i32 to vector<8x128xi32>
      %lt3A_267 = arith.cmpi slt, %sub3A_264, %lt3A_266 : vector<8x128xi32>
      %add3A_268 = arith.constant 128 : i32
      %add3A_269 = vector.broadcast %add3A_268 : i32 to vector<8x128xi32>
      %add3A_270 = arith.addi %sub3A_264, %add3A_269 : vector<8x128xi32>
      %select_n3A_271 = arith.select %lt3A_267, %add3A_270, %sub3A_264 : vector<8x128xi1>, vector<8x128xi32>
      %reshape3A_272 = vector.shape_cast %select_n3A_271 : vector<8x128xi32> to vector<8x128x1xi32>
      %gather3A_273 = vector.shape_cast %reshape3A_272 : vector<8x128x1xi32> to vector<8x128xi32>
      %gather3A_274 = tpu.dynamic_gather %broadcast_in_dim3A_189[%gather3A_273] in [1] : vector<8x128xf32>, vector<8x128xi32> -> vector<8x128xf32>
      %sub3A_275 = arith.subf %convert_element_type3A_113, %gather3A_157 : vector<8x128xf32>
      %div3A_276 = arith.divf %sub3A_275, %select_n3A_164 : vector<8x128xf32>
      %sub3A_277 = arith.subf %gather3A_261, %gather3A_274 : vector<8x128xf32>
      %mul3A_278 = arith.mulf %div3A_276, %sub3A_277 : vector<8x128xf32>
      %add3A_279 = arith.addf %gather3A_274, %mul3A_278 : vector<8x128xf32>
      %select_n3A_280 = arith.select %le3A_161, %gather3A_274, %add3A_279 : vector<8x128xi1>, vector<8x128xf32>
      %lt3A_281 = vector.broadcast %reduce_sum3A_179 : f32 to vector<8x128xf32>
      %lt3A_282 = arith.cmpf olt, %convert_element_type3A_113, %lt3A_281 : vector<8x128xf32>
      %broadcast_in_dim3A_283 = vector.broadcast %reduce_sum3A_209 : f32 to vector<8x128xf32>
      %select_n3A_284 = arith.select %lt3A_282, %broadcast_in_dim3A_283, %select_n3A_280 : vector<8x128xi1>, vector<8x128xf32>
      %gt3A = vector.broadcast %reduce_max3A_184 : f32 to vector<8x128xf32>
      %gt3A_285 = arith.cmpf ogt, %convert_element_type3A_113, %gt3A : vector<8x128xf32>
      %broadcast_in_dim3A_286 = vector.broadcast %reduce_sum3A_223 : f32 to vector<8x128xf32>
      %select_n3A_287 = arith.select %gt3A_285, %broadcast_in_dim3A_286, %select_n3A_284 : vector<8x128xi1>, vector<8x128xf32>
      %lt3A_288 = arith.constant 0 : i32
      %lt3A_289 = vector.broadcast %lt3A_288 : i32 to vector<8x128xi32>
      %lt3A_290 = arith.cmpi slt, %broadcast_in_dim3A_134, %lt3A_289 : vector<8x128xi32>
      %add3A_291 = arith.constant 128 : i32
      %add3A_292 = vector.broadcast %add3A_291 : i32 to vector<8x128xi32>
      %add3A_293 = arith.addi %broadcast_in_dim3A_134, %add3A_292 : vector<8x128xi32>
      %select_n3A_294 = arith.select %lt3A_290, %add3A_293, %broadcast_in_dim3A_134 : vector<8x128xi1>, vector<8x128xi32>
      %reshape3A_295 = vector.shape_cast %select_n3A_294 : vector<8x128xi32> to vector<8x128x1xi32>
      %gather3A_296 = vector.shape_cast %reshape3A_295 : vector<8x128x1xi32> to vector<8x128xi32>
      %gather3A_297 = tpu.dynamic_gather %broadcast_in_dim3A_194[%gather3A_296] in [1] : vector<8x128xf32>, vector<8x128xi32> -> vector<8x128xf32>
      %sub3A_298 = arith.constant 1 : i32
      %sub3A_299 = vector.broadcast %sub3A_298 : i32 to vector<8x128xi32>
      %sub3A_300 = arith.subi %broadcast_in_dim3A_134, %sub3A_299 : vector<8x128xi32>
      %lt3A_301 = arith.constant 0 : i32
      %lt3A_302 = vector.broadcast %lt3A_301 : i32 to vector<8x128xi32>
      %lt3A_303 = arith.cmpi slt, %sub3A_300, %lt3A_302 : vector<8x128xi32>
      %add3A_304 = arith.constant 128 : i32
      %add3A_305 = vector.broadcast %add3A_304 : i32 to vector<8x128xi32>
      %add3A_306 = arith.addi %sub3A_300, %add3A_305 : vector<8x128xi32>
      %select_n3A_307 = arith.select %lt3A_303, %add3A_306, %sub3A_300 : vector<8x128xi1>, vector<8x128xi32>
      %reshape3A_308 = vector.shape_cast %select_n3A_307 : vector<8x128xi32> to vector<8x128x1xi32>
      %gather3A_309 = vector.shape_cast %reshape3A_308 : vector<8x128x1xi32> to vector<8x128xi32>
      %gather3A_310 = tpu.dynamic_gather %broadcast_in_dim3A_194[%gather3A_309] in [1] : vector<8x128xf32>, vector<8x128xi32> -> vector<8x128xf32>
      %sub3A_311 = arith.subf %convert_element_type3A_113, %gather3A_157 : vector<8x128xf32>
      %div3A_312 = arith.divf %sub3A_311, %select_n3A_164 : vector<8x128xf32>
      %sub3A_313 = arith.subf %gather3A_297, %gather3A_310 : vector<8x128xf32>
      %mul3A_314 = arith.mulf %div3A_312, %sub3A_313 : vector<8x128xf32>
      %add3A_315 = arith.addf %gather3A_310, %mul3A_314 : vector<8x128xf32>
      %select_n3A_316 = arith.select %le3A_161, %gather3A_310, %add3A_315 : vector<8x128xi1>, vector<8x128xf32>
      %lt3A_317 = vector.broadcast %reduce_sum3A_179 : f32 to vector<8x128xf32>
      %lt3A_318 = arith.cmpf olt, %convert_element_type3A_113, %lt3A_317 : vector<8x128xf32>
      %broadcast_in_dim3A_319 = vector.broadcast %reduce_sum3A_237 : f32 to vector<8x128xf32>
      %select_n3A_320 = arith.select %lt3A_318, %broadcast_in_dim3A_319, %select_n3A_316 : vector<8x128xi1>, vector<8x128xf32>
      %gt3A_321 = vector.broadcast %reduce_max3A_184 : f32 to vector<8x128xf32>
      %gt3A_322 = arith.cmpf ogt, %convert_element_type3A_113, %gt3A_321 : vector<8x128xf32>
      %broadcast_in_dim3A_323 = vector.broadcast %reduce_sum3A_251 : f32 to vector<8x128xf32>
      %select_n3A_324 = arith.select %gt3A_322, %broadcast_in_dim3A_323, %select_n3A_320 : vector<8x128xi1>, vector<8x128xf32>
      %lt3A_325 = arith.constant 0 : i32
      %lt3A_326 = vector.broadcast %lt3A_325 : i32 to vector<8x128xi32>
      %lt3A_327 = arith.cmpi slt, %min3A_102, %lt3A_326 : vector<8x128xi32>
      %add3A_328 = arith.constant 128 : i32
      %add3A_329 = vector.broadcast %add3A_328 : i32 to vector<8x128xi32>
      %add3A_330 = arith.addi %min3A_102, %add3A_329 : vector<8x128xi32>
      %select_n3A_331 = arith.select %lt3A_327, %add3A_330, %min3A_102 : vector<8x128xi1>, vector<8x128xi32>
      %reshape3A_332 = vector.shape_cast %select_n3A_331 : vector<8x128xi32> to vector<8x128x1xi32>
      %gather3A_333 = vector.shape_cast %reshape3A_332 : vector<8x128x1xi32> to vector<8x128xi32>
      %gather3A_334 = tpu.dynamic_gather %select_n3A_287[%gather3A_333] in [1] : vector<8x128xf32>, vector<8x128xi32> -> vector<8x128xf32>
      %lt3A_335 = arith.constant 0 : i32
      %lt3A_336 = vector.broadcast %lt3A_335 : i32 to vector<8x128xi32>
      %lt3A_337 = arith.cmpi slt, %min3A_102, %lt3A_336 : vector<8x128xi32>
      %add3A_338 = arith.constant 128 : i32
      %add3A_339 = vector.broadcast %add3A_338 : i32 to vector<8x128xi32>
      %add3A_340 = arith.addi %min3A_102, %add3A_339 : vector<8x128xi32>
      %select_n3A_341 = arith.select %lt3A_337, %add3A_340, %min3A_102 : vector<8x128xi1>, vector<8x128xi32>
      %reshape3A_342 = vector.shape_cast %select_n3A_341 : vector<8x128xi32> to vector<8x128x1xi32>
      %gather3A_343 = vector.shape_cast %reshape3A_342 : vector<8x128x1xi32> to vector<8x128xi32>
      %gather3A_344 = tpu.dynamic_gather %select_n3A_324[%gather3A_343] in [1] : vector<8x128xf32>, vector<8x128xi32> -> vector<8x128xf32>
      %div3A_345 = arith.constant 1.000000e+00 : f32
      %div3A_346 = arith.divf %div3A_345, %get3A_4 : f32
      %mul3A_347 = arith.constant 9.375000e-01 : f32
      %mul3A_348 = arith.mulf %div3A_346, %mul3A_347 : f32
      %iota3A_349 = tpu.iota {dimensions = array<i32: 1>} : vector<8x128xi32>
      %convert_element_type3A_350 = arith.sitofp %iota3A_349 : vector<8x128xi32> to vector<8x128xf32>
      %mul3A_351 = vector.broadcast %mul3A_348 : f32 to vector<8x128xf32>
      %mul3A_352 = arith.mulf %convert_element_type3A_350, %mul3A_351 : vector<8x128xf32>
      %add3A_353 = vector.broadcast %get3A_2 : f32 to vector<8x128xf32>
      %add3A_354 = arith.addf %add3A_353, %mul3A_352 : vector<8x128xf32>
      %sub3A_355 = vector.broadcast %get3A_2 : f32 to vector<8x128xf32>
      %sub3A_356 = arith.subf %add3A_354, %sub3A_355 : vector<8x128xf32>
      %mul3A_357 = vector.broadcast %get3A_4 : f32 to vector<8x128xf32>
      %mul3A_358 = arith.mulf %sub3A_356, %mul3A_357 : vector<8x128xf32>
      %sub3A_359 = arith.constant 5.000000e-01 : f32
      %sub3A_360 = vector.broadcast %sub3A_359 : f32 to vector<8x128xf32>
      %sub3A_361 = arith.subf %mul3A_358, %sub3A_360 : vector<8x128xf32>
      %convert_element_type3A_362 = arith.fptosi %sub3A_361 : vector<8x128xf32> to vector<8x128xi32>
      %jit3A_363 = arith.constant 0 : i32
      %jit3A_364 = arith.constant 118 : i32
      %max3A_365 = vector.broadcast %jit3A_363 : i32 to vector<8x128xi32>
      %max3A_366 = arith.maxsi %max3A_365, %convert_element_type3A_362 : vector<8x128xi32>
      %min3A_367 = vector.broadcast %jit3A_364 : i32 to vector<8x128xi32>
      %min3A_368 = arith.minsi %min3A_367, %max3A_366 : vector<8x128xi32>
      %convert_element_type3A_369 = arith.sitofp %min3A_368 : vector<8x128xi32> to vector<8x128xf32>
      %sub3A_370 = arith.subf %sub3A_361, %convert_element_type3A_369 : vector<8x128xf32>
      %jit3A_371 = arith.constant 0.000000e+00 : f32
      %jit3A_372 = arith.constant 1.000000e+00 : f32
      %max3A_373 = vector.broadcast %jit3A_371 : f32 to vector<8x128xf32>
      %max3A_374 = arith.maximumf %max3A_373, %sub3A_370 : vector<8x128xf32>
      %min3A_375 = vector.broadcast %jit3A_372 : f32 to vector<8x128xf32>
      %min3A_376 = arith.minimumf %min3A_375, %max3A_374 : vector<8x128xf32>
      %reshape3A_377 = vector.shape_cast %min3A_368 : vector<8x128xi32> to vector<8x128x1xi32>
      %gather3A_378 = vector.shape_cast %reshape3A_377 : vector<8x128x1xi32> to vector<8x128xi32>
      %gather3A_379 = tpu.dynamic_gather %broadcast_in_dim3A_95[%gather3A_378] in [1] : vector<8x128xf32>, vector<8x128xi32> -> vector<8x128xf32>
      %reshape3A_380 = vector.shape_cast %min3A_368 : vector<8x128xi32> to vector<8x128x1xi32>
      %gather3A_381 = vector.shape_cast %reshape3A_380 : vector<8x128x1xi32> to vector<8x128xi32>
      %gather3A_382 = tpu.dynamic_gather %gather3A_112[%gather3A_381] in [1] : vector<8x128xf32>, vector<8x128xi32> -> vector<8x128xf32>
      %sub3A_383 = arith.subf %gather3A_382, %gather3A_379 : vector<8x128xf32>
      %mul3A_384 = arith.mulf %min3A_376, %sub3A_383 : vector<8x128xf32>
      %add3A_385 = arith.addf %gather3A_379, %mul3A_384 : vector<8x128xf32>
      %convert_element_type3A_386 = arith.fptosi %add3A_385 : vector<8x128xf32> to vector<8x128xi32>
      %min3A_387 = arith.constant 119 : i32
      %min3A_388 = vector.broadcast %min3A_387 : i32 to vector<8x128xi32>
      %min3A_389 = arith.minsi %convert_element_type3A_386, %min3A_388 : vector<8x128xi32>
      %convert_element_type3A_390 = arith.sitofp %min3A_389 : vector<8x128xi32> to vector<8x128xf32>
      %sub3A_391 = arith.subf %add3A_385, %convert_element_type3A_390 : vector<8x128xf32>
      %sub3A_392 = arith.constant 1.000000e+00 : f32
      %sub3A_393 = vector.broadcast %sub3A_392 : f32 to vector<8x128xf32>
      %sub3A_394 = arith.subf %sub3A_393, %sub3A_391 : vector<8x128xf32>
      %reshape3A_395 = vector.shape_cast %min3A_389 : vector<8x128xi32> to vector<8x128x1xi32>
      %gather3A_396 = vector.shape_cast %reshape3A_395 : vector<8x128x1xi32> to vector<8x128xi32>
      %gather3A_397 = tpu.dynamic_gather %select_n3A_287[%gather3A_396] in [1] : vector<8x128xf32>, vector<8x128xi32> -> vector<8x128xf32>
      %mul3A_398 = arith.mulf %sub3A_394, %gather3A_397 : vector<8x128xf32>
      %reshape3A_399 = vector.shape_cast %min3A_389 : vector<8x128xi32> to vector<8x128x1xi32>
      %gather3A_400 = vector.shape_cast %reshape3A_399 : vector<8x128x1xi32> to vector<8x128xi32>
      %gather3A_401 = tpu.dynamic_gather %gather3A_334[%gather3A_400] in [1] : vector<8x128xf32>, vector<8x128xi32> -> vector<8x128xf32>
      %mul3A_402 = arith.mulf %sub3A_391, %gather3A_401 : vector<8x128xf32>
      %add3A_403 = arith.addf %mul3A_398, %mul3A_402 : vector<8x128xf32>
      %sub3A_404 = arith.constant 1.000000e+00 : f32
      %sub3A_405 = vector.broadcast %sub3A_404 : f32 to vector<8x128xf32>
      %sub3A_406 = arith.subf %sub3A_405, %sub3A_391 : vector<8x128xf32>
      %reshape3A_407 = vector.shape_cast %min3A_389 : vector<8x128xi32> to vector<8x128x1xi32>
      %gather3A_408 = vector.shape_cast %reshape3A_407 : vector<8x128x1xi32> to vector<8x128xi32>
      %gather3A_409 = tpu.dynamic_gather %select_n3A_324[%gather3A_408] in [1] : vector<8x128xf32>, vector<8x128xi32> -> vector<8x128xf32>
      %mul3A_410 = arith.mulf %sub3A_406, %gather3A_409 : vector<8x128xf32>
      %reshape3A_411 = vector.shape_cast %min3A_389 : vector<8x128xi32> to vector<8x128x1xi32>
      %gather3A_412 = vector.shape_cast %reshape3A_411 : vector<8x128x1xi32> to vector<8x128xi32>
      %gather3A_413 = tpu.dynamic_gather %gather3A_344[%gather3A_412] in [1] : vector<8x128xf32>, vector<8x128xi32> -> vector<8x128xf32>
      %mul3A_414 = arith.mulf %sub3A_391, %gather3A_413 : vector<8x128xf32>
      %add3A_415 = arith.addf %mul3A_410, %mul3A_414 : vector<8x128xf32>
      %mul3A_416 = arith.constant 0.00999999977 : f32
      %mul3A_417 = vector.broadcast %mul3A_416 : f32 to vector<8x128xf32>
      %mul3A_418 = arith.mulf %add3A_415, %mul3A_417 : vector<8x128xf32>
      %sin3A = math.sin %add3A_403 : vector<8x128xf32>
      %mul3A_419 = arith.mulf %mul3A_418, %sin3A : vector<8x128xf32>
      %cos3A = math.cos %add3A_403 : vector<8x128xf32>
      %mul3A_420 = arith.mulf %mul3A_418, %cos3A : vector<8x128xf32>
      %add3A_421 = arith.constant 1.000000e+00 : f32
      %add3A_422 = vector.broadcast %add3A_421 : f32 to vector<8x128xf32>
      %add3A_423 = arith.addf %convert_element_type3A_350, %add3A_422 : vector<8x128xf32>
      %mul3A_424 = vector.broadcast %mul3A_348 : f32 to vector<8x128xf32>
      %mul3A_425 = arith.mulf %add3A_423, %mul3A_424 : vector<8x128xf32>
      %add3A_426 = vector.broadcast %get3A_2 : f32 to vector<8x128xf32>
      %add3A_427 = arith.addf %add3A_426, %mul3A_425 : vector<8x128xf32>
      %sub3A_428 = vector.broadcast %get3A_2 : f32 to vector<8x128xf32>
      %sub3A_429 = arith.subf %add3A_427, %sub3A_428 : vector<8x128xf32>
      %mul3A_430 = vector.broadcast %get3A_4 : f32 to vector<8x128xf32>
      %mul3A_431 = arith.mulf %sub3A_429, %mul3A_430 : vector<8x128xf32>
      %sub3A_432 = arith.constant 5.000000e-01 : f32
      %sub3A_433 = vector.broadcast %sub3A_432 : f32 to vector<8x128xf32>
      %sub3A_434 = arith.subf %mul3A_431, %sub3A_433 : vector<8x128xf32>
      %convert_element_type3A_435 = arith.fptosi %sub3A_434 : vector<8x128xf32> to vector<8x128xi32>
      %jit3A_436 = arith.constant 0 : i32
      %jit3A_437 = arith.constant 118 : i32
      %max3A_438 = vector.broadcast %jit3A_436 : i32 to vector<8x128xi32>
      %max3A_439 = arith.maxsi %max3A_438, %convert_element_type3A_435 : vector<8x128xi32>
      %min3A_440 = vector.broadcast %jit3A_437 : i32 to vector<8x128xi32>
      %min3A_441 = arith.minsi %min3A_440, %max3A_439 : vector<8x128xi32>
      %convert_element_type3A_442 = arith.sitofp %min3A_441 : vector<8x128xi32> to vector<8x128xf32>
      %sub3A_443 = arith.subf %sub3A_434, %convert_element_type3A_442 : vector<8x128xf32>
      %jit3A_444 = arith.constant 0.000000e+00 : f32
      %jit3A_445 = arith.constant 1.000000e+00 : f32
      %max3A_446 = vector.broadcast %jit3A_444 : f32 to vector<8x128xf32>
      %max3A_447 = arith.maximumf %max3A_446, %sub3A_443 : vector<8x128xf32>
      %min3A_448 = vector.broadcast %jit3A_445 : f32 to vector<8x128xf32>
      %min3A_449 = arith.minimumf %min3A_448, %max3A_447 : vector<8x128xf32>
      %reshape3A_450 = vector.shape_cast %min3A_441 : vector<8x128xi32> to vector<8x128x1xi32>
      %gather3A_451 = vector.shape_cast %reshape3A_450 : vector<8x128x1xi32> to vector<8x128xi32>
      %gather3A_452 = tpu.dynamic_gather %broadcast_in_dim3A_95[%gather3A_451] in [1] : vector<8x128xf32>, vector<8x128xi32> -> vector<8x128xf32>
      %reshape3A_453 = vector.shape_cast %min3A_441 : vector<8x128xi32> to vector<8x128x1xi32>
      %gather3A_454 = vector.shape_cast %reshape3A_453 : vector<8x128x1xi32> to vector<8x128xi32>
      %gather3A_455 = tpu.dynamic_gather %gather3A_112[%gather3A_454] in [1] : vector<8x128xf32>, vector<8x128xi32> -> vector<8x128xf32>
      %sub3A_456 = arith.subf %gather3A_455, %gather3A_452 : vector<8x128xf32>
      %mul3A_457 = arith.mulf %min3A_449, %sub3A_456 : vector<8x128xf32>
      %add3A_458 = arith.addf %gather3A_452, %mul3A_457 : vector<8x128xf32>
      %convert_element_type3A_459 = arith.fptosi %add3A_458 : vector<8x128xf32> to vector<8x128xi32>
      %min3A_460 = arith.constant 119 : i32
      %min3A_461 = vector.broadcast %min3A_460 : i32 to vector<8x128xi32>
      %min3A_462 = arith.minsi %convert_element_type3A_459, %min3A_461 : vector<8x128xi32>
      %convert_element_type3A_463 = arith.sitofp %min3A_462 : vector<8x128xi32> to vector<8x128xf32>
      %sub3A_464 = arith.subf %add3A_458, %convert_element_type3A_463 : vector<8x128xf32>
      %sub3A_465 = arith.constant 1.000000e+00 : f32
      %sub3A_466 = vector.broadcast %sub3A_465 : f32 to vector<8x128xf32>
      %sub3A_467 = arith.subf %sub3A_466, %sub3A_464 : vector<8x128xf32>
      %reshape3A_468 = vector.shape_cast %min3A_462 : vector<8x128xi32> to vector<8x128x1xi32>
      %gather3A_469 = vector.shape_cast %reshape3A_468 : vector<8x128x1xi32> to vector<8x128xi32>
      %gather3A_470 = tpu.dynamic_gather %select_n3A_287[%gather3A_469] in [1] : vector<8x128xf32>, vector<8x128xi32> -> vector<8x128xf32>
      %mul3A_471 = arith.mulf %sub3A_467, %gather3A_470 : vector<8x128xf32>
      %reshape3A_472 = vector.shape_cast %min3A_462 : vector<8x128xi32> to vector<8x128x1xi32>
      %gather3A_473 = vector.shape_cast %reshape3A_472 : vector<8x128x1xi32> to vector<8x128xi32>
      %gather3A_474 = tpu.dynamic_gather %gather3A_334[%gather3A_473] in [1] : vector<8x128xf32>, vector<8x128xi32> -> vector<8x128xf32>
      %mul3A_475 = arith.mulf %sub3A_464, %gather3A_474 : vector<8x128xf32>
      %add3A_476 = arith.addf %mul3A_471, %mul3A_475 : vector<8x128xf32>
      %sub3A_477 = arith.constant 1.000000e+00 : f32
      %sub3A_478 = vector.broadcast %sub3A_477 : f32 to vector<8x128xf32>
      %sub3A_479 = arith.subf %sub3A_478, %sub3A_464 : vector<8x128xf32>
      %reshape3A_480 = vector.shape_cast %min3A_462 : vector<8x128xi32> to vector<8x128x1xi32>
      %gather3A_481 = vector.shape_cast %reshape3A_480 : vector<8x128x1xi32> to vector<8x128xi32>
      %gather3A_482 = tpu.dynamic_gather %select_n3A_324[%gather3A_481] in [1] : vector<8x128xf32>, vector<8x128xi32> -> vector<8x128xf32>
      %mul3A_483 = arith.mulf %sub3A_479, %gather3A_482 : vector<8x128xf32>
      %reshape3A_484 = vector.shape_cast %min3A_462 : vector<8x128xi32> to vector<8x128x1xi32>
      %gather3A_485 = vector.shape_cast %reshape3A_484 : vector<8x128x1xi32> to vector<8x128xi32>
      %gather3A_486 = tpu.dynamic_gather %gather3A_344[%gather3A_485] in [1] : vector<8x128xf32>, vector<8x128xi32> -> vector<8x128xf32>
      %mul3A_487 = arith.mulf %sub3A_464, %gather3A_486 : vector<8x128xf32>
      %add3A_488 = arith.addf %mul3A_483, %mul3A_487 : vector<8x128xf32>
      %mul3A_489 = arith.constant 0.00999999977 : f32
      %mul3A_490 = vector.broadcast %mul3A_489 : f32 to vector<8x128xf32>
      %mul3A_491 = arith.mulf %add3A_488, %mul3A_490 : vector<8x128xf32>
      %sin3A_492 = math.sin %add3A_476 : vector<8x128xf32>
      %mul3A_493 = arith.mulf %mul3A_491, %sin3A_492 : vector<8x128xf32>
      %cos3A_494 = math.cos %add3A_476 : vector<8x128xf32>
      %mul3A_495 = arith.mulf %mul3A_491, %cos3A_494 : vector<8x128xf32>
      %bitcast_convert_type3A_496 = tpu.bitcast %mul3A_419 : vector<8x128xf32> -> vector<8x128xi32>
      %sub3A_497 = arith.subf %mul3A_493, %mul3A_419 : vector<8x128xf32>
      %bitcast_convert_type3A_498 = tpu.bitcast %sub3A_497 : vector<8x128xf32> -> vector<8x128xi32>
      %and3A_499 = arith.constant -65536 : i32
      %and3A_500 = vector.broadcast %and3A_499 : i32 to vector<8x128xi32>
      %and3A_501 = arith.andi %bitcast_convert_type3A_496, %and3A_500 : vector<8x128xi32>
      %shift_right_logical3A = arith.constant 16 : i32
      %shift_right_logical3A_502 = vector.broadcast %shift_right_logical3A : i32 to vector<8x128xi32>
      %shift_right_logical3A_503 = arith.shrui %bitcast_convert_type3A_498, %shift_right_logical3A_502 : vector<8x128xi32>
      %or3A = arith.ori %and3A_501, %shift_right_logical3A_503 : vector<8x128xi32>
      %slice3A = vector.extract_strided_slice %or3A {offsets = [0, 0], sizes = [1, 128], strides = [1, 1]} : vector<8x128xi32> to vector<1x128xi32>
      %broadcast_in_dim3A_504 = vector.shape_cast %slice3A : vector<1x128xi32> to vector<1x128xi32>
      %broadcast_in_dim3A_505 = vector.broadcast %broadcast_in_dim3A_504 : vector<1x128xi32> to vector<96x128xi32>
      %swap3A_506 = arith.constant 0 : index
      %swap3A_507 = arith.constant 0 : index
      %swap3A_508 = arith.constant 0 : index
      %swap3A_509 = vector.load %arg6[%swap3A_506, %swap3A_507, %swap3A_508] : memref<2x96x128xi32, #tpu.memory_space<vmem>>, vector<1x96x128xi32>
      %swap3A_510 = vector.shape_cast %swap3A_509 : vector<1x96x128xi32> to vector<96x128xi32>
      %swap3A_511 = vector.shape_cast %broadcast_in_dim3A_505 : vector<96x128xi32> to vector<1x96x128xi32>
      tpu.vector_store %arg6[%swap3A_506, %swap3A_507, %swap3A_508], %swap3A_511 {strides = array<i32>} : memref<2x96x128xi32, #tpu.memory_space<vmem>>, vector<1x96x128xi32>,
      %bitcast_convert_type3A_512 = tpu.bitcast %mul3A_420 : vector<8x128xf32> -> vector<8x128xi32>
      %sub3A_513 = arith.subf %mul3A_495, %mul3A_420 : vector<8x128xf32>
      %bitcast_convert_type3A_514 = tpu.bitcast %sub3A_513 : vector<8x128xf32> -> vector<8x128xi32>
      %and3A_515 = arith.constant -65536 : i32
      %and3A_516 = vector.broadcast %and3A_515 : i32 to vector<8x128xi32>
      %and3A_517 = arith.andi %bitcast_convert_type3A_512, %and3A_516 : vector<8x128xi32>
      %shift_right_logical3A_518 = arith.constant 16 : i32
      %shift_right_logical3A_519 = vector.broadcast %shift_right_logical3A_518 : i32 to vector<8x128xi32>
      %shift_right_logical3A_520 = arith.shrui %bitcast_convert_type3A_514, %shift_right_logical3A_519 : vector<8x128xi32>
      %or3A_521 = arith.ori %and3A_517, %shift_right_logical3A_520 : vector<8x128xi32>
      %slice3A_522 = vector.extract_strided_slice %or3A_521 {offsets = [0, 0], sizes = [1, 128], strides = [1, 1]} : vector<8x128xi32> to vector<1x128xi32>
      %broadcast_in_dim3A_523 = vector.shape_cast %slice3A_522 : vector<1x128xi32> to vector<1x128xi32>
      %broadcast_in_dim3A_524 = vector.broadcast %broadcast_in_dim3A_523 : vector<1x128xi32> to vector<96x128xi32>
      %swap3A_525 = arith.constant 1 : index
      %swap3A_526 = arith.constant 0 : index
      %swap3A_527 = arith.constant 0 : index
      %swap3A_528 = vector.load %arg6[%swap3A_525, %swap3A_526, %swap3A_527] : memref<2x96x128xi32, #tpu.memory_space<vmem>>, vector<1x96x128xi32>
      %swap3A_529 = vector.shape_cast %swap3A_528 : vector<1x96x128xi32> to vector<96x128xi32>
      %swap3A_530 = vector.shape_cast %broadcast_in_dim3A_524 : vector<96x128xi32> to vector<1x96x128xi32>
      tpu.vector_store %arg6[%swap3A_525, %swap3A_526, %swap3A_527], %swap3A_530 {strides = array<i32>} : memref<2x96x128xi32, #tpu.memory_space<vmem>>, vector<1x96x128xi32>,
    } else {
    }
    %get3A_9 = arith.constant 0 : index
    %get3A_10 = arith.constant 0 : index
    %get3A_11 = vector.load %arg1[%get3A_9, %get3A_10] : memref<96x4096xf32, #tpu.memory_space<vmem>>, vector<96x4096xf32>
    %mul3A = vector.broadcast %get3A_0 : f32 to vector<96x4096xf32>
    %mul3A_12 = arith.mulf %get3A_11, %mul3A : vector<96x4096xf32>
    %sub3A = vector.broadcast %get3A_2 : f32 to vector<96x4096xf32>
    %sub3A_13 = arith.subf %mul3A_12, %sub3A : vector<96x4096xf32>
    %mul3A_14 = arith.constant 1.06666672 : f32
    %mul3A_15 = arith.mulf %get3A_4, %mul3A_14 : f32
    %mul3A_16 = vector.broadcast %mul3A_15 : f32 to vector<96x4096xf32>
    %mul3A_17 = arith.mulf %sub3A_13, %mul3A_16 : vector<96x4096xf32>
    %convert_element_type3A_18 = arith.fptosi %mul3A_17 : vector<96x4096xf32> to vector<96x4096xi32>
    %min3A = arith.constant 127 : i32
    %min3A_19 = vector.broadcast %min3A : i32 to vector<96x4096xi32>
    %min3A_20 = arith.minsi %convert_element_type3A_18, %min3A_19 : vector<96x4096xi32>
    %convert_element_type3A_21 = arith.sitofp %min3A_20 : vector<96x4096xi32> to vector<96x4096xf32>
    %sub3A_22 = arith.subf %mul3A_17, %convert_element_type3A_21 : vector<96x4096xf32>
    %get3A_23 = arith.constant 0 : index
    %get3A_24 = arith.constant 0 : index
    %get3A_25 = arith.constant 0 : index
    %get3A_26 = vector.load %arg6[%get3A_23, %get3A_24, %get3A_25] : memref<2x96x128xi32, #tpu.memory_space<vmem>>, vector<1x96x128xi32>
    %get3A_27 = vector.shape_cast %get3A_26 : vector<1x96x128xi32> to vector<96x128xi32>
    %reshape3A = vector.shape_cast %min3A_20 : vector<96x4096xi32> to vector<96x4096x1xi32>
    %gather3A = vector.shape_cast %reshape3A : vector<96x4096x1xi32> to vector<96x4096xi32>
    %gather3A_28 = tpu.dynamic_gather %get3A_27[%gather3A] in [1] : vector<96x128xi32>, vector<96x4096xi32> -> vector<96x4096xi32>
    %and3A = arith.constant -65536 : i32
    %and3A_29 = vector.broadcast %and3A : i32 to vector<96x4096xi32>
    %and3A_30 = arith.andi %gather3A_28, %and3A_29 : vector<96x4096xi32>
    %bitcast_convert_type3A = tpu.bitcast %and3A_30 : vector<96x4096xi32> -> vector<96x4096xf32>
    %shift_left3A = arith.constant 16 : i32
    %shift_left3A_31 = vector.broadcast %shift_left3A : i32 to vector<96x4096xi32>
    %shift_left3A_32 = arith.shli %gather3A_28, %shift_left3A_31 : vector<96x4096xi32>
    %bitcast_convert_type3A_33 = tpu.bitcast %shift_left3A_32 : vector<96x4096xi32> -> vector<96x4096xf32>
    %get3A_34 = arith.constant 1 : index
    %get3A_35 = arith.constant 0 : index
    %get3A_36 = arith.constant 0 : index
    %get3A_37 = vector.load %arg6[%get3A_34, %get3A_35, %get3A_36] : memref<2x96x128xi32, #tpu.memory_space<vmem>>, vector<1x96x128xi32>
    %get3A_38 = vector.shape_cast %get3A_37 : vector<1x96x128xi32> to vector<96x128xi32>
    %reshape3A_39 = vector.shape_cast %min3A_20 : vector<96x4096xi32> to vector<96x4096x1xi32>
    %gather3A_40 = vector.shape_cast %reshape3A_39 : vector<96x4096x1xi32> to vector<96x4096xi32>
    %gather3A_41 = tpu.dynamic_gather %get3A_38[%gather3A_40] in [1] : vector<96x128xi32>, vector<96x4096xi32> -> vector<96x4096xi32>
    %and3A_42 = arith.constant -65536 : i32
    %and3A_43 = vector.broadcast %and3A_42 : i32 to vector<96x4096xi32>
    %and3A_44 = arith.andi %gather3A_41, %and3A_43 : vector<96x4096xi32>
    %bitcast_convert_type3A_45 = tpu.bitcast %and3A_44 : vector<96x4096xi32> -> vector<96x4096xf32>
    %shift_left3A_46 = arith.constant 16 : i32
    %shift_left3A_47 = vector.broadcast %shift_left3A_46 : i32 to vector<96x4096xi32>
    %shift_left3A_48 = arith.shli %gather3A_41, %shift_left3A_47 : vector<96x4096xi32>
    %bitcast_convert_type3A_49 = tpu.bitcast %shift_left3A_48 : vector<96x4096xi32> -> vector<96x4096xf32>
    %mul3A_50 = arith.mulf %sub3A_22, %bitcast_convert_type3A_33 : vector<96x4096xf32>
    %add3A = arith.addf %bitcast_convert_type3A, %mul3A_50 : vector<96x4096xf32>
    %mul3A_51 = arith.mulf %sub3A_22, %bitcast_convert_type3A_49 : vector<96x4096xf32>
    %add3A_52 = arith.addf %bitcast_convert_type3A_45, %mul3A_51 : vector<96x4096xf32>
    %add3A_53 = arith.constant 1.000000e+00 : f32
    %add3A_54 = vector.broadcast %add3A_53 : f32 to vector<96x4096xf32>
    %add3A_55 = arith.addf %add3A_54, %add3A : vector<96x4096xf32>
    %mul3A_56 = arith.mulf %mul3A_12, %add3A_55 : vector<96x4096xf32>
    %add3A_57 = arith.addf %mul3A_56, %add3A_52 : vector<96x4096xf32>
    %mul3A_58 = vector.broadcast %get3A_6 : f32 to vector<96x4096xf32>
    %mul3A_59 = arith.mulf %add3A_57, %mul3A_58 : vector<96x4096xf32>
    %swap3A = arith.constant 0 : index
    %swap3A_60 = arith.constant 0 : index
    %swap3A_61 = vector.load %arg5[%swap3A, %swap3A_60] : memref<96x4096xf32, #tpu.memory_space<vmem>>, vector<96x4096xf32>
    tpu.vector_store %arg5[%swap3A, %swap3A_60], %mul3A_59 {strides = array<i32>} : memref<96x4096xf32, #tpu.memory_space<vmem>>, vector<96x4096xf32>,
    return
  }
  func.func @transform_0(%arg0: i32) -> (i32, i32) {
    %c0_i32 = arith.constant 0 : i32
    %c0_i32_0 = arith.constant 0 : i32
    return %arg0, %c0_i32 : i32, i32
  }
  func.func @transform_1(%arg0: i32) -> (i32, i32) {
    %c0_i32 = arith.constant 0 : i32
    %c0_i32_0 = arith.constant 0 : i32
    %c0_i32_1 = arith.constant 0 : i32
    return %c0_i32, %c0_i32_0 : i32, i32
  }
  func.func @transform_2(%arg0: i32) -> i32 {
    %c0_i32 = arith.constant 0 : i32
    %c0_i32_0 = arith.constant 0 : i32
    return %c0_i32 : i32
  }
  func.func @transform_3(%arg0: i32) -> (i32, i32) {
    %c0_i32 = arith.constant 0 : i32
    %c0_i32_0 = arith.constant 0 : i32
    %c0_i32_1 = arith.constant 0 : i32
    return %c0_i32, %c0_i32_0 : i32, i32
  }
  func.func @transform_4(%arg0: i32) -> (i32, i32) {
    %c0_i32 = arith.constant 0 : i32
    %c0_i32_0 = arith.constant 0 : i32
    return %arg0, %c0_i32 : i32, i32
  }
}

</mosaic_0001>

<sc_bundles>
// kernel: kernel.5.cloned.1.call-start
scs
__scs_entry_jumppad:
0x0: {  	(pc) =	sbr.rel $0x88, $3  }
0x1: {  	(tag) =	ssettag $0x0;
	lr =	simm.s32 $0x1  }
0x2: {  	[smem:$0x3F9D] =	sst lr;
	_ =	strace $0xD0000000  }
0x3: {  	_ = 	snop  }
0x4: {  	_ = 	snop  }
0x5: {  	_ = 	snop  }
0x6: {  	_ = 	snop  }
0x7: {  	_ = 	snop  }
__scs_overlays_trampoline_lowered:
0x8: {  	[smem:$0x3FAC] =	sst s0  }
0x9: {  	[smem:$0x3FAD] =	sst s1  }
0xa: {  	[smem:$0x3FAE] =	sst s2  }
0xb: {  	[smem:$0x3FAF] =	sst s3  }
0xc: {  	[smem:$0x3FB0] =	sst s4  }
0xd: {  	[smem:$0x3FB1] =	sst s5  }
0xe: {  	[smem:$0x3FB2] =	sst s6  }
0xf: {  	[smem:$0x3FB3] =	sst s7  }
0x10: {  	[smem:$0x3FB4] =	sst s8  }
0x11: {  	[smem:$0x3FB5] =	sst s9;
	s0 =	simm.s32 @!p0 $0x0  }
0x12: {  	s1 =	sld [smem:$0x3F9B];
	s0 =	simm.s32 @p0 $0x1  }
0x13: {  	[smem:$0x3FB6] =	sst s0;
	s0 =	simm.s32 @!p1 $0x0  }
0x14: {  	s2 =	sld [smem:$0x3F9A];
	s0 =	simm.s32 @p1 $0x1  }
0x15: {  	[smem:$0x3FB7] =	sst s0;
	s0 =	simm.s32 @!p2 $0x0  }
0x16: {  	s3 =	sld [smem:$0x3FDB];
	s0 =	simm.s32 @p2 $0x1  }
0x17: {  	s4 =	simm.s32 $0x1BF5;
	[smem:$0x3FB9] =	sst s0  }
0x18: {  	s0 =	sld [smem:$0x3F9C];
	_ =	swait.ge [sflag:s4], $0x0  }
0x19: {  	s7 =	sld [smem:$0x3F9D]  }
0x1a: {  	s8 =	sadd.s32 $0xFFFFE003, lr  }
0x1b: {  	s9 =	sadd.s32 $0xFFFFFEF7, lr;
	s5 =	simm.s32 $0xFFFFFFFF;
	p2 =	slt.u32 s8, $0xFFFFF086  }
0x1c: {  	p1 =	slt.u32 s9, $0xF7A;
	s5 =	simm.s32 @!p2 $0x0  }
0x1d: {  	s5 =	simm.s32 @p1 $0x1;
	p0 =	seq.s32 s7, s2  }
0x1e: {  	s7 =	smul.u32 @!p0 $0xF7A, s2;
	p2 =	seq.s32 @!p0 s5, $0x0  }
0x1f: {  	s9 =	smul.u32 $0xF7A, s1;
	s8 =	simm.s32 @!p0 $0x1BF5;
	p2 =	por !p2, p0  }
0x20: {  	[sflag:s8] =	ssyncset.s32 @!p0 $0xFFFFF086;
	s6 =	sadd.s32 @!p0 s3, s7;
	s7 =	simm.s32 @!p0 $0x108  }
0x21: {  	s3 =	sadd.s32 s3, s9;
	s6 =	sadd.s32 @!p0 $0x88, s6;
	s7 =	simm.s32 @p2 $0x1082  }
0x22: {  	[simem:s7], [sflag:s8] =	dma.local @!p0 [hbm:s6], $0xF7A  }
0x23: {  	s9 =	sor.u32 $0xD0000000, s2;
	s6 =	simm.s32 $0x108;
	_ =	swait.ge @!p0 [sflag:s8], $0x0  }
0x24: {  	s3 =	sadd.s32 $0x88, s3;
	s6 =	simm.s32 @!p1 $0x1082;
	[sflag:s4] =	ssyncset.s32 $0xFFFFF086  }
0x25: {  	[simem:s6], [sflag:s4] =	dma.local [hbm:s3], $0xF7A  }
0x26: {  	[smem:$0x3F9D] =	sst s1;
	(tag) =	ssettag s2;
	_ =	strace s9  }
0x27: {  	s1 =	sld [smem:$0x3FAD]  }
0x28: {  	s2 =	sld [smem:$0x3FAE]  }
0x29: {  	s4 =	sld [smem:$0x3FB0]  }
0x2a: {  	p0 =	seq.s32 s5, $0x0;
	s5 =	sld [smem:$0x3FB1]  }
0x2b: {  	s6 =	sld [smem:$0x3FB2]  }
0x2c: {  	s7 =	sld [smem:$0x3FB3]  }
0x2d: {  	s3 =	simm.s32 $0x108;
	s8 =	sld [smem:$0x3FB4]  }
0x2e: {  	s3 =	simm.s32 @!p0 $0x1082;
	s9 =	sld [smem:$0x3FB5]  }
0x2f: {  	lr =	sadd.s32 s0, s3;
	s0 =	sld [smem:$0x3FAC]  }
0x30: {  	s3 =	sld [smem:$0x3FAF]  }
0x31: {  	[smem:$0x3FB8] =	sst s10  }
0x32: {  	s10 =	sld [smem:$0x3FB6];
	_ =	sdelay $0x3  }
0x33: {  	p0 =	seq.s32 s10, $0x1;
	s10 =	sld [smem:$0x3FB8];
	_ =	sdelay $0x3  }
0x34: {  	[smem:$0x3FB8] =	sst s10  }
0x35: {  	s10 =	sld [smem:$0x3FB7];
	_ =	sdelay $0x3  }
0x36: {  	p1 =	seq.s32 s10, $0x1;
	s10 =	sld [smem:$0x3FB8];
	_ =	sdelay $0x3  }
0x37: {  	[smem:$0x3FB8] =	sst s10  }
0x38: {  	s10 =	sld [smem:$0x3FB9]  }
0x39: {  	_ = 	snop;
	(pc) =	sbr.ind lr, $3  }
0x3a: {  	_ = 	snop  }
0x3b: {  	_ = 	snop  }
0x3c: {  	p2 =	seq.s32 s10, $0x1;
	s10 =	sld [smem:$0x3FB8]  }
0x3d: {  	_ =	shalt  }
0x3e: {  	_ =	shalt  }
0x3f: {  	_ =	shalt  }
0x40: {  	_ =	shalt  }
0x41: {  	_ =	shalt  }
0x42: {  	_ =	shalt  }
0x43: {  	_ =	shalt  }
0x44: {  	_ =	shalt  }
0x45: {  	_ =	shalt  }
0x46: {  	_ =	shalt  }
0x47: {  	_ =	shalt  }
0x48: {  	_ =	shalt  }
0x49: {  	_ =	shalt  }
0x4a: {  	_ =	shalt  }
0x4b: {  	_ =	shalt  }
0x4c: {  	_ =	shalt  }
0x4d: {  	_ =	shalt  }
0x4e: {  	_ =	shalt  }
0x4f: {  	_ =	shalt  }
0x50: {  	_ =	shalt  }
0x51: {  	_ =	shalt  }
0x52: {  	_ =	shalt  }
0x53: {  	_ =	shalt  }
0x54: {  	_ =	shalt  }
0x55: {  	_ =	shalt  }
0x56: {  	_ =	shalt  }
0x57: {  	_ =	shalt  }
0x58: {  	_ =	shalt  }
0x59: {  	_ =	shalt  }
0x5a: {  	_ =	shalt  }
0x5b: {  	_ =	shalt  }
0x5c: {  	_ =	shalt  }
0x5d: {  	_ =	shalt  }
0x5e: {  	_ =	shalt  }
0x5f: {  	_ =	shalt  }
0x60: {  	_ =	shalt  }
0x61: {  	_ =	shalt  }
0x62: {  	_ =	shalt  }
0x63: {  	_ =	shalt  }
0x64: {  	_ =	shalt  }
0x65: {  	_ =	shalt  }
0x66: {  	_ =	shalt  }
0x67: {  	_ =	shalt  }
0x68: {  	_ =	shalt  }
0x69: {  	_ =	shalt  }
0x6a: {  	_ =	shalt  }
0x6b: {  	_ =	shalt  }
0x6c: {  	_ =	shalt  }
0x6d: {  	_ =	shalt  }
0x6e: {  	_ =	shalt  }
0x6f: {  	_ =	shalt  }
0x70: {  	_ =	shalt  }
0x71: {  	_ =	shalt  }
0x72: {  	_ =	shalt  }
0x73: {  	_ =	shalt  }
0x74: {  	_ =	shalt  }
0x75: {  	_ =	shalt  }
0x76: {  	_ =	shalt  }
0x77: {  	_ =	shalt  }
0x78: {  	_ =	shalt  }
0x79: {  	_ =	shalt  }
0x7a: {  	_ =	shalt  }
0x7b: {  	_ =	shalt  }
0x7c: {  	_ =	shalt  }
0x7d: {  	_ =	shalt  }
0x7e: {  	_ =	shalt  }
0x7f: {  	_ =	shalt  }
0x80: {  	_ =	shalt  }
0x81: {  	_ =	shalt  }
0x82: {  	_ =	shalt  }
0x83: {  	_ =	shalt  }
0x84: {  	_ =	shalt  }
0x85: {  	_ =	shalt  }
0x86: {  	_ =	shalt  }
0x87: {  	_ =	shalt  }
.Lfunc_end0:
.L_simem_size_0:
called_computation_lowered:
.L_overlay_start_0:
0x88: {  	s2 =	sld [smem:$0x3FD9]  }
0x89: {  	s3 =	sld [smem:$0x3FFE];
	_ =	sdelay $0x1  }
0x8a: {  	s1 =	srdreg.scid  }
0x8b: {  	s0 =	sand.u32 $0x1, s1  }
0x8c: {  	s16 =	sshll.u32 s0, $0xA;
	s2 =	sadd.s32 s3, s2  }
0x8d: {  	s2 =	sadd.s32 s2, s16  }
0x8e: {  	[smem:$0x3FC4] =	sst s2  }
0x8f: {  	_ = 	snop  }
0x90: {  	(tm) =	ssettm $0x1  }
0x91: {  	s17 =	sld [smem:$0x3FFB];
	_ =	sdelay $0x3  }
0x92: {  	_ =	strace s17  }
0x93: {  	s2 =	sld [smem:$0x3FFC];
	_ =	sdelay $0x3  }
0x94: {  	_ =	strace s2  }
0x95: {  	s2 =	sld [smem:$0x3FFD];
	_ =	sdelay $0x3  }
0x96: {  	_ =	strace s2  }
0x97: {  	_ =	strace $0x8FFFFFFF  }
0x98: {  	s18 =	sld [smem:$0x3FDB];
	_ =	sdelay $0x1  }
0x99: {  	s19 =	simm.s32 $_scs_section_size  }
0x9a: {  	s4 =	simm.s32 $_size__tile_overlayer_lowered;
	s5 =	simm.s32 $_tile_overlayer_lowered  }
0x9b: {  	s22 =	simm.s32 $0x1BFF;
	s21 =	sshll.u32 s5, $0x1;
	s2 =	sadd.s32 s19, s18  }
0x9c: {  	s6 =	simm.s32 $0x0;
	s20 =	sshll.u32 s4, $0x1;
	s4 =	sadd.s32 s21, s2  }
0x9d: {  	[timem:s6], [sflag:s22] =	dma.local [hbm:s4], s20  }
0x9e: {  	_ =	swait.ge [sflag:s22], s20  }
0x9f: {  	s3 =	ssub.s32 $0x0, s20;
	[sflag:s22] =	ssyncset.done $0x0  }
0xa0: {  	[sflag:s22] =	ssyncadd.s32 s3;
	_ =	sdelay $0x1  }
0xa1: {  	s23 =	simm.s32 $0x1B8B  }
0xa2: {  	_ =	swait.ge [sflag:s23], $0x1  }
0xa3: {  	[sflag:s23] =	ssyncset.done $0x0  }
0xa4: {  	s25 =	simm.s32 $0x1B8E;
	s24 =	sld [smem:$0x3FFE];
	[sflag:s23] =	ssyncadd.s32 $0xFFFFFFFF  }
0xa5: {  	s26 =	simm.s32 $execute0_lowered;
	[smem:$0x3FD2] =	sst s25  }
0xa6: {  	s4 =	sshll.u32 s26, $0x1;
	_ =	strace $0x80000046;
	[dreg:$0x1] =	wrdreg $0xFFFFFFFF  }
0xa7: {  	s28 =	simm.s32 $_size_execute0_lowered;
	s2 =	sadd.s32 s2, s4;
	[dreg:$0x0] =	wrdreg $0x0  }
0xa8: {  	s4 =	sshll.u32 s28, $0x1;
	[dreg:$0x2] =	wrdreg s2  }
0xa9: {  	[dreg:$0x3] =	wrdreg s4  }
0xaa: {  	[dreg:$0x4] =	wrdreg $0xC0  }
0xab: {  	_ =	task [dreg:s6], $0x5FFFF  }
0xac: {  	[dreg:$0x1] =	wrdreg $0xFFFFFFFF  }
0xad: {  	[dreg:$0x0] =	wrdreg $0x60  }
0xae: {  	[dreg:$0x2] =	wrdreg s24  }
0xaf: {  	[dreg:$0x3] =	wrdreg $0x9  }
0xb0: {  	_ =	task.clear_ibuf [dreg:s6], $0x4FFFF;
	_ =	strace $0x90000046  }
0xb1: {  	s29 =	simm.s32 $0x9;
	_ =	strace $0x80000048  }
0xb2: {  	_ =	swait.ge [sflag:s29], $0x1  }
0xb3: {  	[sflag:s29] =	ssyncadd.s32 $0xFFFFFFFF  }
0xb4: {  	_ =	strace $0x90000048  }
0xb5: {  	_ =	sfence  }
0xb6: {  	s30 =	sld [smem:$0x0];
	_ =	sdelay $0x2  }
0xb7: {  	s31 =	sshll.u32 s1, $0xD;
	s1 =	sshrl.u32 s1, $0x2  }
0xb8: {  	s3 =	sand.u32 $0x4000, s31;
	s1 =	sadd.s32 s1, s30  }
0xb9: {  	s0 =	sor.u32 s3, s0;
	s1 =	sshll.u32 s1, $0x11  }
0xba: {  	s0 =	sor.u32 s1, s0  }
0xbb: {  	s0 =	sadd.s32 $0x8F2B, s0  }
0xbc: {  	[sflag:s0] =	ssyncadd.remote.s32 $0x1  }
0xbd: {  	_ =	sfence.sel $0xFFFF  }
0xbe: {  	[dreg:$0x0] =	wrdreg $0xFFFFFFFF;
	(pc) =	sbr.abs _section_cstart, $3  }
0xbf: {  	[dreg:$0x1] =	wrdreg $0xFFFFFFFF  }
0xc0: {  	_ =	task.clear_ibuf [dreg:s6], $0x2FFFF;
	_ =	strace $0x9FFFFFFF  }
0xc1: {  	(tm) =	ssettm $0x7FFFFFFF  }
tec
execute0_lowered:
.L_overlay_start_1:
0x0: {  	(tag) =	ssettag $0x1  }
0x1: {  	v1 =	vimm.f32 $1.920000000e+03;
	vm0 =	vcmask $0x300  }
0x2: {  	v2 =	vimm.f32 $2.039000000e+03;
	vm1 =	vcmask $0x704;
	v1 =	vsel vm0, $0x0, v1  }
0x3: {  	vm15 =	vcmask $0xB08;
	v2 =	vsel vm0, $0x42EE0000, v2;
	v1 =	vsel vm1, $0x43000000, v1  }
0x4: {  	vm4 =	vcmask $0xF0C;
	v2 =	vsel vm1, $0x43770000, v2;
	v1 =	vsel vm15, $0x43800000, v1  }
0x5: {  	s5 =	rddreg [dreg:$0x0];
	vm5 =	vcmask $0x1310;
	v2 =	vsel vm15, $0x43BB8000, v2;
	v1 =	vsel vm4, $0x43C00000, v1  }
0x6: {  	s2 =	srdreg.scid;
	s0 =	rddreg [dreg:$0x1];
	s1 =	simm.s32 $0x0;
	vm6 =	vcmask $0x1714;
	v2 =	vsel vm4, $0x43FB8000, v2;
	v1 =	vsel vm5, $0x44000000, v1  }
0x7: {  	vm7 =	vcmask $0x1B18;
	s13 =	simm.s32 $0x3000;
	s14 =	simm.s32 $0x1;
	s15 =	simm.s32 $0x6000;
	v2 =	vsel vm5, $0x441DC000, v2;
	v1 =	vsel vm6, $0x44200000, v1  }
0x8: {  	vm8 =	vcmask $0x1F1C;
	s16 =	simm.s32 $0x2;
	s17 =	simm.s32 $0x6880;
	s18 =	simm.s32 $0x0;
	v2 =	vsel vm6, $0x443DC000, v2;
	v1 =	vsel vm7, $0x44400000, v1  }
0x9: {  	vm9 =	vcmask $0x2320;
	s6 =	sand.u32 $0x1, s2;
	[smem:$0x7FF] =	sst s1;
	s2 =	stileid.u32;
	v2 =	vsel vm7, $0x445DC000, v2;
	v1 =	vsel vm8, $0x44600000, v1  }
0xa: {  	vm10 =	vcmask $0x2724;
	s3 =	sshll.u32 s6, $0x4;
	_ =	strace $0x80000047;
	s4 =	sshll.u32 s2, $0x4;
	v2 =	vsel vm8, $0x447DC000, v2;
	v1 =	vsel vm9, $0x44800000, v1  }
0xb: {  	vm11 =	vcmask $0x2B28;
	s10 =	ssub.s32 $0x2, s6;
	s7 =	sor.u32 s2, s3;
	s8 =	sand.u32 $0x70, s4;
	v2 =	vsel vm9, $0x448EE000, v2;
	v1 =	vsel vm10, $0x44900000, v1  }
0xc: {  	vm12 =	vcmask $0x2F2C;
	s3 =	sadd.s32 $0xE00, s5;
	s4 =	sadd.s32 $0x24D000, s5;
	s11 =	sshrl.u32 s10, $0x1;
	v2 =	vsel vm10, $0x449EE000, v2;
	v1 =	vsel vm11, $0x44A00000, v1  }
0xd: {  	vm13 =	vcmask $0x3330;
	s9 =	smul.u32 $0x93000, s7;
	s8 =	sadd.s32 s8, s5;
	s31 =	sshll.u32 s7, $0x4;
	v2 =	vsel vm11, $0x44AEE000, v2;
	v1 =	vsel vm12, $0x44B00000, v1  }
0xe: {  	vm14 =	vcmask $0x3734;
	s10 =	ssub.s32 s10, s11;
	s11 =	simm.s32 $0x6800;
	s12 =	sand.u32 $0x180, s31;
	v2 =	vsel vm12, $0x44BEE000, v2;
	v1 =	vsel vm13, $0x44C00000, v1  }
0xf: {  	vm15 =	vcmask $0x3B38;
	s10 =	smax.u32 s10, $0x1;
	s30 =	sshrl.u32 s9, $0x3;
	s7 =	sadd.s32 $0x6000, s9;
	v2 =	vsel vm13, $0x44CEE000, v2;
	v1 =	vsel vm14, $0x44D00000, v1  }
0x10: {  	s12 =	sadd.s32 s12, s8;
	s8 =	sadd.s32 $0x9000, s9;
	s5 =	sadd.s32 s3, s30;
	v2 =	vsel vm14, $0x44DEE000, v2;
	v1 =	vsel vm15, $0x44E00000, v1  }
0x11: {  	v0 =	vimm.s32 $0x0;
	v3 =	vimm.s32 $0x1;
	s9 =	sadd.s32 $0x24D200, s12;
	s12 =	simm.s32 $0x3;
	s6 =	sadd.s32 $0x600, s5;
	v2 =	vsel vm15, $0x44EEE000, v2;
	[tilespmem:$0x1FFF0] =	vst v1  }
.LBB2_1:
0x12: {  	[tilespmem:s11], [sflag:$0x3] =	stream.linear.gather [hbm4b:s4+s1], $0x80, $0x38;
	[tilespmem:$0x6900] =	vst v63  }
0x13: {  	_ =	swait.ge [sflag:s12], $0x80  }
0x14: {  	[sflag:s12] =	ssyncset.done $0x0  }
0x15: {  	[sflag:s12] =	ssyncadd.s32 $0xFFFFFF80  }
0x16: {  	[tilespmem:$0x6000] =	vst v0  }
0x17: {  	[tilespmem:$0x6010] =	vst v0  }
0x18: {  	[tilespmem:$0x6020] =	vst v0  }
0x19: {  	[tilespmem:$0x6030] =	vst v0  }
0x1a: {  	[tilespmem:$0x6040] =	vst v0  }
0x1b: {  	[tilespmem:$0x6050] =	vst v0  }
0x1c: {  	[tilespmem:$0x6060] =	vst v0  }
0x1d: {  	[tilespmem:$0x6070] =	vst v0  }
0x1e: {  	[tilespmem:$0x6080] =	vst v0  }
0x1f: {  	[tilespmem:$0x6090] =	vst v0  }
0x20: {  	[tilespmem:$0x60A0] =	vst v0  }
0x21: {  	[tilespmem:$0x60B0] =	vst v0  }
0x22: {  	[tilespmem:$0x60C0] =	vst v0  }
0x23: {  	[tilespmem:$0x60D0] =	vst v0  }
0x24: {  	[tilespmem:$0x60E0] =	vst v0  }
0x25: {  	[tilespmem:$0x60F0] =	vst v0  }
0x26: {  	[tilespmem:$0x6100] =	vst v0  }
0x27: {  	[tilespmem:$0x6110] =	vst v0  }
0x28: {  	[tilespmem:$0x6120] =	vst v0  }
0x29: {  	[tilespmem:$0x6130] =	vst v0  }
0x2a: {  	[tilespmem:$0x6140] =	vst v0  }
0x2b: {  	[tilespmem:$0x6150] =	vst v0  }
0x2c: {  	[tilespmem:$0x6160] =	vst v0  }
0x2d: {  	[tilespmem:$0x6170] =	vst v0  }
0x2e: {  	[tilespmem:$0x6180] =	vst v0  }
0x2f: {  	[tilespmem:$0x6190] =	vst v0  }
0x30: {  	[tilespmem:$0x61A0] =	vst v0  }
0x31: {  	[tilespmem:$0x61B0] =	vst v0  }
0x32: {  	[tilespmem:$0x61C0] =	vst v0  }
0x33: {  	[tilespmem:$0x61D0] =	vst v0  }
0x34: {  	[tilespmem:$0x61E0] =	vst v0  }
0x35: {  	[tilespmem:$0x61F0] =	vst v0  }
0x36: {  	[tilespmem:$0x6200] =	vst v0  }
0x37: {  	[tilespmem:$0x6210] =	vst v0  }
0x38: {  	[tilespmem:$0x6220] =	vst v0  }
0x39: {  	[tilespmem:$0x6230] =	vst v0  }
0x3a: {  	[tilespmem:$0x6240] =	vst v0  }
0x3b: {  	[tilespmem:$0x6250] =	vst v0  }
0x3c: {  	[tilespmem:$0x6260] =	vst v0  }
0x3d: {  	[tilespmem:$0x6270] =	vst v0  }
0x3e: {  	[tilespmem:$0x6280] =	vst v0  }
0x3f: {  	[tilespmem:$0x6290] =	vst v0  }
0x40: {  	[tilespmem:$0x62A0] =	vst v0  }
0x41: {  	[tilespmem:$0x62B0] =	vst v0  }
0x42: {  	[tilespmem:$0x62C0] =	vst v0  }
0x43: {  	[tilespmem:$0x62D0] =	vst v0  }
0x44: {  	[tilespmem:$0x62E0] =	vst v0  }
0x45: {  	[tilespmem:$0x62F0] =	vst v0  }
0x46: {  	[tilespmem:$0x6300] =	vst v0  }
0x47: {  	[tilespmem:$0x6310] =	vst v0  }
0x48: {  	[tilespmem:$0x6320] =	vst v0  }
0x49: {  	[tilespmem:$0x6330] =	vst v0  }
0x4a: {  	[tilespmem:$0x6340] =	vst v0  }
0x4b: {  	[tilespmem:$0x6350] =	vst v0  }
0x4c: {  	[tilespmem:$0x6360] =	vst v0  }
0x4d: {  	[tilespmem:$0x6370] =	vst v0  }
0x4e: {  	[tilespmem:$0x6380] =	vst v0  }
0x4f: {  	[tilespmem:$0x6390] =	vst v0  }
0x50: {  	[tilespmem:$0x63A0] =	vst v0  }
0x51: {  	[tilespmem:$0x63B0] =	vst v0  }
0x52: {  	[tilespmem:$0x63C0] =	vst v0  }
0x53: {  	[tilespmem:$0x63D0] =	vst v0  }
0x54: {  	[tilespmem:$0x63E0] =	vst v0  }
0x55: {  	[tilespmem:$0x63F0] =	vst v0  }
0x56: {  	[tilespmem:$0x6400] =	vst v0  }
0x57: {  	[tilespmem:$0x6410] =	vst v0  }
0x58: {  	[tilespmem:$0x6420] =	vst v0  }
0x59: {  	[tilespmem:$0x6430] =	vst v0  }
0x5a: {  	[tilespmem:$0x6440] =	vst v0  }
0x5b: {  	[tilespmem:$0x6450] =	vst v0  }
0x5c: {  	[tilespmem:$0x6460] =	vst v0  }
0x5d: {  	[tilespmem:$0x6470] =	vst v0  }
0x5e: {  	[tilespmem:$0x6480] =	vst v0  }
0x5f: {  	[tilespmem:$0x6490] =	vst v0  }
0x60: {  	[tilespmem:$0x64A0] =	vst v0  }
0x61: {  	[tilespmem:$0x64B0] =	vst v0  }
0x62: {  	[tilespmem:$0x64C0] =	vst v0  }
0x63: {  	[tilespmem:$0x64D0] =	vst v0  }
0x64: {  	[tilespmem:$0x64E0] =	vst v0  }
0x65: {  	[tilespmem:$0x64F0] =	vst v0  }
0x66: {  	[tilespmem:$0x6500] =	vst v0  }
0x67: {  	[tilespmem:$0x6510] =	vst v0  }
0x68: {  	[tilespmem:$0x6520] =	vst v0  }
0x69: {  	[tilespmem:$0x6530] =	vst v0  }
0x6a: {  	[tilespmem:$0x6540] =	vst v0  }
0x6b: {  	[tilespmem:$0x6550] =	vst v0  }
0x6c: {  	[tilespmem:$0x6560] =	vst v0  }
0x6d: {  	[tilespmem:$0x6570] =	vst v0  }
0x6e: {  	[tilespmem:$0x6580] =	vst v0  }
0x6f: {  	[tilespmem:$0x6590] =	vst v0  }
0x70: {  	[tilespmem:$0x65A0] =	vst v0  }
0x71: {  	[tilespmem:$0x65B0] =	vst v0  }
0x72: {  	[tilespmem:$0x65C0] =	vst v0  }
0x73: {  	[tilespmem:$0x65D0] =	vst v0  }
0x74: {  	[tilespmem:$0x65E0] =	vst v0  }
0x75: {  	[tilespmem:$0x65F0] =	vst v0  }
0x76: {  	[tilespmem:$0x6600] =	vst v0  }
0x77: {  	[tilespmem:$0x6610] =	vst v0  }
0x78: {  	[tilespmem:$0x6620] =	vst v0  }
0x79: {  	[tilespmem:$0x6630] =	vst v0  }
0x7a: {  	[tilespmem:$0x6640] =	vst v0  }
0x7b: {  	[tilespmem:$0x6650] =	vst v0  }
0x7c: {  	[tilespmem:$0x6660] =	vst v0  }
0x7d: {  	[tilespmem:$0x6670] =	vst v0  }
0x7e: {  	[tilespmem:$0x6680] =	vst v0  }
0x7f: {  	[tilespmem:$0x6690] =	vst v0  }
0x80: {  	[tilespmem:$0x66A0] =	vst v0  }
0x81: {  	[tilespmem:$0x66B0] =	vst v0  }
0x82: {  	[tilespmem:$0x66C0] =	vst v0  }
0x83: {  	[tilespmem:$0x66D0] =	vst v0  }
0x84: {  	[tilespmem:$0x66E0] =	vst v0  }
0x85: {  	[tilespmem:$0x66F0] =	vst v0  }
0x86: {  	[tilespmem:$0x6700] =	vst v0  }
0x87: {  	[tilespmem:$0x6710] =	vst v0  }
0x88: {  	[tilespmem:$0x6720] =	vst v0  }
0x89: {  	[tilespmem:$0x6730] =	vst v0  }
0x8a: {  	[tilespmem:$0x6740] =	vst v0  }
0x8b: {  	[tilespmem:$0x6750] =	vst v0  }
0x8c: {  	[tilespmem:$0x6760] =	vst v0  }
0x8d: {  	[tilespmem:$0x6770] =	vst v0  }
0x8e: {  	[tilespmem:$0x6780] =	vst v0  }
0x8f: {  	[tilespmem:$0x6790] =	vst v0  }
0x90: {  	[tilespmem:$0x67A0] =	vst v0  }
0x91: {  	v1 =	vld [tilespmem:$0x1FFF0];
	[tilespmem:$0x67B0] =	vst v0  }
0x92: {  	[tilespmem:$0x67C0] =	vst v0;
	v4 =	vld [tilespmem:$0x6810]  }
0x93: {  	[tilespmem:$0x67D0] =	vst v0  }
0x94: {  	[tilespmem:$0x67E0] =	vst v0  }
0x95: {  	v5 =	vld [tilespmem:$0x6800];
	[tilespmem:$0x67F0] =	vst v0  }
0x96: {  	[tilespmem:s1], [sflag:$0x1] =	stream.linear.gather [hbm4b:s5+s1], $0x3000, $0x38;
	[tilespmem:$0x6900] =	vst v63  }
0x97: {  	s19 =	simm.s32 $0x0;
	v4 =	vadd.f32 v1, v4  }
0x98: {  	[tilespmem:s13], [sflag:$0x2] =	stream.linear.gather [hbm4b:s6+s1], $0x3000, $0x38;
	[tilespmem:$0x6900] =	vst v63  }
.LBB2_2:
0x99: {  	_ =	swait.ge [sflag:s14], $0x3000  }
0x9a: {  	[sflag:s14] =	ssyncset.done $0x0  }
0x9b: {  	s21 =	simm.s32 $0x80;
	[sflag:s14] =	ssyncadd.s32 $0xFFFFD000  }
0x9c: {  	v6 =	vld [tilespmem:s21+$0xFFFFFF80]  }
0x9d: {  	v7 =	vld [tilespmem:s21+$0x40]  }
0x9e: {  	v8 =	vld [tilespmem:s21+$0xFFFFFF90]  }
0x9f: {  	v9 =	vld [tilespmem:s21+$0xFFFFFFC0]  }
0xa0: {  	v10 =	vld [tilespmem:s21+$0xFFFFFFB0]  }
0xa1: {  	v17 =	vld [tilespmem:s21+$0x60]  }
0xa2: {  	v16 =	vld [tilespmem:s21+$0x50];
	v6 =	vmul.f32 v6, v5  }
0xa3: {  	v11 =	vld [tilespmem:s21+$0x10]  }
0xa4: {  	v12 =	vld [tilespmem:s21+$0xFFFFFFE0];
	v6 =	vadd.f32 v6, v4  }
0xa5: {  	v9 =	vmul.f32 v9, v5;
	v7 =	vmul.f32 v7, v5  }
0xa6: {  	v8 =	vmul.f32 v8, v5;
	v22 =	vmul.f32 v17, v5;
	v6 =	vmin.f32 v6, v2  }
0xa7: {  	v21 =	vld [tilespmem:s21+$0x20];
	v20 =	vmul.f32 v16, v5;
	v7 =	vadd.f32 v7, v4;
	v6 =	vtrunc.f32 v6  }
0xa8: {  	v13 =	vcvt.f32.s32 v6;
	v6 =	vadd.f32 v9, v4;
	v9 =	vmul.f32 v11, v5  }
0xa9: {  	v14 =	vld [tilespmem:s21+$0x0];
	v8 =	vadd.f32 v8, v4;
	v11 =	vmul.f32 v12, v5;
	v12 =	vmul.f32 v10, v5  }
0xaa: {  	v18 =	vld [tilespmem:s21+$0x30];
	v7 =	vmin.f32 v7, v2;
	v6 =	vmin.f32 v6, v2;
	v9 =	vadd.f32 v9, v4  }
0xab: {  	v10 =	vtrunc.f32 v6;
	v6 =	vmin.f32 v8, v2;
	v8 =	vadd.f32 v12, v4  }
0xac: {  	v17 =	vmul.f32 v21, v5;
	v19 =	vtrunc.f32 v7;
	v9 =	vmin.f32 v9, v2  }
0xad: {  	v15 =	vld [tilespmem:s21+$0xFFFFFFD0];
	v6 =	vtrunc.f32 v6;
	v7 =	vmin.f32 v8, v2;
	v12 =	vtrunc.f32 v9  }
0xae: {  	v8 =	vadd.f32 v11, v4;
	v9 =	vmul.f32 v14, v5;
	[tilespmem:v13+s15+$0x0] =	vst.idx.add.s32.msk $0xffff, v3;
	v13 =	vcvt.f32.s32 v19  }
0xaf: {  	v16 =	vmul.f32 v18, v5;
	v6 =	vcvt.f32.s32 v6;
	v14 =	vld [tilespmem:s21+$0x70]  }
0xb0: {  	v11 =	vld [tilespmem:s21+$0xFFFFFFA0];
	v7 =	vtrunc.f32 v7;
	v8 =	vmin.f32 v8, v2;
	v19 =	vadd.f32 v9, v4  }
0xb1: {  	s20 =	simm.s32 $0x0;
	v18 =	vadd.f32 v22, v4;
	v7 =	vcvt.f32.s32 v7;
	v9 =	vld [tilespmem:s21+$0xFFFFFFF0];
	s21 =	simm.s32 $0x180;
	v8 =	vtrunc.f32 v8  }
.LBB2_3:
0xb2: {  	v21 =	vld [tilespmem:s21+$0x40];
	s20 =	sadd.s32 $0x10, s20;
	v10 =	vcvt.f32.s32 v10;
	v19 =	vmin.f32 v19, v2;
	v20 =	vadd.f32 v20, v4  }
0xb3: {  	v22 =	vld [tilespmem:s21+$0xFFFFFF80];
	p0 =	slt.u32 s20, $0x2F0;
	v15 =	vmul.f32 v15, v5;
	v17 =	vadd.f32 v17, v4;
	v18 =	vmin.f32 v18, v2  }
0xb4: {  	v12 =	vcvt.f32.s32 v12;
	v19 =	vtrunc.f32 v19;
	v16 =	vadd.f32 v16, v4;
	[tilespmem:v13+s15+$0x0] =	vst.idx.add.s32.msk $0xffff, v3  }
0xb5: {  	v19 =	vcvt.f32.s32 v19;
	v18 =	vtrunc.f32 v18;
	v13 =	vld [tilespmem:s21+$0xFFFFFF90];
	v17 =	vmin.f32 v17, v2  }
0xb6: {  	v14 =	vmul.f32 v14, v5;
	v11 =	vmul.f32 v11, v5;
	v16 =	vmin.f32 v16, v2;
	v23 =	vld [tilespmem:s21+$0x50]  }
0xb7: {  	v20 =	vmin.f32 v20, v2;
	v18 =	vcvt.f32.s32 v18;
	v17 =	vtrunc.f32 v17;
	v24 =	vld [tilespmem:s21+$0x60]  }
0xb8: {  	v14 =	vadd.f32 v14, v4;
	v11 =	vadd.f32 v11, v4;
	v17 =	vcvt.f32.s32 v17;
	v25 =	vld [tilespmem:s21+$0xFFFFFFB0]  }
0xb9: {  	v15 =	vadd.f32 v15, v4;
	v16 =	vtrunc.f32 v16;
	v22 =	vmul.f32 v22, v5;
	v26 =	vld [tilespmem:s21+$0x0]  }
0xba: {  	v14 =	vmin.f32 v14, v2;
	v11 =	vmin.f32 v11, v2;
	[tilespmem:v12+s15+$0x0] =	vst.idx.add.s32.msk $0xffff, v3;
	v12 =	vtrunc.f32 v20  }
0xbb: {  	v16 =	vcvt.f32.s32 v16;
	v20 =	vadd.f32 v22, v4;
	v11 =	vtrunc.f32 v11;
	v22 =	vld [tilespmem:s21+$0xFFFFFFC0]  }
0xbc: {  	v9 =	vmul.f32 v9, v5;
	v12 =	vcvt.f32.s32 v12;
	v27 =	vld [tilespmem:s21+$0x30]  }
0xbd: {  	v15 =	vmin.f32 v15, v2;
	v14 =	vtrunc.f32 v14;
	v20 =	vmin.f32 v20, v2;
	[tilespmem:v19+s15+$0x0] =	vst.idx.add.s32.msk $0xffff, v3  }
0xbe: {  	v15 =	vtrunc.f32 v15;
	v9 =	vadd.f32 v9, v4;
	v19 =	vtrunc.f32 v20;
	v20 =	vld [tilespmem:s21+$0xFFFFFFE0]  }
0xbf: {  	v8 =	vcvt.f32.s32 v8;
	[tilespmem:v10+s15+$0x0] =	vst.idx.add.s32.msk $0xffff, v3;
	v10 =	vcvt.f32.s32 v15  }
0xc0: {  	v21 =	vmul.f32 v21, v5;
	v9 =	vmin.f32 v9, v2;
	v14 =	vcvt.f32.s32 v14;
	v15 =	vld [tilespmem:s21+$0x10]  }
0xc1: {  	v11 =	vcvt.f32.s32 v11;
	v9 =	vtrunc.f32 v9;
	[tilespmem:v16+s15+$0x0] =	vst.idx.add.s32.msk $0xffff, v3  }
0xc2: {  	v9 =	vcvt.f32.s32 v9;
	[tilespmem:v18+s15+$0x0] =	vst.idx.add.s32.msk $0xffff, v3  }
0xc3: {  	v16 =	vmul.f32 v22, v5;
	v18 =	vmul.f32 v20, v5;
	[tilespmem:v7+s15+$0x0] =	vst.idx.add.s32.msk $0xffff, v3  }
0xc4: {  	v7 =	vmul.f32 v25, v5;
	[tilespmem:v12+s15+$0x0] =	vst.idx.add.s32.msk $0xffff, v3  }
0xc5: {  	v19 =	vcvt.f32.s32 v19;
	v12 =	vadd.f32 v16, v4;
	v16 =	vadd.f32 v21, v4;
	[tilespmem:v10+s15+$0x0] =	vst.idx.add.s32.msk $0xffff, v3  }
0xc6: {  	v10 =	vmul.f32 v13, v5;
	v13 =	vmul.f32 v15, v5;
	[tilespmem:v8+s15+$0x0] =	vst.idx.add.s32.msk $0xffff, v3  }
0xc7: {  	v8 =	vadd.f32 v18, v4;
	[tilespmem:v14+s15+$0x0] =	vst.idx.add.s32.msk $0xffff, v3  }
0xc8: {  	v14 =	vadd.f32 v10, v4;
	v10 =	vmin.f32 v12, v2;
	[tilespmem:v9+s15+$0x0] =	vst.idx.add.s32.msk $0xffff, v3  }
0xc9: {  	v12 =	vmin.f32 v16, v2;
	v10 =	vtrunc.f32 v10;
	v9 =	vadd.f32 v13, v4;
	[tilespmem:v17+s15+$0x0] =	vst.idx.add.s32.msk $0xffff, v3  }
0xca: {  	v7 =	vadd.f32 v7, v4;
	v13 =	vmin.f32 v14, v2;
	[tilespmem:v6+s15+$0x0] =	vst.idx.add.s32.msk $0xffff, v3  }
0xcb: {  	v6 =	vtrunc.f32 v13;
	v9 =	vmin.f32 v9, v2;
	v13 =	vtrunc.f32 v12;
	[tilespmem:v11+s15+$0x0] =	vst.idx.add.s32.msk $0xffff, v3  }
0xcc: {  	v7 =	vmin.f32 v7, v2;
	v6 =	vcvt.f32.s32 v6;
	v12 =	vtrunc.f32 v9;
	v16 =	vld [tilespmem:s21+$0x20]  }
.Ltmp0:
0xcd: {  	v7 =	vtrunc.f32 v7;
	v8 =	vmin.f32 v8, v2;
	v9 =	vmul.f32 v26, v5;
	[tilespmem:v19+s15+$0x0] =	vst.idx.add.s32.msk $0xffff, v3;
	(pc) =	sbr.rel @p0 .LBB2_3-.Ltmp0, $4  }
0xce: {  	v7 =	vcvt.f32.s32 v7;
	v13 =	vcvt.f32.s32 v13;
	v15 =	vld [tilespmem:s21+$0xFFFFFFD0]  }
0xcf: {  	v18 =	vmul.f32 v24, v5;
	v8 =	vtrunc.f32 v8;
	v14 =	vld [tilespmem:s21+$0x70]  }
0xd0: {  	v20 =	vmul.f32 v23, v5;
	v19 =	vadd.f32 v9, v4;
	v11 =	vld [tilespmem:s21+$0xFFFFFFA0]  }
0xd1: {  	v18 =	vadd.f32 v18, v4;
	v9 =	vld [tilespmem:s21+$0xFFFFFFF0];
	v17 =	vmul.f32 v16, v5;
	v16 =	vmul.f32 v27, v5;
	s21 =	sadd.s32 $0x100, s21  }
0xd2: {  	v10 =	vcvt.f32.s32 v10;
	v19 =	vmin.f32 v19, v2  }
0xd3: {  	v20 =	vadd.f32 v20, v4;
	v12 =	vcvt.f32.s32 v12;
	v8 =	vcvt.f32.s32 v8  }
0xd4: {  	v15 =	vmul.f32 v15, v5;
	v16 =	vadd.f32 v16, v4;
	v19 =	vtrunc.f32 v19  }
0xd5: {  	v17 =	vadd.f32 v17, v4;
	v18 =	vmin.f32 v18, v2;
	v19 =	vcvt.f32.s32 v19  }
0xd6: {  	v18 =	vtrunc.f32 v18;
	v14 =	vmul.f32 v14, v5;
	v20 =	vmin.f32 v20, v2  }
0xd7: {  	v16 =	vmin.f32 v16, v2;
	v17 =	vmin.f32 v17, v2;
	v18 =	vcvt.f32.s32 v18  }
0xd8: {  	[tilespmem:v13+s15+$0x0] =	vst.idx.add.s32.msk $0xffff, v3;
	v15 =	vadd.f32 v15, v4;
	v11 =	vmul.f32 v11, v5;
	v16 =	vtrunc.f32 v16  }
0xd9: {  	[tilespmem:v7+s15+$0x0] =	vst.idx.add.s32.msk $0xffff, v3;
	v9 =	vmul.f32 v9, v5;
	v13 =	vadd.f32 v14, v4;
	v14 =	vtrunc.f32 v20  }
0xda: {  	v16 =	vcvt.f32.s32 v16;
	v15 =	vmin.f32 v15, v2;
	[tilespmem:v12+s15+$0x0] =	vst.idx.add.s32.msk $0xffff, v3;
	v12 =	vcvt.f32.s32 v14  }
0xdb: {  	[tilespmem:v6+s15+$0x0] =	vst.idx.add.s32.msk $0xffff, v3;
	v14 =	vtrunc.f32 v15;
	v9 =	vadd.f32 v9, v4;
	v13 =	vmin.f32 v13, v2  }
0xdc: {  	[tilespmem:v10+s15+$0x0] =	vst.idx.add.s32.msk $0xffff, v3;
	v10 =	vadd.f32 v11, v4;
	v14 =	vcvt.f32.s32 v14;
	v13 =	vtrunc.f32 v13  }
0xdd: {  	[tilespmem:v8+s15+$0x0] =	vst.idx.add.s32.msk $0xffff, v3;
	v9 =	vmin.f32 v9, v2;
	v11 =	vcvt.f32.s32 v13;
	v13 =	vtrunc.f32 v17  }
0xde: {  	[tilespmem:v19+s15+$0x0] =	vst.idx.add.s32.msk $0xffff, v3;
	v10 =	vmin.f32 v10, v2;
	v9 =	vtrunc.f32 v9;
	v13 =	vcvt.f32.s32 v13  }
0xdf: {  	[tilespmem:v18+s15+$0x0] =	vst.idx.add.s32.msk $0xffff, v3;
	v7 =	vtrunc.f32 v10;
	v9 =	vcvt.f32.s32 v9  }
0xe0: {  	v7 =	vcvt.f32.s32 v7;
	[tilespmem:v16+s15+$0x0] =	vst.idx.add.s32.msk $0xffff, v3  }
0xe1: {  	[tilespmem:v12+s15+$0x0] =	vst.idx.add.s32.msk $0xffff, v3  }
0xe2: {  	s20 =	smul.u32 $0x6000, s19;
	[tilespmem:v14+s15+$0x0] =	vst.idx.add.s32.msk $0xffff, v3  }
0xe3: {  	[tilespmem:v11+s15+$0x0] =	vst.idx.add.s32.msk $0xffff, v3  }
0xe4: {  	s21 =	sadd.s32 s20, s7;
	[tilespmem:v13+s15+$0x0] =	vst.idx.add.s32.msk $0xffff, v3  }
0xe5: {  	s21 =	sshrl.u32 s21, $0x3;
	[tilespmem:v9+s15+$0x0] =	vst.idx.add.s32.msk $0xffff, v3  }
0xe6: {  	s21 =	sadd.s32 s3, s21;
	[tilespmem:v7+s15+$0x0] =	vst.idx.add.s32.msk $0xffff, v3  }
0xe7: {  	[tilespmem:s1], [sflag:$0x1] =	stream.linear.gather [hbm4b:s21+s1], $0x3000, $0x38;
	[tilespmem:$0x6900] =	vst v63  }
0xe8: {  	_ =	swait.ge [sflag:s16], $0x3000  }
0xe9: {  	[sflag:s16] =	ssyncset.done $0x0  }
0xea: {  	s22 =	simm.s32 $0x3080;
	[sflag:s16] =	ssyncadd.s32 $0xFFFFD000  }
0xeb: {  	v6 =	vld [tilespmem:s22+$0xFFFFFF80]  }
0xec: {  	v7 =	vld [tilespmem:s22+$0x40]  }
0xed: {  	v8 =	vld [tilespmem:s22+$0xFFFFFF90]  }
0xee: {  	v9 =	vld [tilespmem:s22+$0xFFFFFFC0]  }
0xef: {  	v10 =	vld [tilespmem:s22+$0xFFFFFFB0]  }
0xf0: {  	v17 =	vld [tilespmem:s22+$0x60]  }
0xf1: {  	v16 =	vld [tilespmem:s22+$0x50];
	v6 =	vmul.f32 v6, v5  }
0xf2: {  	v11 =	vld [tilespmem:s22+$0x10]  }
0xf3: {  	v12 =	vld [tilespmem:s22+$0xFFFFFFE0];
	v6 =	vadd.f32 v6, v4  }
0xf4: {  	v9 =	vmul.f32 v9, v5;
	v7 =	vmul.f32 v7, v5  }
0xf5: {  	v8 =	vmul.f32 v8, v5;
	v22 =	vmul.f32 v17, v5;
	v6 =	vmin.f32 v6, v2  }
0xf6: {  	v21 =	vld [tilespmem:s22+$0x20];
	v20 =	vmul.f32 v16, v5;
	v7 =	vadd.f32 v7, v4;
	v6 =	vtrunc.f32 v6  }
0xf7: {  	v13 =	vcvt.f32.s32 v6;
	v6 =	vadd.f32 v9, v4;
	v9 =	vmul.f32 v11, v5  }
0xf8: {  	v14 =	vld [tilespmem:s22+$0x0];
	v8 =	vadd.f32 v8, v4;
	v11 =	vmul.f32 v12, v5;
	v12 =	vmul.f32 v10, v5  }
0xf9: {  	v18 =	vld [tilespmem:s22+$0x30];
	v7 =	vmin.f32 v7, v2;
	v6 =	vmin.f32 v6, v2;
	v9 =	vadd.f32 v9, v4  }
0xfa: {  	v10 =	vtrunc.f32 v6;
	v6 =	vmin.f32 v8, v2;
	v8 =	vadd.f32 v12, v4  }
0xfb: {  	v17 =	vmul.f32 v21, v5;
	v19 =	vtrunc.f32 v7;
	v9 =	vmin.f32 v9, v2  }
0xfc: {  	v15 =	vld [tilespmem:s22+$0xFFFFFFD0];
	v6 =	vtrunc.f32 v6;
	v7 =	vmin.f32 v8, v2;
	v12 =	vtrunc.f32 v9  }
0xfd: {  	v8 =	vadd.f32 v11, v4;
	v9 =	vmul.f32 v14, v5;
	[tilespmem:v13+s15+$0x0] =	vst.idx.add.s32.msk $0xffff, v3;
	v13 =	vcvt.f32.s32 v19  }
0xfe: {  	v16 =	vmul.f32 v18, v5;
	v6 =	vcvt.f32.s32 v6;
	v14 =	vld [tilespmem:s22+$0x70]  }
0xff: {  	v11 =	vld [tilespmem:s22+$0xFFFFFFA0];
	v7 =	vtrunc.f32 v7;
	v8 =	vmin.f32 v8, v2;
	v19 =	vadd.f32 v9, v4  }
0x100: {  	s21 =	simm.s32 $0x0;
	v18 =	vadd.f32 v22, v4;
	v7 =	vcvt.f32.s32 v7;
	v9 =	vld [tilespmem:s22+$0xFFFFFFF0];
	s22 =	simm.s32 $0x3180;
	v8 =	vtrunc.f32 v8  }
.LBB2_5:
0x101: {  	v21 =	vld [tilespmem:s22+$0x40];
	s21 =	sadd.s32 $0x10, s21;
	v10 =	vcvt.f32.s32 v10;
	v19 =	vmin.f32 v19, v2;
	v20 =	vadd.f32 v20, v4  }
0x102: {  	v22 =	vld [tilespmem:s22+$0xFFFFFF80];
	p0 =	slt.u32 s21, $0x2F0;
	v15 =	vmul.f32 v15, v5;
	v17 =	vadd.f32 v17, v4;
	v18 =	vmin.f32 v18, v2  }
0x103: {  	v12 =	vcvt.f32.s32 v12;
	v19 =	vtrunc.f32 v19;
	v16 =	vadd.f32 v16, v4;
	[tilespmem:v13+s15+$0x0] =	vst.idx.add.s32.msk $0xffff, v3  }
0x104: {  	v19 =	vcvt.f32.s32 v19;
	v18 =	vtrunc.f32 v18;
	v13 =	vld [tilespmem:s22+$0xFFFFFF90];
	v17 =	vmin.f32 v17, v2  }
0x105: {  	v14 =	vmul.f32 v14, v5;
	v11 =	vmul.f32 v11, v5;
	v16 =	vmin.f32 v16, v2;
	v23 =	vld [tilespmem:s22+$0x50]  }
0x106: {  	v20 =	vmin.f32 v20, v2;
	v18 =	vcvt.f32.s32 v18;
	v17 =	vtrunc.f32 v17;
	v24 =	vld [tilespmem:s22+$0x60]  }
0x107: {  	v14 =	vadd.f32 v14, v4;
	v11 =	vadd.f32 v11, v4;
	v17 =	vcvt.f32.s32 v17;
	v25 =	vld [tilespmem:s22+$0xFFFFFFB0]  }
0x108: {  	v15 =	vadd.f32 v15, v4;
	v16 =	vtrunc.f32 v16;
	v22 =	vmul.f32 v22, v5;
	v26 =	vld [tilespmem:s22+$0x0]  }
0x109: {  	v14 =	vmin.f32 v14, v2;
	v11 =	vmin.f32 v11, v2;
	[tilespmem:v12+s15+$0x0] =	vst.idx.add.s32.msk $0xffff, v3;
	v12 =	vtrunc.f32 v20  }
0x10a: {  	v16 =	vcvt.f32.s32 v16;
	v20 =	vadd.f32 v22, v4;
	v11 =	vtrunc.f32 v11;
	v22 =	vld [tilespmem:s22+$0xFFFFFFC0]  }
0x10b: {  	v9 =	vmul.f32 v9, v5;
	v12 =	vcvt.f32.s32 v12;
	v27 =	vld [tilespmem:s22+$0x30]  }
0x10c: {  	v15 =	vmin.f32 v15, v2;
	v14 =	vtrunc.f32 v14;
	v20 =	vmin.f32 v20, v2;
	[tilespmem:v19+s15+$0x0] =	vst.idx.add.s32.msk $0xffff, v3  }
0x10d: {  	v15 =	vtrunc.f32 v15;
	v9 =	vadd.f32 v9, v4;
	v19 =	vtrunc.f32 v20;
	v20 =	vld [tilespmem:s22+$0xFFFFFFE0]  }
0x10e: {  	v8 =	vcvt.f32.s32 v8;
	[tilespmem:v10+s15+$0x0] =	vst.idx.add.s32.msk $0xffff, v3;
	v10 =	vcvt.f32.s32 v15  }
0x10f: {  	v21 =	vmul.f32 v21, v5;
	v9 =	vmin.f32 v9, v2;
	v14 =	vcvt.f32.s32 v14;
	v15 =	vld [tilespmem:s22+$0x10]  }
0x110: {  	v11 =	vcvt.f32.s32 v11;
	v9 =	vtrunc.f32 v9;
	[tilespmem:v16+s15+$0x0] =	vst.idx.add.s32.msk $0xffff, v3  }
0x111: {  	v9 =	vcvt.f32.s32 v9;
	[tilespmem:v18+s15+$0x0] =	vst.idx.add.s32.msk $0xffff, v3  }
0x112: {  	v16 =	vmul.f32 v22, v5;
	v18 =	vmul.f32 v20, v5;
	[tilespmem:v7+s15+$0x0] =	vst.idx.add.s32.msk $0xffff, v3  }
0x113: {  	v7 =	vmul.f32 v25, v5;
	[tilespmem:v12+s15+$0x0] =	vst.idx.add.s32.msk $0xffff, v3  }
0x114: {  	v19 =	vcvt.f32.s32 v19;
	v12 =	vadd.f32 v16, v4;
	v16 =	vadd.f32 v21, v4;
	[tilespmem:v10+s15+$0x0] =	vst.idx.add.s32.msk $0xffff, v3  }
0x115: {  	v10 =	vmul.f32 v13, v5;
	v13 =	vmul.f32 v15, v5;
	[tilespmem:v8+s15+$0x0] =	vst.idx.add.s32.msk $0xffff, v3  }
0x116: {  	v8 =	vadd.f32 v18, v4;
	[tilespmem:v14+s15+$0x0] =	vst.idx.add.s32.msk $0xffff, v3  }
0x117: {  	v14 =	vadd.f32 v10, v4;
	v10 =	vmin.f32 v12, v2;
	[tilespmem:v9+s15+$0x0] =	vst.idx.add.s32.msk $0xffff, v3  }
0x118: {  	v12 =	vmin.f32 v16, v2;
	v10 =	vtrunc.f32 v10;
	v9 =	vadd.f32 v13, v4;
	[tilespmem:v17+s15+$0x0] =	vst.idx.add.s32.msk $0xffff, v3  }
0x119: {  	v7 =	vadd.f32 v7, v4;
	v13 =	vmin.f32 v14, v2;
	[tilespmem:v6+s15+$0x0] =	vst.idx.add.s32.msk $0xffff, v3  }
0x11a: {  	v6 =	vtrunc.f32 v13;
	v9 =	vmin.f32 v9, v2;
	v13 =	vtrunc.f32 v12;
	[tilespmem:v11+s15+$0x0] =	vst.idx.add.s32.msk $0xffff, v3  }
0x11b: {  	v7 =	vmin.f32 v7, v2;
	v6 =	vcvt.f32.s32 v6;
	v12 =	vtrunc.f32 v9;
	v16 =	vld [tilespmem:s22+$0x20]  }
.Ltmp1:
0x11c: {  	v7 =	vtrunc.f32 v7;
	v8 =	vmin.f32 v8, v2;
	v9 =	vmul.f32 v26, v5;
	[tilespmem:v19+s15+$0x0] =	vst.idx.add.s32.msk $0xffff, v3;
	(pc) =	sbr.rel @p0 .LBB2_5-.Ltmp1, $4  }
0x11d: {  	v7 =	vcvt.f32.s32 v7;
	v13 =	vcvt.f32.s32 v13;
	v15 =	vld [tilespmem:s22+$0xFFFFFFD0]  }
0x11e: {  	v18 =	vmul.f32 v24, v5;
	v8 =	vtrunc.f32 v8;
	v14 =	vld [tilespmem:s22+$0x70]  }
0x11f: {  	v20 =	vmul.f32 v23, v5;
	v19 =	vadd.f32 v9, v4;
	v11 =	vld [tilespmem:s22+$0xFFFFFFA0]  }
0x120: {  	v18 =	vadd.f32 v18, v4;
	v9 =	vld [tilespmem:s22+$0xFFFFFFF0];
	v17 =	vmul.f32 v16, v5;
	v16 =	vmul.f32 v27, v5;
	s22 =	sadd.s32 $0x100, s22  }
0x121: {  	v10 =	vcvt.f32.s32 v10;
	v19 =	vmin.f32 v19, v2  }
0x122: {  	v20 =	vadd.f32 v20, v4;
	v12 =	vcvt.f32.s32 v12;
	v8 =	vcvt.f32.s32 v8  }
0x123: {  	v15 =	vmul.f32 v15, v5;
	v16 =	vadd.f32 v16, v4;
	v19 =	vtrunc.f32 v19  }
0x124: {  	v17 =	vadd.f32 v17, v4;
	v18 =	vmin.f32 v18, v2;
	v19 =	vcvt.f32.s32 v19  }
0x125: {  	v18 =	vtrunc.f32 v18;
	v14 =	vmul.f32 v14, v5;
	v20 =	vmin.f32 v20, v2  }
0x126: {  	v16 =	vmin.f32 v16, v2;
	v17 =	vmin.f32 v17, v2;
	v18 =	vcvt.f32.s32 v18  }
0x127: {  	[tilespmem:v13+s15+$0x0] =	vst.idx.add.s32.msk $0xffff, v3;
	v15 =	vadd.f32 v15, v4;
	v58 =	vtrunc.f32 v20;
	v11 =	vmul.f32 v11, v5  }
0x128: {  	[tilespmem:v7+s15+$0x0] =	vst.idx.add.s32.msk $0xffff, v3;
	v16 =	vtrunc.f32 v16;
	v9 =	vmul.f32 v9, v5;
	v57 =	vadd.f32 v14, v4  }
0x129: {  	[tilespmem:v6+s15+$0x0] =	vst.idx.add.s32.msk $0xffff, v3;
	v59 =	vcvt.f32.s32 v58;
	v16 =	vcvt.f32.s32 v16;
	v15 =	vmin.f32 v15, v2  }
0x12a: {  	v61 =	vadd.f32 v11, v4;
	[tilespmem:v12+s15+$0x0] =	vst.idx.add.s32.msk $0xffff, v3;
	v60 =	vtrunc.f32 v15;
	v13 =	vmin.f32 v57, v2  }
0x12b: {  	v9 =	vadd.f32 v9, v4;
	[tilespmem:v10+s15+$0x0] =	vst.idx.add.s32.msk $0xffff, v3;
	v14 =	vcvt.f32.s32 v60;
	v13 =	vtrunc.f32 v13  }
0x12c: {  	v63 =	vtrunc.f32 v17;
	[tilespmem:v8+s15+$0x0] =	vst.idx.add.s32.msk $0xffff, v3;
	v10 =	vmin.f32 v61, v2;
	v62 =	vcvt.f32.s32 v13  }
0x12d: {  	[tilespmem:v19+s15+$0x0] =	vst.idx.add.s32.msk $0xffff, v3;
	v9 =	vmin.f32 v9, v2;
	v13 =	vcvt.f32.s32 v63;
	v7 =	vtrunc.f32 v10  }
0x12e: {  	v9 =	vtrunc.f32 v9;
	[tilespmem:v18+s15+$0x0] =	vst.idx.add.s32.msk $0xffff, v3;
	v7 =	vcvt.f32.s32 v7  }
0x12f: {  	v9 =	vcvt.f32.s32 v9;
	[tilespmem:v59+s15+$0x0] =	vst.idx.add.s32.msk $0xffff, v3  }
0x130: {  	p0 =	seq.s32 s19, $0x17;
	[tilespmem:v16+s15+$0x0] =	vst.idx.add.s32.msk $0xffff, v3  }
.Ltmp2:
0x131: {  	[tilespmem:v14+s15+$0x0] =	vst.idx.add.s32.msk $0xffff, v3;
	(pc) =	sbr.rel @p0 .LBB2_8-.Ltmp2, $4  }
0x132: {  	[tilespmem:v62+s15+$0x0] =	vst.idx.add.s32.msk $0xffff, v3  }
0x133: {  	[tilespmem:v13+s15+$0x0] =	vst.idx.add.s32.msk $0xffff, v3  }
0x134: {  	[tilespmem:v7+s15+$0x0] =	vst.idx.add.s32.msk $0xffff, v3  }
0x135: {  	[tilespmem:v9+s15+$0x0] =	vst.idx.add.s32.msk $0xffff, v3  }
.Ltmp3:
0x136: {  	(pc) =	sbr.rel .LBB2_2-.Ltmp3, $4  }
0x137: {  	s20 =	sadd.s32 s20, s8  }
0x138: {  	s20 =	sshrl.u32 s20, $0x3  }
0x139: {  	s19 =	sadd.s32 $0x1, s19;
	s20 =	sadd.s32 s3, s20  }
0x13a: {  	[tilespmem:s13], [sflag:$0x2] =	stream.linear.gather [hbm4b:s20+s1], $0x3000, $0x38;
	[tilespmem:$0x6900] =	vst v63  }
.LBB2_8:
0x13b: {  	_ =	swait.ge [sflag:s14], $0x3000  }
0x13c: {  	[sflag:s14] =	ssyncset.done $0x0  }
0x13d: {  	s20 =	simm.s32 $0x80;
	[sflag:s14] =	ssyncadd.s32 $0xFFFFD000  }
0x13e: {  	v6 =	vld [tilespmem:s20+$0xFFFFFF80]  }
0x13f: {  	v7 =	vld [tilespmem:s20+$0x40]  }
0x140: {  	v8 =	vld [tilespmem:s20+$0xFFFFFF90]  }
0x141: {  	v9 =	vld [tilespmem:s20+$0xFFFFFFC0]  }
0x142: {  	v10 =	vld [tilespmem:s20+$0xFFFFFFB0]  }
0x143: {  	v17 =	vld [tilespmem:s20+$0x60]  }
0x144: {  	v16 =	vld [tilespmem:s20+$0x50];
	v6 =	vmul.f32 v6, v5  }
0x145: {  	v11 =	vld [tilespmem:s20+$0x10]  }
0x146: {  	v12 =	vld [tilespmem:s20+$0xFFFFFFE0];
	v6 =	vadd.f32 v6, v4  }
0x147: {  	v9 =	vmul.f32 v9, v5;
	v7 =	vmul.f32 v7, v5  }
0x148: {  	v8 =	vmul.f32 v8, v5;
	v22 =	vmul.f32 v17, v5;
	v6 =	vmin.f32 v6, v2  }
0x149: {  	v21 =	vld [tilespmem:s20+$0x20];
	v20 =	vmul.f32 v16, v5;
	v7 =	vadd.f32 v7, v4;
	v6 =	vtrunc.f32 v6  }
0x14a: {  	v13 =	vcvt.f32.s32 v6;
	v6 =	vadd.f32 v9, v4;
	v9 =	vmul.f32 v11, v5  }
0x14b: {  	v14 =	vld [tilespmem:s20+$0x0];
	v8 =	vadd.f32 v8, v4;
	v11 =	vmul.f32 v12, v5;
	v12 =	vmul.f32 v10, v5  }
0x14c: {  	v18 =	vld [tilespmem:s20+$0x30];
	v7 =	vmin.f32 v7, v2;
	v6 =	vmin.f32 v6, v2;
	v9 =	vadd.f32 v9, v4  }
0x14d: {  	v10 =	vtrunc.f32 v6;
	v6 =	vmin.f32 v8, v2;
	v8 =	vadd.f32 v12, v4  }
0x14e: {  	v17 =	vmul.f32 v21, v5;
	v19 =	vtrunc.f32 v7;
	v9 =	vmin.f32 v9, v2  }
0x14f: {  	v15 =	vld [tilespmem:s20+$0xFFFFFFD0];
	v6 =	vtrunc.f32 v6;
	v7 =	vmin.f32 v8, v2;
	v12 =	vtrunc.f32 v9  }
0x150: {  	v8 =	vadd.f32 v11, v4;
	v9 =	vmul.f32 v14, v5;
	[tilespmem:v13+s15+$0x0] =	vst.idx.add.s32.msk $0xffff, v3;
	v13 =	vcvt.f32.s32 v19  }
0x151: {  	v16 =	vmul.f32 v18, v5;
	v6 =	vcvt.f32.s32 v6;
	v14 =	vld [tilespmem:s20+$0x70]  }
0x152: {  	v11 =	vld [tilespmem:s20+$0xFFFFFFA0];
	v7 =	vtrunc.f32 v7;
	v8 =	vmin.f32 v8, v2;
	v19 =	vadd.f32 v9, v4  }
0x153: {  	s19 =	simm.s32 $0x0;
	v18 =	vadd.f32 v22, v4;
	v7 =	vcvt.f32.s32 v7;
	v9 =	vld [tilespmem:s20+$0xFFFFFFF0];
	s20 =	simm.s32 $0x180;
	v8 =	vtrunc.f32 v8  }
.LBB2_9:
0x154: {  	v21 =	vld [tilespmem:s20+$0x40];
	s19 =	sadd.s32 $0x10, s19;
	v10 =	vcvt.f32.s32 v10;
	v19 =	vmin.f32 v19, v2;
	v20 =	vadd.f32 v20, v4  }
0x155: {  	v22 =	vld [tilespmem:s20+$0xFFFFFF80];
	p0 =	slt.u32 s19, $0x2F0;
	v15 =	vmul.f32 v15, v5;
	v17 =	vadd.f32 v17, v4;
	v18 =	vmin.f32 v18, v2  }
0x156: {  	v12 =	vcvt.f32.s32 v12;
	v19 =	vtrunc.f32 v19;
	v16 =	vadd.f32 v16, v4;
	[tilespmem:v13+s15+$0x0] =	vst.idx.add.s32.msk $0xffff, v3  }
0x157: {  	v19 =	vcvt.f32.s32 v19;
	v18 =	vtrunc.f32 v18;
	v13 =	vld [tilespmem:s20+$0xFFFFFF90];
	v17 =	vmin.f32 v17, v2  }
0x158: {  	v14 =	vmul.f32 v14, v5;
	v11 =	vmul.f32 v11, v5;
	v16 =	vmin.f32 v16, v2;
	v23 =	vld [tilespmem:s20+$0x50]  }
0x159: {  	v20 =	vmin.f32 v20, v2;
	v18 =	vcvt.f32.s32 v18;
	v17 =	vtrunc.f32 v17;
	v24 =	vld [tilespmem:s20+$0x60]  }
0x15a: {  	v14 =	vadd.f32 v14, v4;
	v11 =	vadd.f32 v11, v4;
	v17 =	vcvt.f32.s32 v17;
	v25 =	vld [tilespmem:s20+$0xFFFFFFB0]  }
0x15b: {  	v15 =	vadd.f32 v15, v4;
	v16 =	vtrunc.f32 v16;
	v22 =	vmul.f32 v22, v5;
	v26 =	vld [tilespmem:s20+$0x0]  }
0x15c: {  	v14 =	vmin.f32 v14, v2;
	v11 =	vmin.f32 v11, v2;
	[tilespmem:v12+s15+$0x0] =	vst.idx.add.s32.msk $0xffff, v3;
	v12 =	vtrunc.f32 v20  }
0x15d: {  	v16 =	vcvt.f32.s32 v16;
	v20 =	vadd.f32 v22, v4;
	v11 =	vtrunc.f32 v11;
	v22 =	vld [tilespmem:s20+$0xFFFFFFC0]  }
0x15e: {  	v9 =	vmul.f32 v9, v5;
	v12 =	vcvt.f32.s32 v12;
	v27 =	vld [tilespmem:s20+$0x30]  }
0x15f: {  	v15 =	vmin.f32 v15, v2;
	v14 =	vtrunc.f32 v14;
	v20 =	vmin.f32 v20, v2;
	[tilespmem:v19+s15+$0x0] =	vst.idx.add.s32.msk $0xffff, v3  }
0x160: {  	v15 =	vtrunc.f32 v15;
	v9 =	vadd.f32 v9, v4;
	v19 =	vtrunc.f32 v20;
	v20 =	vld [tilespmem:s20+$0xFFFFFFE0]  }
0x161: {  	v8 =	vcvt.f32.s32 v8;
	[tilespmem:v10+s15+$0x0] =	vst.idx.add.s32.msk $0xffff, v3;
	v10 =	vcvt.f32.s32 v15  }
0x162: {  	v21 =	vmul.f32 v21, v5;
	v9 =	vmin.f32 v9, v2;
	v14 =	vcvt.f32.s32 v14;
	v15 =	vld [tilespmem:s20+$0x10]  }
0x163: {  	v11 =	vcvt.f32.s32 v11;
	v9 =	vtrunc.f32 v9;
	[tilespmem:v16+s15+$0x0] =	vst.idx.add.s32.msk $0xffff, v3  }
0x164: {  	v9 =	vcvt.f32.s32 v9;
	[tilespmem:v18+s15+$0x0] =	vst.idx.add.s32.msk $0xffff, v3  }
0x165: {  	v16 =	vmul.f32 v22, v5;
	v18 =	vmul.f32 v20, v5;
	[tilespmem:v7+s15+$0x0] =	vst.idx.add.s32.msk $0xffff, v3  }
0x166: {  	v7 =	vmul.f32 v25, v5;
	[tilespmem:v12+s15+$0x0] =	vst.idx.add.s32.msk $0xffff, v3  }
0x167: {  	v19 =	vcvt.f32.s32 v19;
	v12 =	vadd.f32 v16, v4;
	v16 =	vadd.f32 v21, v4;
	[tilespmem:v10+s15+$0x0] =	vst.idx.add.s32.msk $0xffff, v3  }
0x168: {  	v10 =	vmul.f32 v13, v5;
	v13 =	vmul.f32 v15, v5;
	[tilespmem:v8+s15+$0x0] =	vst.idx.add.s32.msk $0xffff, v3  }
0x169: {  	v8 =	vadd.f32 v18, v4;
	[tilespmem:v14+s15+$0x0] =	vst.idx.add.s32.msk $0xffff, v3  }
0x16a: {  	v14 =	vadd.f32 v10, v4;
	v10 =	vmin.f32 v12, v2;
	[tilespmem:v9+s15+$0x0] =	vst.idx.add.s32.msk $0xffff, v3  }
0x16b: {  	v12 =	vmin.f32 v16, v2;
	v10 =	vtrunc.f32 v10;
	v9 =	vadd.f32 v13, v4;
	[tilespmem:v17+s15+$0x0] =	vst.idx.add.s32.msk $0xffff, v3  }
0x16c: {  	v7 =	vadd.f32 v7, v4;
	v13 =	vmin.f32 v14, v2;
	[tilespmem:v6+s15+$0x0] =	vst.idx.add.s32.msk $0xffff, v3  }
0x16d: {  	v6 =	vtrunc.f32 v13;
	v9 =	vmin.f32 v9, v2;
	v13 =	vtrunc.f32 v12;
	[tilespmem:v11+s15+$0x0] =	vst.idx.add.s32.msk $0xffff, v3  }
0x16e: {  	v7 =	vmin.f32 v7, v2;
	v6 =	vcvt.f32.s32 v6;
	v12 =	vtrunc.f32 v9;
	v16 =	vld [tilespmem:s20+$0x20]  }
.Ltmp4:
0x16f: {  	v7 =	vtrunc.f32 v7;
	v8 =	vmin.f32 v8, v2;
	v9 =	vmul.f32 v26, v5;
	[tilespmem:v19+s15+$0x0] =	vst.idx.add.s32.msk $0xffff, v3;
	(pc) =	sbr.rel @p0 .LBB2_9-.Ltmp4, $4  }
0x170: {  	v7 =	vcvt.f32.s32 v7;
	v13 =	vcvt.f32.s32 v13;
	v15 =	vld [tilespmem:s20+$0xFFFFFFD0]  }
0x171: {  	v18 =	vmul.f32 v24, v5;
	v8 =	vtrunc.f32 v8;
	v14 =	vld [tilespmem:s20+$0x70]  }
0x172: {  	v20 =	vmul.f32 v23, v5;
	v19 =	vadd.f32 v9, v4;
	v11 =	vld [tilespmem:s20+$0xFFFFFFA0]  }
0x173: {  	v18 =	vadd.f32 v18, v4;
	v9 =	vld [tilespmem:s20+$0xFFFFFFF0];
	v17 =	vmul.f32 v16, v5;
	v16 =	vmul.f32 v27, v5;
	s20 =	sadd.s32 $0x100, s20  }
0x174: {  	v10 =	vcvt.f32.s32 v10;
	v19 =	vmin.f32 v19, v2  }
0x175: {  	v20 =	vadd.f32 v20, v4;
	v12 =	vcvt.f32.s32 v12;
	v8 =	vcvt.f32.s32 v8  }
0x176: {  	v15 =	vmul.f32 v15, v5;
	v16 =	vadd.f32 v16, v4;
	v19 =	vtrunc.f32 v19  }
0x177: {  	v17 =	vadd.f32 v17, v4;
	v18 =	vmin.f32 v18, v2;
	v19 =	vcvt.f32.s32 v19  }
0x178: {  	v18 =	vtrunc.f32 v18;
	v14 =	vmul.f32 v14, v5;
	v20 =	vmin.f32 v20, v2  }
0x179: {  	v16 =	vmin.f32 v16, v2;
	v17 =	vmin.f32 v17, v2;
	v18 =	vcvt.f32.s32 v18  }
0x17a: {  	[tilespmem:v13+s15+$0x0] =	vst.idx.add.s32.msk $0xffff, v3;
	v15 =	vadd.f32 v15, v4;
	v57 =	vtrunc.f32 v20;
	v16 =	vtrunc.f32 v16  }
0x17b: {  	[tilespmem:v7+s15+$0x0] =	vst.idx.add.s32.msk $0xffff, v3;
	v9 =	vmul.f32 v9, v5;
	v56 =	vadd.f32 v14, v4;
	v58 =	vcvt.f32.s32 v57  }
0x17c: {  	[tilespmem:v6+s15+$0x0] =	vst.idx.add.s32.msk $0xffff, v3;
	v5 =	vmul.f32 v11, v5;
	v62 =	vtrunc.f32 v17;
	v15 =	vmin.f32 v15, v2  }
0x17d: {  	v16 =	vcvt.f32.s32 v16;
	[tilespmem:v12+s15+$0x0] =	vst.idx.add.s32.msk $0xffff, v3;
	v59 =	vtrunc.f32 v15;
	v9 =	vadd.f32 v9, v4  }
0x17e: {  	v60 =	vmin.f32 v56, v2;
	[tilespmem:v10+s15+$0x0] =	vst.idx.add.s32.msk $0xffff, v3;
	v4 =	vadd.f32 v5, v4;
	v10 =	vcvt.f32.s32 v62  }
0x17f: {  	[tilespmem:v8+s15+$0x0] =	vst.idx.add.s32.msk $0xffff, v3;
	v61 =	vcvt.f32.s32 v59;
	v11 =	vtrunc.f32 v60;
	v9 =	vmin.f32 v9, v2  }
0x180: {  	[tilespmem:v19+s15+$0x0] =	vst.idx.add.s32.msk $0xffff, v3;
	v5 =	vcvt.f32.s32 v11;
	v4 =	vmin.f32 v4, v2;
	v9 =	vtrunc.f32 v9  }
0x181: {  	[tilespmem:v18+s15+$0x0] =	vst.idx.add.s32.msk $0xffff, v3;
	v4 =	vtrunc.f32 v4;
	v9 =	vcvt.f32.s32 v9  }
0x182: {  	[tilespmem:v58+s15+$0x0] =	vst.idx.add.s32.msk $0xffff, v3;
	v4 =	vcvt.f32.s32 v4  }
0x183: {  	[tilespmem:v16+s15+$0x0] =	vst.idx.add.s32.msk $0xffff, v3  }
0x184: {  	[tilespmem:v10+s15+$0x0] =	vst.idx.add.s32.msk $0xffff, v3  }
0x185: {  	[tilespmem:v61+s15+$0x0] =	vst.idx.add.s32.msk $0xffff, v3  }
0x186: {  	[tilespmem:v5+s15+$0x0] =	vst.idx.add.s32.msk $0xffff, v3  }
0x187: {  	[tilespmem:v9+s15+$0x0] =	vst.idx.add.s32.msk $0xffff, v3  }
0x188: {  	[tilespmem:v4+s15+$0x0] =	vst.idx.add.s32.msk $0xffff, v3  }
0x189: {  	v11 =	vld [tilespmem:$0x6000]  }
0x18a: {  	v9 =	vld [tilespmem:$0x6080]  }
0x18b: {  	v10 =	vld [tilespmem:$0x6100]  }
0x18c: {  	v13 =	vld [tilespmem:$0x6180]  }
0x18d: {  	v14 =	vld [tilespmem:$0x6200]  }
0x18e: {  	v16 =	vld [tilespmem:$0x6280]  }
0x18f: {  	v18 =	vld [tilespmem:$0x6300]  }
0x190: {  	v19 =	vld [tilespmem:$0x6380]  }
0x191: {  	v21 =	vld [tilespmem:$0x6400]  }
0x192: {  	v43 =	vld [tilespmem:$0x6480]  }
0x193: {  	v44 =	vld [tilespmem:$0x6500]  }
0x194: {  	v47 =	vld [tilespmem:$0x6580]  }
0x195: {  	v49 =	vld [tilespmem:$0x6600]  }
0x196: {  	v1 =	vld [tilespmem:$0x6680]  }
0x197: {  	v23 =	vld [tilespmem:$0x6010]  }
0x198: {  	v24 =	vld [tilespmem:$0x6090]  }
0x199: {  	v25 =	vld [tilespmem:$0x6110]  }
0x19a: {  	v26 =	vld [tilespmem:$0x6190]  }
0x19b: {  	v27 =	vld [tilespmem:$0x6210]  }
0x19c: {  	v28 =	vld [tilespmem:$0x6290]  }
0x19d: {  	v29 =	vld [tilespmem:$0x6310]  }
0x19e: {  	v30 =	vld [tilespmem:$0x6390]  }
0x19f: {  	v31 =	vld [tilespmem:$0x6410]  }
0x1a0: {  	v32 =	vld [tilespmem:$0x6490]  }
0x1a1: {  	v33 =	vld [tilespmem:$0x6510]  }
0x1a2: {  	v34 =	vld [tilespmem:$0x6590]  }
0x1a3: {  	v35 =	vld [tilespmem:$0x6610]  }
0x1a4: {  	v36 =	vld [tilespmem:$0x6690]  }
0x1a5: {  	v37 =	vld [tilespmem:$0x6710]  }
0x1a6: {  	v38 =	vld [tilespmem:$0x6790]  }
0x1a7: {  	v39 =	vld [tilespmem:$0x6020]  }
0x1a8: {  	v40 =	vld [tilespmem:$0x60A0]  }
0x1a9: {  	v41 =	vld [tilespmem:$0x6120]  }
0x1aa: {  	v42 =	vld [tilespmem:$0x61A0]  }
0x1ab: {  	v46 =	vld [tilespmem:$0x6220]  }
0x1ac: {  	[tilespmem:$0x1FE40] =	vst v1;
	v1 =	vld [tilespmem:$0x6700]  }
0x1ad: {  	v50 =	vld [tilespmem:$0x62A0]  }
0x1ae: {  	v52 =	vld [tilespmem:$0x6030]  }
0x1af: {  	v53 =	vld [tilespmem:$0x60B0]  }
0x1b0: {  	v54 =	vld [tilespmem:$0x6130]  }
0x1b1: {  	[tilespmem:$0x1FE50] =	vst v1;
	v1 =	vld [tilespmem:$0x6780]  }
0x1b2: {  	v55 =	vld [tilespmem:$0x61B0]  }
0x1b3: {  	v56 =	vld [tilespmem:$0x6230]  }
0x1b4: {  	v57 =	vld [tilespmem:$0x62B0]  }
0x1b5: {  	v58 =	vld [tilespmem:$0x6330]  }
0x1b6: {  	[tilespmem:$0x1FE60] =	vst v1;
	v1 =	vld [tilespmem:$0x6320]  }
0x1b7: {  	v59 =	vld [tilespmem:$0x63B0]  }
0x1b8: {  	v60 =	vld [tilespmem:$0x6430]  }
0x1b9: {  	v61 =	vld [tilespmem:$0x64B0]  }
0x1ba: {  	v4 =	vld [tilespmem:$0x6040]  }
0x1bb: {  	[tilespmem:$0x1FE70] =	vst v1;
	v1 =	vld [tilespmem:$0x63A0]  }
0x1bc: {  	v5 =	vld [tilespmem:$0x6140]  }
0x1bd: {  	v6 =	vld [tilespmem:$0x61C0]  }
0x1be: {  	v7 =	vld [tilespmem:$0x6240]  }
0x1bf: {  	v8 =	vld [tilespmem:$0x62C0]  }
0x1c0: {  	[tilespmem:$0x1FE80] =	vst v1;
	v1 =	vld [tilespmem:$0x6420]  }
0x1c1: {  	v12 =	vld [tilespmem:$0x6340]  }
0x1c2: {  	v15 =	vld [tilespmem:$0x63C0]  }
0x1c3: {  	v17 =	vld [tilespmem:$0x6440]  }
0x1c4: {  	v20 =	vld [tilespmem:$0x64C0]  }
0x1c5: {  	[tilespmem:$0x1FE90] =	vst v1;
	v1 =	vld [tilespmem:$0x64A0]  }
0x1c6: {  	v22 =	vld [tilespmem:$0x6540]  }
0x1c7: {  	v45 =	vld [tilespmem:$0x65C0]  }
0x1c8: {  	v63 =	vld [tilespmem:$0x67C0]  }
0x1c9: {  	v51 =	vld [tilespmem:$0x6740]  }
0x1ca: {  	[tilespmem:$0x1FEA0] =	vst v1;
	v1 =	vld [tilespmem:$0x6520]  }
0x1cb: {  	v48 =	vld [tilespmem:$0x6640]  }
0x1cc: {  	v62 =	vld [tilespmem:$0x66C0]  }
0x1cd: {  	[tilespmem:$0x1FF90] =	vst v63;
	v63 =	vld [tilespmem:$0x6050]  }
0x1ce: {  	[tilespmem:$0x1FF70] =	vst v51;
	v51 =	vld [tilespmem:$0x6150]  }
0x1cf: {  	[tilespmem:$0x1FEB0] =	vst v1;
	v1 =	vld [tilespmem:$0x65A0]  }
0x1d0: {  	v9 =	vadd.s32 v11, v9;
	v11 =	vld [tilespmem:$0x63D0]  }
0x1d1: {  	v24 =	vadd.s32 v23, v24;
	v23 =	vld [tilespmem:$0x6450]  }
0x1d2: {  	v9 =	vadd.s32 v10, v9;
	v10 =	vadd.s32 v25, v24;
	v24 =	vld [tilespmem:$0x64D0]  }
0x1d3: {  	v25 =	vld [tilespmem:$0x6550]  }
0x1d4: {  	[tilespmem:$0x1FEC0] =	vst v1;
	v1 =	vld [tilespmem:$0x6620]  }
0x1d5: {  	v9 =	vadd.s32 v13, v9;
	v13 =	vld [tilespmem:$0x66D0]  }
0x1d6: {  	v10 =	vadd.s32 v26, v10;
	v26 =	vld [tilespmem:$0x60E0];
	v9 =	vadd.s32 v14, v9  }
0x1d7: {  	v10 =	vadd.s32 v27, v10;
	v9 =	vadd.s32 v16, v9;
	v16 =	vld [tilespmem:$0x65D0]  }
0x1d8: {  	v27 =	vadd.s32 v28, v10;
	v10 =	vld [tilespmem:$0x6650]  }
0x1d9: {  	[tilespmem:$0x1FEE0] =	vst v1;
	v1 =	vld [tilespmem:$0x66A0]  }
0x1da: {  	[tilespmem:$0x1FF80] =	vst v63;
	v63 =	vld [tilespmem:$0x60D0]  }
0x1db: {  	[tilespmem:$0x1FFA0] =	vst v51;
	v51 =	vld [tilespmem:$0x61D0]  }
0x1dc: {  	v28 =	vadd.s32 v29, v27;
	v27 =	vld [tilespmem:$0x6160]  }
0x1dd: {  	v14 =	vadd.s32 v30, v28;
	v28 =	vld [tilespmem:$0x61E0]  }
0x1de: {  	v40 =	vadd.s32 v39, v40;
	v9 =	vadd.s32 v18, v9;
	[tilespmem:$0x1FF00] =	vst v1;
	v1 =	vld [tilespmem:$0x6720]  }
0x1df: {  	v9 =	vadd.s32 v19, v9;
	v30 =	vadd.s32 v41, v40;
	v41 =	vadd.s32 v52, v53;
	v53 =	vld [tilespmem:$0x6070]  }
0x1e0: {  	v29 =	vadd.s32 v21, v9;
	v9 =	vld [tilespmem:$0x6750]  }
0x1e1: {  	v31 =	vadd.s32 v31, v14;
	v14 =	vld [tilespmem:$0x67D0]  }
0x1e2: {  	v21 =	vld [tilespmem:$0x6060]  }
0x1e3: {  	[tilespmem:$0x1FF20] =	vst v1;
	v1 =	vld [tilespmem:$0x67A0]  }
0x1e4: {  	v18 =	vadd.s32 v43, v29;
	v29 =	vld [tilespmem:$0x6260]  }
0x1e5: {  	v19 =	vadd.s32 v32, v31;
	v31 =	vld [tilespmem:$0x62E0]  }
0x1e6: {  	v19 =	vadd.s32 v33, v19;
	v33 =	vld [tilespmem:$0x6360]  }
0x1e7: {  	[tilespmem:$0x1FFB0] =	vst v51;
	v51 =	vld [tilespmem:$0x6250]  }
0x1e8: {  	v32 =	vadd.s32 v54, v41;
	[tilespmem:$0x1FF40] =	vst v1;
	v1 =	vld [tilespmem:$0x6530]  }
0x1e9: {  	v32 =	vadd.s32 v55, v32;
	v19 =	vadd.s32 v34, v19;
	v34 =	vld [tilespmem:$0x1FE40]  }
0x1ea: {  	v32 =	vadd.s32 v56, v32;
	v56 =	vld [tilespmem:$0x60F0]  }
0x1eb: {  	v19 =	vadd.s32 v35, v19;
	v35 =	vld [tilespmem:$0x1FE50]  }
0x1ec: {  	v19 =	vadd.s32 v36, v19;
	v36 =	vld [tilespmem:$0x1FE60]  }
0x1ed: {  	[tilespmem:$0x1FED0] =	vst v1;
	v1 =	vld [tilespmem:$0x65B0]  }
0x1ee: {  	[tilespmem:$0x1FFC0] =	vst v51;
	v51 =	vld [tilespmem:$0x62D0]  }
0x1ef: {  	v30 =	vadd.s32 v42, v30;
	v32 =	vadd.s32 v57, v32;
	v42 =	vld [tilespmem:$0x1FE70]  }
0x1f0: {  	v32 =	vadd.s32 v58, v32;
	v43 =	vld [tilespmem:$0x1FE80]  }
0x1f1: {  	v32 =	vadd.s32 v59, v32;
	v59 =	vld [tilespmem:$0x6170]  }
0x1f2: {  	v30 =	vadd.s32 v46, v30;
	[tilespmem:$0x1FEF0] =	vst v1;
	v1 =	vld [tilespmem:$0x6630]  }
0x1f3: {  	v30 =	vadd.s32 v50, v30;
	[tilespmem:$0x1FFD0] =	vst v51;
	v51 =	vld [tilespmem:$0x6350]  }
0x1f4: {  	v18 =	vadd.s32 v44, v18;
	v30 =	vadd.s32 v42, v30;
	v44 =	vld [tilespmem:$0x1FE90]  }
0x1f5: {  	v30 =	vadd.s32 v43, v30;
	v43 =	vld [tilespmem:$0x1FF70]  }
0x1f6: {  	v46 =	vld [tilespmem:$0x1FEA0]  }
0x1f7: {  	[tilespmem:$0x1FF10] =	vst v1;
	v1 =	vld [tilespmem:$0x66B0]  }
0x1f8: {  	v18 =	vadd.s32 v47, v18;
	v47 =	vld [tilespmem:$0x1FEB0]  }
0x1f9: {  	v30 =	vadd.s32 v44, v30;
	v44 =	vld [tilespmem:$0x1FF80]  }
0x1fa: {  	v18 =	vadd.s32 v49, v18;
	v49 =	vld [tilespmem:$0x1FEC0]  }
0x1fb: {  	v30 =	vadd.s32 v46, v30;
	v46 =	vld [tilespmem:$0x1FF90]  }
0x1fc: {  	[tilespmem:$0x1FF30] =	vst v1;
	v1 =	vld [tilespmem:$0x6730]  }
0x1fd: {  	v30 =	vadd.s32 v47, v30;
	v47 =	vld [tilespmem:$0x1FFA0]  }
0x1fe: {  	[tilespmem:$0x1FFE0] =	vst v51;
	v51 =	vld [tilespmem:$0x1FEE0]  }
0x1ff: {  	v30 =	vadd.s32 v49, v30;
	v49 =	vld [tilespmem:$0x1FFB0]  }
0x200: {  	v54 =	vld [tilespmem:$0x1FF00]  }
0x201: {  	[tilespmem:$0x1FF50] =	vst v1;
	v1 =	vld [tilespmem:$0x67B0]  }
0x202: {  	v57 =	vld [tilespmem:$0x1FF20]  }
0x203: {  	v30 =	vadd.s32 v51, v30;
	v51 =	vld [tilespmem:$0x1FFC0]  }
0x204: {  	v32 =	vadd.s32 v60, v32;
	v60 =	vld [tilespmem:$0x1FF40]  }
0x205: {  	v30 =	vadd.s32 v54, v30;
	v54 =	vld [tilespmem:$0x6470]  }
0x206: {  	[tilespmem:$0x1FF60] =	vst v1;
	v1 =	vld [tilespmem:$0x60C0]  }
0x207: {  	v30 =	vadd.s32 v57, v30;
	v57 =	vld [tilespmem:$0x6570]  }
0x208: {  	v50 =	vld [tilespmem:$0x1FED0]  }
0x209: {  	v30 =	vadd.s32 v60, v30;
	v60 =	vld [tilespmem:$0x6670]  }
0x20a: {  	v52 =	vld [tilespmem:$0x1FEF0]  }
0x20b: {  	v55 =	vld [tilespmem:$0x1FF10];
	v1 =	vadd.s32 v4, v1  }
0x20c: {  	v58 =	vld [tilespmem:$0x1FF30];
	v1 =	vadd.s32 v5, v1  }
0x20d: {  	v32 =	vadd.s32 v61, v32;
	v61 =	vld [tilespmem:$0x1FF50];
	v1 =	vadd.s32 v6, v1  }
0x20e: {  	v32 =	vadd.s32 v50, v32;
	v50 =	vld [tilespmem:$0x6370];
	v1 =	vadd.s32 v7, v1  }
0x20f: {  	v32 =	vadd.s32 v52, v32;
	v52 =	vld [tilespmem:$0x63F0];
	v1 =	vadd.s32 v8, v1  }
0x210: {  	v32 =	vadd.s32 v55, v32;
	v55 =	vld [tilespmem:$0x1FFE0];
	v1 =	vadd.s32 v12, v1  }
0x211: {  	v32 =	vadd.s32 v58, v32;
	v42 =	vld [tilespmem:$0x1FF60];
	v1 =	vadd.s32 v15, v1  }
0x212: {  	v32 =	vadd.s32 v61, v32;
	v61 =	vld [tilespmem:$0x66F0];
	v1 =	vadd.s32 v17, v1  }
0x213: {  	v4 =	vld [tilespmem:$0x63E0];
	v1 =	vadd.s32 v20, v1  }
0x214: {  	v5 =	vld [tilespmem:$0x6460];
	v1 =	vadd.s32 v22, v1  }
0x215: {  	v21 =	vadd.s32 v21, v26;
	v6 =	vld [tilespmem:$0x64E0];
	v1 =	vadd.s32 v45, v1  }
0x216: {  	v19 =	vadd.s32 v37, v19;
	v22 =	vadd.s32 v53, v56;
	v53 =	vld [tilespmem:$0x1FFD0];
	v1 =	vadd.s32 v48, v1  }
0x217: {  	v21 =	vadd.s32 v27, v21;
	v19 =	vadd.s32 v38, v19;
	v1 =	vadd.s32 v62, v1;
	v62 =	vld [tilespmem:$0x61F0]  }
0x218: {  	v21 =	vadd.s32 v28, v21;
	v18 =	vadd.s32 v34, v18;
	v37 =	vadd.s32 v44, v63;
	v45 =	vld [tilespmem:$0x6270]  }
0x219: {  	v21 =	vadd.s32 v29, v21;
	v18 =	vadd.s32 v35, v18;
	v37 =	vadd.s32 v47, v37;
	v48 =	vld [tilespmem:$0x62F0]  }
0x21a: {  	v21 =	vadd.s32 v31, v21;
	v18 =	vadd.s32 v36, v18;
	v37 =	vadd.s32 v49, v37;
	v7 =	vld [tilespmem:$0x6560]  }
0x21b: {  	v21 =	vadd.s32 v33, v21;
	v34 =	vadd.s32 v51, v37;
	v8 =	vld [tilespmem:$0x65E0];
	v22 =	vadd.s32 v59, v22  }
0x21c: {  	v32 =	vadd.s32 v42, v32;
	v12 =	vld [tilespmem:$0x6660];
	v34 =	vadd.s32 v53, v34;
	v22 =	vadd.s32 v62, v22  }
0x21d: {  	v4 =	vadd.s32 v4, v21;
	v56 =	vld [tilespmem:$0x64F0];
	v34 =	vadd.s32 v55, v34;
	v22 =	vadd.s32 v45, v22  }
0x21e: {  	v15 =	vld [tilespmem:$0x66E0];
	v4 =	vadd.s32 v5, v4;
	v11 =	vadd.s32 v11, v34;
	v22 =	vadd.s32 v48, v22  }
0x21f: {  	v4 =	vadd.s32 v6, v4;
	v59 =	vld [tilespmem:$0x65F0];
	v11 =	vadd.s32 v23, v11;
	v58 =	vadd.s32 v50, v22  }
0x220: {  	v17 =	vld [tilespmem:$0x6760];
	v4 =	vadd.s32 v7, v4;
	v11 =	vadd.s32 v24, v11;
	v5 =	vadd.s32 v52, v58  }
0x221: {  	v20 =	vld [tilespmem:$0x67E0];
	v4 =	vadd.s32 v8, v4;
	v11 =	vadd.s32 v25, v11;
	v5 =	vadd.s32 v54, v5  }
0x222: {  	[tilespmem:$0x6890] =	vst v19;
	v4 =	vadd.s32 v12, v4;
	v62 =	vld [tilespmem:$0x6770];
	v11 =	vadd.s32 v16, v11;
	v5 =	vadd.s32 v56, v5  }
0x223: {  	[tilespmem:$0x6880] =	vst v18;
	v63 =	vld [tilespmem:$0x67F0];
	v4 =	vadd.s32 v15, v4;
	v10 =	vadd.s32 v10, v11;
	v5 =	vadd.s32 v57, v5  }
0x224: {  	[tilespmem:$0x68A0] =	vst v30;
	v1 =	vadd.s32 v43, v1;
	v10 =	vadd.s32 v13, v10;
	v5 =	vadd.s32 v59, v5  }
0x225: {  	[tilespmem:$0x68B0] =	vst v32;
	v1 =	vadd.s32 v46, v1;
	v9 =	vadd.s32 v9, v10;
	v5 =	vadd.s32 v60, v5  }
0x226: {  	v4 =	vadd.s32 v17, v4;
	[tilespmem:$0x68C0] =	vst v1;
	v1 =	vadd.s32 v14, v9;
	v5 =	vadd.s32 v61, v5  }
0x227: {  	s18 =	sadd.s32 $0x1, s18;
	[tilespmem:$0x68D0] =	vst v1;
	v1 =	vadd.s32 v20, v4;
	v4 =	vadd.s32 v62, v5  }
0x228: {  	p0 =	sne.s32 s18, s10;
	[tilespmem:$0x68E0] =	vst v1;
	v1 =	vadd.s32 v63, v4  }
.Ltmp5:
0x229: {  	[tilespmem:$0x68F0] =	vst v1;
	(pc) =	sbr.rel @p0 .LBB2_1-.Ltmp5, $4  }
0x22a: {  	[hbm4b:s9+s1] =	stream.linear.scatter [tilespmem:s17], [sflag:$0x3], $0x80, $0x38;
	[tilespmem:$0x6900] =	vst v63  }
0x22b: {  	_ =	swait.ge [sflag:s12], $0x80  }
0x22c: {  	[sflag:s12] =	ssyncset.done $0x0  }
0x22d: {  	[sflag:s12] =	ssyncadd.s32 $0xFFFFFF80  }
0x22e: {  	_ =	sfence.sel $0x180000  }
0x22f: {  	[bflag:$0x0] =	sbarrier.arrive $0xFFFF  }
0x230: {  	p0 =	sne.s32 s2, $0x0;
	_ =	strace $0x90000047  }
0x231: {  	s0 =	sadd.s32 @!p0 $0x100000, s0;
	[bflag:$0x2] =	sbarrier.arrive $0xFFFF  }
0x232: {  	[sflag:s0] =	ssyncadd.tile.s32 @!p0 $0x1;
	_ =	shalt  }
.Lfunc_end2:
_tile_overlayer_lowered:
.L_overlay_start_2:
0x233: {  	(tag) =	ssettag $0x2  }
0x234: {  	s0 =	rddreg [dreg:$0x0];
	s2 =	stileid.u32  }
0x235: {  	s1 =	rddreg [dreg:$0x1];
	p0 =	sne.s32 s2, $0x0  }
0x236: {  	s3 =	rddreg [dreg:$0x2];
	[bflag:$0x3] =	sbarrier.arrive $0xFFFF;
	s2 =	simm.s32 @!p0 $0x1C03  }
0x237: {  	[timem:s3], [sflag:s2] =	dma.local @!p0 [hbm:s0], s1  }
0x238: {  	s0 =	simm.s32 @!p0 $0x3  }
0x239: {  	_ =	swait.ge @!p0 [sflag:s0], s1  }
0x23a: {  	s1 =	ssub.s32 @!p0 $0x0, s1;
	[sflag:s0] =	ssyncset.done @!p0 $0x0  }
0x23b: {  	[sflag:s0] =	ssyncadd.s32 @!p0 s1  }
0x23c: {  	[bflag:$0x3] =	sbarrier.arrive $0xFFFF  }
0x23d: {  	_ =	shalt  }

</sc_bundles>
